<compile_context>
chip_gen: v7x
topology: tpu7x:2x2x1
jax: 0.10.2.dev20260603
libtpu: 0.0.44.dev20260713+nightly
codegen_flags: <defaults>
</compile_context>

<pallas_src>
import functools

import jax
import jax.numpy as jnp
from jax import lax
from jax.experimental import pallas as pl
from jax.experimental.pallas import tpu as pltpu
from jax.experimental.pallas import tpu_sc as plsc

N_S = 10000
N_W = 10000
E = 320000
OUT = 128
L = 16
NC = 2
NSUB = 16
NTILE = NC * NSUB
EDGES_PER_TILE = E // NTILE
CHUNK = 80
NCHUNK = EDGES_PER_TILE // CHUNK
ROWS_PER_TILE = 640
ROW_LAST = N_W - ROWS_PER_TILE


def _mm_body(x_ref, w_ref, o_ref):
    o_ref[...] = jnp.dot(x_ref[...], w_ref[...],
                         preferred_element_type=jnp.float32)


def _matmul(x, w, blk):
    m, k = x.shape
    _, n = w.shape
    return pl.pallas_call(
        _mm_body,
        grid=(m // blk,),
        in_specs=[pl.BlockSpec((blk, k), lambda i: (i, 0)),
                  pl.BlockSpec((k, n), lambda i: (0, 0))],
        out_specs=pl.BlockSpec((blk, n), lambda i: (i, 0)),
        out_shape=jax.ShapeDtypeStruct((m, n), jnp.float32),
    )(x, w)


def _mm_bias_body(x_ref, w_ref, b_ref, o_ref):
    o_ref[...] = jnp.dot(x_ref[...], w_ref[...],
                         preferred_element_type=jnp.float32) + b_ref[...]


def _matmul_bias(x, w, b, blk):
    m, k = x.shape
    _, n = w.shape
    return pl.pallas_call(
        _mm_bias_body,
        grid=(m // blk,),
        in_specs=[pl.BlockSpec((blk, k), lambda i: (i, 0)),
                  pl.BlockSpec((k, n), lambda i: (0, 0)),
                  pl.BlockSpec((1, n), lambda i: (0, 0))],
        out_specs=pl.BlockSpec((blk, n), lambda i: (i, 0)),
        out_shape=jax.ShapeDtypeStruct((m, n), jnp.float32),
    )(x, w, b.reshape(1, n))


_MESH = plsc.VectorSubcoreMesh(core_axis_name="c", subcore_axis_name="s")


@functools.partial(
    pl.kernel,
    out_type=(jax.ShapeDtypeStruct((NC, N_W, OUT), jnp.float32),
              jax.ShapeDtypeStruct((NTILE, N_W), jnp.float32)),
    mesh=_MESH,
    compiler_params=pltpu.CompilerParams(needs_layout_passes=False),
    scratch_types=[
        pltpu.VMEM((CHUNK,), jnp.int32),
        pltpu.VMEM((CHUNK,), jnp.int32),
        pltpu.VMEM((CHUNK, OUT), jnp.float32),
        pltpu.VMEM((CHUNK, OUT), jnp.float32),
        pltpu.VMEM((CHUNK, OUT), jnp.float32),
        pltpu.VMEM((N_W,), jnp.float32),
        pltpu.VMEM((L * L,), jnp.float32),
        pltpu.VMEM((L,), jnp.float32),
        pltpu.VMEM((OUT,), jnp.float32),
        pltpu.VMEM((CHUNK,), jnp.int32),
        pltpu.SemaphoreType.DMA,
        pltpu.SemaphoreType.DMA,
        pltpu.SemaphoreType.DMA,
        pltpu.SemaphoreType.DMA,
        pltpu.SemaphoreType.DMA,
        pltpu.VMEM_SHARED((N_W, OUT), jnp.float32),
    ],
)
def _edge_kernel(z_hbm, z1_hbm, dfeat_hbm, src_hbm, dst_hbm, wattn_hbm,
                 zacc_hbm, acc_out, den_out,
                 srcv, dstv, zv, z1v, dfv, denv, redv, eegv, wav, rowsv,
                 sem_a, sem_b, sem_c, sem_d, sem_e, acc_sh):
    c = lax.axis_index("c")
    s = lax.axis_index("s")
    wid = s * NC + c
    r0 = pl.multiple_of(jnp.minimum(s * ROWS_PER_TILE, ROW_LAST), 8)

    pltpu.sync_copy(wattn_hbm, wav)

    lane16 = lax.iota(jnp.int32, L)

    def _fill_rows(jb):
        for q in range(CHUNK // L):
            rowsv[pl.ds(q * L, L)] = r0 + jb * CHUNK + q * L + lane16

    pltpu.sync_copy(zacc_hbm, zv)
    for jb in range(8):
        _fill_rows(jb)
        pltpu.sync_copy(zv, acc_sh.at[rowsv])

    zero16 = jnp.zeros((L,), jnp.float32)

    def zinit(q, carry):
        denv[pl.ds(pl.multiple_of(q * L, 8), L)] = zero16
        return carry

    lax.fori_loop(0, N_W // L, zinit, 0)
    plsc.subcore_barrier()

    base0 = wid * EDGES_PER_TILE
    was = [wav[pl.ds(v * L, L)] for v in range(OUT // L)]

    def chunk_body(t, carry):
        base = pl.multiple_of(base0 + t * CHUNK, 8)
        cp_src = pltpu.async_copy(src_hbm.at[pl.ds(base, CHUNK)], srcv,
                                  sem_a)
        cp_dst = pltpu.async_copy(dst_hbm.at[pl.ds(base, CHUNK)], dstv,
                                  sem_b)
        cp_df = pltpu.async_copy(dfeat_hbm.at[pl.ds(base, CHUNK)], dfv,
                                 sem_c)
        cp_src.wait()
        cp_dst.wait()
        g_z = pltpu.async_copy(z_hbm.at[srcv], zv, sem_d)
        g_z1 = pltpu.async_copy(z1_hbm.at[dstv], z1v, sem_e)
        cp_df.wait()
        g_z.wait()
        g_z1.wait()

        lane = lax.iota(jnp.int32, L)

        def group_body(g, carry2):
            e0 = g * L

            def edge_acc(j, carry3):
                i = e0 + j
                acc = None
                for v in range(OUT // L):
                    t2 = (zv[i, pl.ds(v * L, L)] + z1v[i, pl.ds(v * L, L)]
                          + dfv[i, pl.ds(v * L, L)])
                    t3 = jnp.maximum(t2, 0.01 * t2)
                    contrib = t3 * was[v]
                    acc = contrib if acc is None else acc + contrib
                redv[pl.ds(pl.multiple_of(j * L, 8), L)] = acc
                return carry3

            lax.fori_loop(0, L, edge_acc, 0)

            ev = None
            for j in range(L):
                col = plsc.load_gather(redv, [lane * L + j])
                ev = col if ev is None else ev + col
            eegv[:] = jnp.exp(ev)

            didx = dstv[pl.ds(pl.multiple_of(e0, 8), L)]
            eevals = eegv[:]
            for l in range(L):
                plsc.addupdate_scatter(denv, [didx], eevals,
                                       mask=lane == l)

            def edge_msg(j, carry3):
                i = e0 + j
                ee = plsc.load_gather(eegv, [jnp.full((L,), j, jnp.int32)])
                for v in range(OUT // L):
                    zv[i, pl.ds(v * L, L)] = zv[i, pl.ds(v * L, L)] * ee
                return carry3

            lax.fori_loop(0, L, edge_msg, 0)
            return carry2

        lax.fori_loop(0, CHUNK // L, group_body, 0)

        pltpu.sync_copy(zv, acc_sh.at[dstv], add=True)
        return carry

    lax.fori_loop(0, NCHUNK, chunk_body, 0)

    pltpu.sync_copy(denv, den_out.at[wid])

    plsc.subcore_barrier()

    for jb in range(8):
        _fill_rows(jb)
        off = pl.multiple_of(r0 + jb * CHUNK, 8)
        pltpu.sync_copy(acc_sh.at[rowsv], zv)
        pltpu.sync_copy(zv, acc_out.at[c, pl.ds(off, CHUNK)])


def _combine_body(acc_ref, den_ref, o_ref):
    a = acc_ref[0] + acc_ref[1]
    den = jnp.sum(den_ref[...], axis=1)[:, None]
    o_ref[...] = jnp.where(den > 0, a / den, 0.0)


def _combine(acc, den, blk=400):
    return pl.pallas_call(
        _combine_body,
        grid=(N_W // blk,),
        in_specs=[pl.BlockSpec((NC, blk, OUT), lambda i: (0, i, 0)),
                  pl.BlockSpec((blk, NTILE), lambda i: (i, 0))],
        out_specs=pl.BlockSpec((blk, OUT), lambda i: (i, 0)),
        out_shape=jax.ShapeDtypeStruct((N_W, OUT), jnp.float32),
    )(acc, den.T)


def kernel(h, o, tfidf, edge_src, edge_dst, W_fc, W_fc1, W_feat, b_feat,
           W_attn):
    z = _matmul(h, W_fc, 400)
    z1 = _matmul(o, W_fc1, 400)
    dfeat = _matmul_bias(tfidf, W_feat, b_feat, 2000)
    zacc = jnp.zeros((CHUNK, OUT), jnp.float32)
    wattn = W_attn[:, 0]
    acc, den = _edge_kernel(z, z1, dfeat, edge_src, edge_dst, wattn, zacc)
    return _combine(acc, den)

# --- scband reference (transcript-rebuilt; emitter-appended) ---
"""Pipeline reference for scband-swgatlayer-28235115003924 (READ-ONLY COPY).

The authoritative reference and input builder live on the scoring server;
editing this copy changes nothing except your own understanding.
"""

import jax, jax.numpy as jnp
import numpy as np

N_S = 10000   # sentence nodes (unit==1)
N_W = 10000   # word nodes (unit==0)
E = 320000    # sentence->word edges
IN_DIM = 128
OUT_DIM = 128
FEAT = 16
O_DIM = 300


def setup_inputs(seed: int = 0) -> dict:
    key = jax.random.key(seed)
    ks = jax.random.split(key, 10)
    h = jax.random.normal(ks[0], (N_S, IN_DIM), dtype=jnp.float32)
    o = jax.random.normal(ks[1], (N_W, O_DIM), dtype=jnp.float32)
    tfidf = jax.random.normal(ks[2], (E, FEAT), dtype=jnp.float32)
    edge_src = jax.random.randint(ks[3], (E,), 0, N_S, dtype=jnp.int32)
    edge_dst = jax.random.randint(ks[4], (E,), 0, N_W, dtype=jnp.int32)
    # learned params (stored as [in, out] so forward is x @ W)
    W_fc = jax.random.normal(ks[5], (IN_DIM, OUT_DIM), dtype=jnp.float32) * 0.05
    W_fc1 = jax.random.normal(ks[6], (O_DIM, OUT_DIM), dtype=jnp.float32) * 0.05
    W_feat = jax.random.normal(ks[7], (FEAT, OUT_DIM), dtype=jnp.float32) * 0.05
    b_feat = jnp.zeros((OUT_DIM,), dtype=jnp.float32)
    W_attn = jax.random.normal(ks[8], (OUT_DIM, 1), dtype=jnp.float32) * 0.05
    return {"h": h, "o": o, "tfidf": tfidf, "edge_src": edge_src, "edge_dst": edge_dst,
            "W_fc": W_fc, "W_fc1": W_fc1, "W_feat": W_feat, "b_feat": b_feat, "W_attn": W_attn}


def reference(h, o, tfidf, edge_src, edge_dst, W_fc, W_fc1, W_feat, b_feat, W_attn):
    # z on sentence nodes, z1 on word nodes
    z = h @ W_fc            # [N_S, OUT]
    z1 = o @ W_fc1          # [N_W, OUT]
    # edge_attention over sentence->word edges
    dfeat = tfidf @ W_feat + b_feat                 # [E, OUT]
    z2 = jnp.take(z, edge_src, axis=0) + jnp.take(z1, edge_dst, axis=0) + dfeat
    z3 = jax.nn.leaky_relu(z2, negative_slope=0.01)
    e = (z3 @ W_attn)[:, 0]                         # [E]
    # per-dst-node softmax over incoming edges (DGL pull + reduce)
    emax = jax.ops.segment_max(e, edge_dst, num_segments=N_W)
    emax = jnp.where(jnp.isfinite(emax), emax, 0.0)
    ee = jnp.exp(e - jnp.take(emax, edge_dst, axis=0))
    denom = jax.ops.segment_sum(ee, edge_dst, num_segments=N_W)
    alpha = ee / jnp.take(denom, edge_dst, axis=0)  # [E]
    msg = alpha[:, None] * jnp.take(z, edge_src, axis=0)
    sh = jax.ops.segment_sum(msg, edge_dst, num_segments=N_W)  # [N_W, OUT]
    return sh  # h[wnode_id]

if __name__ == "__main__":
    import jax
    _d = setup_inputs()
    print(jax.jit(kernel)(*tuple(_d.values())))

</pallas_src>

<mosaic_0001>
#map = affine_map<(d0, d1) -> (0, 0)>
#map1 = affine_map<(d0, d1) -> (0)>
#map2 = affine_map<(d0, d1) -> (0, 0, 0)>
module attributes {stable_mosaic.version = 14 : i64} {
  func.func @_edge_kernel(%arg0: i32, %arg1: i32, %arg2: memref<10000x128xf32, #tpu.memory_space<hbm>>, %arg3: memref<10000x128xf32, #tpu.memory_space<hbm>>, %arg4: memref<320000x128xf32, #tpu.memory_space<hbm>>, %arg5: memref<320000xi32, #tpu.memory_space<hbm>>, %arg6: memref<320000xi32, #tpu.memory_space<hbm>>, %arg7: memref<128xf32, #tpu.memory_space<hbm>>, %arg8: memref<80x128xf32, #tpu.memory_space<hbm>>, %arg9: memref<2x10000x128xf32, #tpu.memory_space<hbm>>, %arg10: memref<32x10000xf32, #tpu.memory_space<hbm>>, %arg11: memref<80xi32, #tpu.memory_space<vmem>>, %arg12: memref<80xi32, #tpu.memory_space<vmem>>, %arg13: memref<80x128xf32, #tpu.memory_space<vmem>>, %arg14: memref<80x128xf32, #tpu.memory_space<vmem>>, %arg15: memref<80x128xf32, #tpu.memory_space<vmem>>, %arg16: memref<10000xf32, #tpu.memory_space<vmem>>, %arg17: memref<256xf32, #tpu.memory_space<vmem>>, %arg18: memref<16xf32, #tpu.memory_space<vmem>>, %arg19: memref<128xf32, #tpu.memory_space<vmem>>, %arg20: memref<80xi32, #tpu.memory_space<vmem>>, %arg21: memref<!tpu.dma_semaphore, #tpu.memory_space<semaphore_mem>>, %arg22: memref<!tpu.dma_semaphore, #tpu.memory_space<semaphore_mem>>, %arg23: memref<!tpu.dma_semaphore, #tpu.memory_space<semaphore_mem>>, %arg24: memref<!tpu.dma_semaphore, #tpu.memory_space<semaphore_mem>>, %arg25: memref<!tpu.dma_semaphore, #tpu.memory_space<semaphore_mem>>, %arg26: memref<10000x128xf32, #tpu.memory_space<vmem_shared>>) attributes {dimension_semantics = [#tpu.dimension_semantics<core_parallel>, #tpu.dimension_semantics<subcore_parallel>], iteration_bounds = array<i64: 2, 16>, scalar_prefetch = 0 : i64, scratch_operands = 16 : i64, tpu.core_type = #tpu.core_type<sc_vector_subcore>, window_params = [{transform_indices = #map}, {transform_indices = #map}, {transform_indices = #map}, {transform_indices = #map1}, {transform_indices = #map1}, {transform_indices = #map1}, {transform_indices = #map}, {transform_indices = #map2}, {transform_indices = #map}]} {
    %mul3A = arith.constant 2 : i32
    %mul3A_0 = arith.muli %arg1, %mul3A : i32
    %add3A = arith.addi %mul3A_0, %arg0 : i32
    %mul3A_1 = arith.constant 640 : i32
    %mul3A_2 = arith.muli %arg1, %mul3A_1 : i32
    %min3A = arith.constant 9360 : i32
    %min3A_3 = arith.minsi %mul3A_2, %min3A : i32
    %multiple_of3A = tpu.assume_multiple %min3A_3, 8 : i32
    "tpu.region"() ({
      %run_scoped3A = tpu.sem_alloc : memref<!tpu.dma_semaphore, #tpu.memory_space<semaphore_mem>>
      tpu.enqueue_dma source(%arg7 : memref<128xf32, #tpu.memory_space<hbm>>) target(%arg19 : memref<128xf32, #tpu.memory_space<vmem>>) target_semaphore(%run_scoped3A : memref<!tpu.dma_semaphore, #tpu.memory_space<semaphore_mem>>)
      tpu.wait_dma2 semaphore(%run_scoped3A : memref<!tpu.dma_semaphore, #tpu.memory_space<semaphore_mem>>) src(%arg7 : memref<128xf32, #tpu.memory_space<hbm>>) dst(%arg19 : memref<128xf32, #tpu.memory_space<vmem>>)
      tpu.yield
    }) : () -> ()
    %iota3A = tpu.iota {dimensions = array<i32: 0>} : vector<16xi32>
    "tpu.region"() ({
      %run_scoped3A = tpu.sem_alloc : memref<!tpu.dma_semaphore, #tpu.memory_space<semaphore_mem>>
      tpu.enqueue_dma source(%arg8 : memref<80x128xf32, #tpu.memory_space<hbm>>) target(%arg13 : memref<80x128xf32, #tpu.memory_space<vmem>>) target_semaphore(%run_scoped3A : memref<!tpu.dma_semaphore, #tpu.memory_space<semaphore_mem>>)
      tpu.wait_dma2 semaphore(%run_scoped3A : memref<!tpu.dma_semaphore, #tpu.memory_space<semaphore_mem>>) src(%arg8 : memref<80x128xf32, #tpu.memory_space<hbm>>) dst(%arg13 : memref<80x128xf32, #tpu.memory_space<vmem>>)
      tpu.yield
    }) : () -> ()
    %add3A_4 = arith.constant 0 : i32
    %add3A_5 = arith.addi %multiple_of3A, %add3A_4 : i32
    %add3A_6 = arith.constant 0 : i32
    %add3A_7 = arith.addi %add3A_5, %add3A_6 : i32
    %add3A_8 = vector.broadcast %add3A_7 : i32 to vector<16xi32>
    %add3A_9 = arith.addi %add3A_8, %iota3A : vector<16xi32>
    %swap3A = arith.constant 0 : index
    %swap3A_10 = tpu.vector_load %arg20[%swap3A] {strides = array<i32>} : memref<80xi32, #tpu.memory_space<vmem>>, vector<16xi32>,
    tpu.vector_store %arg20[%swap3A], %add3A_9 {strides = array<i32>} : memref<80xi32, #tpu.memory_space<vmem>>, vector<16xi32>,
    %add3A_11 = arith.constant 0 : i32
    %add3A_12 = arith.addi %multiple_of3A, %add3A_11 : i32
    %add3A_13 = arith.constant 16 : i32
    %add3A_14 = arith.addi %add3A_12, %add3A_13 : i32
    %add3A_15 = vector.broadcast %add3A_14 : i32 to vector<16xi32>
    %add3A_16 = arith.addi %add3A_15, %iota3A : vector<16xi32>
    %swap3A_17 = arith.constant 16 : index
    %swap3A_18 = tpu.vector_load %arg20[%swap3A_17] {strides = array<i32>} : memref<80xi32, #tpu.memory_space<vmem>>, vector<16xi32>,
    tpu.vector_store %arg20[%swap3A_17], %add3A_16 {strides = array<i32>} : memref<80xi32, #tpu.memory_space<vmem>>, vector<16xi32>,
    %add3A_19 = arith.constant 0 : i32
    %add3A_20 = arith.addi %multiple_of3A, %add3A_19 : i32
    %add3A_21 = arith.constant 32 : i32
    %add3A_22 = arith.addi %add3A_20, %add3A_21 : i32
    %add3A_23 = vector.broadcast %add3A_22 : i32 to vector<16xi32>
    %add3A_24 = arith.addi %add3A_23, %iota3A : vector<16xi32>
    %swap3A_25 = arith.constant 32 : index
    %swap3A_26 = tpu.vector_load %arg20[%swap3A_25] {strides = array<i32>} : memref<80xi32, #tpu.memory_space<vmem>>, vector<16xi32>,
    tpu.vector_store %arg20[%swap3A_25], %add3A_24 {strides = array<i32>} : memref<80xi32, #tpu.memory_space<vmem>>, vector<16xi32>,
    %add3A_27 = arith.constant 0 : i32
    %add3A_28 = arith.addi %multiple_of3A, %add3A_27 : i32
    %add3A_29 = arith.constant 48 : i32
    %add3A_30 = arith.addi %add3A_28, %add3A_29 : i32
    %add3A_31 = vector.broadcast %add3A_30 : i32 to vector<16xi32>
    %add3A_32 = arith.addi %add3A_31, %iota3A : vector<16xi32>
    %swap3A_33 = arith.constant 48 : index
    %swap3A_34 = tpu.vector_load %arg20[%swap3A_33] {strides = array<i32>} : memref<80xi32, #tpu.memory_space<vmem>>, vector<16xi32>,
    tpu.vector_store %arg20[%swap3A_33], %add3A_32 {strides = array<i32>} : memref<80xi32, #tpu.memory_space<vmem>>, vector<16xi32>,
    %add3A_35 = arith.constant 0 : i32
    %add3A_36 = arith.addi %multiple_of3A, %add3A_35 : i32
    %add3A_37 = arith.constant 64 : i32
    %add3A_38 = arith.addi %add3A_36, %add3A_37 : i32
    %add3A_39 = vector.broadcast %add3A_38 : i32 to vector<16xi32>
    %add3A_40 = arith.addi %add3A_39, %iota3A : vector<16xi32>
    %swap3A_41 = arith.constant 64 : index
    %swap3A_42 = tpu.vector_load %arg20[%swap3A_41] {strides = array<i32>} : memref<80xi32, #tpu.memory_space<vmem>>, vector<16xi32>,
    tpu.vector_store %arg20[%swap3A_41], %add3A_40 {strides = array<i32>} : memref<80xi32, #tpu.memory_space<vmem>>, vector<16xi32>,
    "tpu.region"() ({
      %run_scoped3A = tpu.sem_alloc : memref<!tpu.dma_semaphore, #tpu.memory_space<semaphore_mem>>
      %dma_start3A = arith.constant 0 : i32
      %dma_start3A_697 = arith.constant 0 : i32
      %dma_start3A_698 = tpu.memref_slice %arg26[%dma_start3A, %dma_start3A_697] : memref<10000x128xf32, #tpu.memory_space<vmem_shared>> -> memref<10000x128xf32, #tpu.memory_space<vmem_shared>>
      tpu.enqueue_indirect_dma source(%arg13 : memref<80x128xf32, #tpu.memory_space<vmem>>) target(%dma_start3A_698 : memref<10000x128xf32, #tpu.memory_space<vmem_shared>>) offsets(%arg20 : memref<80xi32, #tpu.memory_space<vmem>>) semaphore(%run_scoped3A : memref<!tpu.dma_semaphore, #tpu.memory_space<semaphore_mem>>)
      %dma_wait3A = arith.constant 0 : i32
      %dma_wait3A_699 = arith.constant 0 : i32
      %dma_wait3A_700 = tpu.memref_slice %arg26[%dma_wait3A, %dma_wait3A_699] : memref<10000x128xf32, #tpu.memory_space<vmem_shared>> -> memref<10000x128xf32, #tpu.memory_space<vmem_shared>>
      tpu.wait_indirect_dma semaphore(%run_scoped3A : memref<!tpu.dma_semaphore, #tpu.memory_space<semaphore_mem>>) src(%arg13 : memref<80x128xf32, #tpu.memory_space<vmem>>) dst(%dma_wait3A_700 : memref<10000x128xf32, #tpu.memory_space<vmem_shared>>)
      tpu.yield
    }) : () -> ()
    %add3A_43 = arith.constant 80 : i32
    %add3A_44 = arith.addi %multiple_of3A, %add3A_43 : i32
    %add3A_45 = arith.constant 0 : i32
    %add3A_46 = arith.addi %add3A_44, %add3A_45 : i32
    %add3A_47 = vector.broadcast %add3A_46 : i32 to vector<16xi32>
    %add3A_48 = arith.addi %add3A_47, %iota3A : vector<16xi32>
    %swap3A_49 = arith.constant 0 : index
    %swap3A_50 = tpu.vector_load %arg20[%swap3A_49] {strides = array<i32>} : memref<80xi32, #tpu.memory_space<vmem>>, vector<16xi32>,
    tpu.vector_store %arg20[%swap3A_49], %add3A_48 {strides = array<i32>} : memref<80xi32, #tpu.memory_space<vmem>>, vector<16xi32>,
    %add3A_51 = arith.constant 80 : i32
    %add3A_52 = arith.addi %multiple_of3A, %add3A_51 : i32
    %add3A_53 = arith.constant 16 : i32
    %add3A_54 = arith.addi %add3A_52, %add3A_53 : i32
    %add3A_55 = vector.broadcast %add3A_54 : i32 to vector<16xi32>
    %add3A_56 = arith.addi %add3A_55, %iota3A : vector<16xi32>
    %swap3A_57 = arith.constant 16 : index
    %swap3A_58 = tpu.vector_load %arg20[%swap3A_57] {strides = array<i32>} : memref<80xi32, #tpu.memory_space<vmem>>, vector<16xi32>,
    tpu.vector_store %arg20[%swap3A_57], %add3A_56 {strides = array<i32>} : memref<80xi32, #tpu.memory_space<vmem>>, vector<16xi32>,
    %add3A_59 = arith.constant 80 : i32
    %add3A_60 = arith.addi %multiple_of3A, %add3A_59 : i32
    %add3A_61 = arith.constant 32 : i32
    %add3A_62 = arith.addi %add3A_60, %add3A_61 : i32
    %add3A_63 = vector.broadcast %add3A_62 : i32 to vector<16xi32>
    %add3A_64 = arith.addi %add3A_63, %iota3A : vector<16xi32>
    %swap3A_65 = arith.constant 32 : index
    %swap3A_66 = tpu.vector_load %arg20[%swap3A_65] {strides = array<i32>} : memref<80xi32, #tpu.memory_space<vmem>>, vector<16xi32>,
    tpu.vector_store %arg20[%swap3A_65], %add3A_64 {strides = array<i32>} : memref<80xi32, #tpu.memory_space<vmem>>, vector<16xi32>,
    %add3A_67 = arith.constant 80 : i32
    %add3A_68 = arith.addi %multiple_of3A, %add3A_67 : i32
    %add3A_69 = arith.constant 48 : i32
    %add3A_70 = arith.addi %add3A_68, %add3A_69 : i32
    %add3A_71 = vector.broadcast %add3A_70 : i32 to vector<16xi32>
    %add3A_72 = arith.addi %add3A_71, %iota3A : vector<16xi32>
    %swap3A_73 = arith.constant 48 : index
    %swap3A_74 = tpu.vector_load %arg20[%swap3A_73] {strides = array<i32>} : memref<80xi32, #tpu.memory_space<vmem>>, vector<16xi32>,
    tpu.vector_store %arg20[%swap3A_73], %add3A_72 {strides = array<i32>} : memref<80xi32, #tpu.memory_space<vmem>>, vector<16xi32>,
    %add3A_75 = arith.constant 80 : i32
    %add3A_76 = arith.addi %multiple_of3A, %add3A_75 : i32
    %add3A_77 = arith.constant 64 : i32
    %add3A_78 = arith.addi %add3A_76, %add3A_77 : i32
    %add3A_79 = vector.broadcast %add3A_78 : i32 to vector<16xi32>
    %add3A_80 = arith.addi %add3A_79, %iota3A : vector<16xi32>
    %swap3A_81 = arith.constant 64 : index
    %swap3A_82 = tpu.vector_load %arg20[%swap3A_81] {strides = array<i32>} : memref<80xi32, #tpu.memory_space<vmem>>, vector<16xi32>,
    tpu.vector_store %arg20[%swap3A_81], %add3A_80 {strides = array<i32>} : memref<80xi32, #tpu.memory_space<vmem>>, vector<16xi32>,
    "tpu.region"() ({
      %run_scoped3A = tpu.sem_alloc : memref<!tpu.dma_semaphore, #tpu.memory_space<semaphore_mem>>
      %dma_start3A = arith.constant 0 : i32
      %dma_start3A_697 = arith.constant 0 : i32
      %dma_start3A_698 = tpu.memref_slice %arg26[%dma_start3A, %dma_start3A_697] : memref<10000x128xf32, #tpu.memory_space<vmem_shared>> -> memref<10000x128xf32, #tpu.memory_space<vmem_shared>>
      tpu.enqueue_indirect_dma source(%arg13 : memref<80x128xf32, #tpu.memory_space<vmem>>) target(%dma_start3A_698 : memref<10000x128xf32, #tpu.memory_space<vmem_shared>>) offsets(%arg20 : memref<80xi32, #tpu.memory_space<vmem>>) semaphore(%run_scoped3A : memref<!tpu.dma_semaphore, #tpu.memory_space<semaphore_mem>>)
      %dma_wait3A = arith.constant 0 : i32
      %dma_wait3A_699 = arith.constant 0 : i32
      %dma_wait3A_700 = tpu.memref_slice %arg26[%dma_wait3A, %dma_wait3A_699] : memref<10000x128xf32, #tpu.memory_space<vmem_shared>> -> memref<10000x128xf32, #tpu.memory_space<vmem_shared>>
      tpu.wait_indirect_dma semaphore(%run_scoped3A : memref<!tpu.dma_semaphore, #tpu.memory_space<semaphore_mem>>) src(%arg13 : memref<80x128xf32, #tpu.memory_space<vmem>>) dst(%dma_wait3A_700 : memref<10000x128xf32, #tpu.memory_space<vmem_shared>>)
      tpu.yield
    }) : () -> ()
    %add3A_83 = arith.constant 160 : i32
    %add3A_84 = arith.addi %multiple_of3A, %add3A_83 : i32
    %add3A_85 = arith.constant 0 : i32
    %add3A_86 = arith.addi %add3A_84, %add3A_85 : i32
    %add3A_87 = vector.broadcast %add3A_86 : i32 to vector<16xi32>
    %add3A_88 = arith.addi %add3A_87, %iota3A : vector<16xi32>
    %swap3A_89 = arith.constant 0 : index
    %swap3A_90 = tpu.vector_load %arg20[%swap3A_89] {strides = array<i32>} : memref<80xi32, #tpu.memory_space<vmem>>, vector<16xi32>,
    tpu.vector_store %arg20[%swap3A_89], %add3A_88 {strides = array<i32>} : memref<80xi32, #tpu.memory_space<vmem>>, vector<16xi32>,
    %add3A_91 = arith.constant 160 : i32
    %add3A_92 = arith.addi %multiple_of3A, %add3A_91 : i32
    %add3A_93 = arith.constant 16 : i32
    %add3A_94 = arith.addi %add3A_92, %add3A_93 : i32
    %add3A_95 = vector.broadcast %add3A_94 : i32 to vector<16xi32>
    %add3A_96 = arith.addi %add3A_95, %iota3A : vector<16xi32>
    %swap3A_97 = arith.constant 16 : index
    %swap3A_98 = tpu.vector_load %arg20[%swap3A_97] {strides = array<i32>} : memref<80xi32, #tpu.memory_space<vmem>>, vector<16xi32>,
    tpu.vector_store %arg20[%swap3A_97], %add3A_96 {strides = array<i32>} : memref<80xi32, #tpu.memory_space<vmem>>, vector<16xi32>,
    %add3A_99 = arith.constant 160 : i32
    %add3A_100 = arith.addi %multiple_of3A, %add3A_99 : i32
    %add3A_101 = arith.constant 32 : i32
    %add3A_102 = arith.addi %add3A_100, %add3A_101 : i32
    %add3A_103 = vector.broadcast %add3A_102 : i32 to vector<16xi32>
    %add3A_104 = arith.addi %add3A_103, %iota3A : vector<16xi32>
    %swap3A_105 = arith.constant 32 : index
    %swap3A_106 = tpu.vector_load %arg20[%swap3A_105] {strides = array<i32>} : memref<80xi32, #tpu.memory_space<vmem>>, vector<16xi32>,
    tpu.vector_store %arg20[%swap3A_105], %add3A_104 {strides = array<i32>} : memref<80xi32, #tpu.memory_space<vmem>>, vector<16xi32>,
    %add3A_107 = arith.constant 160 : i32
    %add3A_108 = arith.addi %multiple_of3A, %add3A_107 : i32
    %add3A_109 = arith.constant 48 : i32
    %add3A_110 = arith.addi %add3A_108, %add3A_109 : i32
    %add3A_111 = vector.broadcast %add3A_110 : i32 to vector<16xi32>
    %add3A_112 = arith.addi %add3A_111, %iota3A : vector<16xi32>
    %swap3A_113 = arith.constant 48 : index
    %swap3A_114 = tpu.vector_load %arg20[%swap3A_113] {strides = array<i32>} : memref<80xi32, #tpu.memory_space<vmem>>, vector<16xi32>,
    tpu.vector_store %arg20[%swap3A_113], %add3A_112 {strides = array<i32>} : memref<80xi32, #tpu.memory_space<vmem>>, vector<16xi32>,
    %add3A_115 = arith.constant 160 : i32
    %add3A_116 = arith.addi %multiple_of3A, %add3A_115 : i32
    %add3A_117 = arith.constant 64 : i32
    %add3A_118 = arith.addi %add3A_116, %add3A_117 : i32
    %add3A_119 = vector.broadcast %add3A_118 : i32 to vector<16xi32>
    %add3A_120 = arith.addi %add3A_119, %iota3A : vector<16xi32>
    %swap3A_121 = arith.constant 64 : index
    %swap3A_122 = tpu.vector_load %arg20[%swap3A_121] {strides = array<i32>} : memref<80xi32, #tpu.memory_space<vmem>>, vector<16xi32>,
    tpu.vector_store %arg20[%swap3A_121], %add3A_120 {strides = array<i32>} : memref<80xi32, #tpu.memory_space<vmem>>, vector<16xi32>,
    "tpu.region"() ({
      %run_scoped3A = tpu.sem_alloc : memref<!tpu.dma_semaphore, #tpu.memory_space<semaphore_mem>>
      %dma_start3A = arith.constant 0 : i32
      %dma_start3A_697 = arith.constant 0 : i32
      %dma_start3A_698 = tpu.memref_slice %arg26[%dma_start3A, %dma_start3A_697] : memref<10000x128xf32, #tpu.memory_space<vmem_shared>> -> memref<10000x128xf32, #tpu.memory_space<vmem_shared>>
      tpu.enqueue_indirect_dma source(%arg13 : memref<80x128xf32, #tpu.memory_space<vmem>>) target(%dma_start3A_698 : memref<10000x128xf32, #tpu.memory_space<vmem_shared>>) offsets(%arg20 : memref<80xi32, #tpu.memory_space<vmem>>) semaphore(%run_scoped3A : memref<!tpu.dma_semaphore, #tpu.memory_space<semaphore_mem>>)
      %dma_wait3A = arith.constant 0 : i32
      %dma_wait3A_699 = arith.constant 0 : i32
      %dma_wait3A_700 = tpu.memref_slice %arg26[%dma_wait3A, %dma_wait3A_699] : memref<10000x128xf32, #tpu.memory_space<vmem_shared>> -> memref<10000x128xf32, #tpu.memory_space<vmem_shared>>
      tpu.wait_indirect_dma semaphore(%run_scoped3A : memref<!tpu.dma_semaphore, #tpu.memory_space<semaphore_mem>>) src(%arg13 : memref<80x128xf32, #tpu.memory_space<vmem>>) dst(%dma_wait3A_700 : memref<10000x128xf32, #tpu.memory_space<vmem_shared>>)
      tpu.yield
    }) : () -> ()
    %add3A_123 = arith.constant 240 : i32
    %add3A_124 = arith.addi %multiple_of3A, %add3A_123 : i32
    %add3A_125 = arith.constant 0 : i32
    %add3A_126 = arith.addi %add3A_124, %add3A_125 : i32
    %add3A_127 = vector.broadcast %add3A_126 : i32 to vector<16xi32>
    %add3A_128 = arith.addi %add3A_127, %iota3A : vector<16xi32>
    %swap3A_129 = arith.constant 0 : index
    %swap3A_130 = tpu.vector_load %arg20[%swap3A_129] {strides = array<i32>} : memref<80xi32, #tpu.memory_space<vmem>>, vector<16xi32>,
    tpu.vector_store %arg20[%swap3A_129], %add3A_128 {strides = array<i32>} : memref<80xi32, #tpu.memory_space<vmem>>, vector<16xi32>,
    %add3A_131 = arith.constant 240 : i32
    %add3A_132 = arith.addi %multiple_of3A, %add3A_131 : i32
    %add3A_133 = arith.constant 16 : i32
    %add3A_134 = arith.addi %add3A_132, %add3A_133 : i32
    %add3A_135 = vector.broadcast %add3A_134 : i32 to vector<16xi32>
    %add3A_136 = arith.addi %add3A_135, %iota3A : vector<16xi32>
    %swap3A_137 = arith.constant 16 : index
    %swap3A_138 = tpu.vector_load %arg20[%swap3A_137] {strides = array<i32>} : memref<80xi32, #tpu.memory_space<vmem>>, vector<16xi32>,
    tpu.vector_store %arg20[%swap3A_137], %add3A_136 {strides = array<i32>} : memref<80xi32, #tpu.memory_space<vmem>>, vector<16xi32>,
    %add3A_139 = arith.constant 240 : i32
    %add3A_140 = arith.addi %multiple_of3A, %add3A_139 : i32
    %add3A_141 = arith.constant 32 : i32
    %add3A_142 = arith.addi %add3A_140, %add3A_141 : i32
    %add3A_143 = vector.broadcast %add3A_142 : i32 to vector<16xi32>
    %add3A_144 = arith.addi %add3A_143, %iota3A : vector<16xi32>
    %swap3A_145 = arith.constant 32 : index
    %swap3A_146 = tpu.vector_load %arg20[%swap3A_145] {strides = array<i32>} : memref<80xi32, #tpu.memory_space<vmem>>, vector<16xi32>,
    tpu.vector_store %arg20[%swap3A_145], %add3A_144 {strides = array<i32>} : memref<80xi32, #tpu.memory_space<vmem>>, vector<16xi32>,
    %add3A_147 = arith.constant 240 : i32
    %add3A_148 = arith.addi %multiple_of3A, %add3A_147 : i32
    %add3A_149 = arith.constant 48 : i32
    %add3A_150 = arith.addi %add3A_148, %add3A_149 : i32
    %add3A_151 = vector.broadcast %add3A_150 : i32 to vector<16xi32>
    %add3A_152 = arith.addi %add3A_151, %iota3A : vector<16xi32>
    %swap3A_153 = arith.constant 48 : index
    %swap3A_154 = tpu.vector_load %arg20[%swap3A_153] {strides = array<i32>} : memref<80xi32, #tpu.memory_space<vmem>>, vector<16xi32>,
    tpu.vector_store %arg20[%swap3A_153], %add3A_152 {strides = array<i32>} : memref<80xi32, #tpu.memory_space<vmem>>, vector<16xi32>,
    %add3A_155 = arith.constant 240 : i32
    %add3A_156 = arith.addi %multiple_of3A, %add3A_155 : i32
    %add3A_157 = arith.constant 64 : i32
    %add3A_158 = arith.addi %add3A_156, %add3A_157 : i32
    %add3A_159 = vector.broadcast %add3A_158 : i32 to vector<16xi32>
    %add3A_160 = arith.addi %add3A_159, %iota3A : vector<16xi32>
    %swap3A_161 = arith.constant 64 : index
    %swap3A_162 = tpu.vector_load %arg20[%swap3A_161] {strides = array<i32>} : memref<80xi32, #tpu.memory_space<vmem>>, vector<16xi32>,
    tpu.vector_store %arg20[%swap3A_161], %add3A_160 {strides = array<i32>} : memref<80xi32, #tpu.memory_space<vmem>>, vector<16xi32>,
    "tpu.region"() ({
      %run_scoped3A = tpu.sem_alloc : memref<!tpu.dma_semaphore, #tpu.memory_space<semaphore_mem>>
      %dma_start3A = arith.constant 0 : i32
      %dma_start3A_697 = arith.constant 0 : i32
      %dma_start3A_698 = tpu.memref_slice %arg26[%dma_start3A, %dma_start3A_697] : memref<10000x128xf32, #tpu.memory_space<vmem_shared>> -> memref<10000x128xf32, #tpu.memory_space<vmem_shared>>
      tpu.enqueue_indirect_dma source(%arg13 : memref<80x128xf32, #tpu.memory_space<vmem>>) target(%dma_start3A_698 : memref<10000x128xf32, #tpu.memory_space<vmem_shared>>) offsets(%arg20 : memref<80xi32, #tpu.memory_space<vmem>>) semaphore(%run_scoped3A : memref<!tpu.dma_semaphore, #tpu.memory_space<semaphore_mem>>)
      %dma_wait3A = arith.constant 0 : i32
      %dma_wait3A_699 = arith.constant 0 : i32
      %dma_wait3A_700 = tpu.memref_slice %arg26[%dma_wait3A, %dma_wait3A_699] : memref<10000x128xf32, #tpu.memory_space<vmem_shared>> -> memref<10000x128xf32, #tpu.memory_space<vmem_shared>>
      tpu.wait_indirect_dma semaphore(%run_scoped3A : memref<!tpu.dma_semaphore, #tpu.memory_space<semaphore_mem>>) src(%arg13 : memref<80x128xf32, #tpu.memory_space<vmem>>) dst(%dma_wait3A_700 : memref<10000x128xf32, #tpu.memory_space<vmem_shared>>)
      tpu.yield
    }) : () -> ()
    %add3A_163 = arith.constant 320 : i32
    %add3A_164 = arith.addi %multiple_of3A, %add3A_163 : i32
    %add3A_165 = arith.constant 0 : i32
    %add3A_166 = arith.addi %add3A_164, %add3A_165 : i32
    %add3A_167 = vector.broadcast %add3A_166 : i32 to vector<16xi32>
    %add3A_168 = arith.addi %add3A_167, %iota3A : vector<16xi32>
    %swap3A_169 = arith.constant 0 : index
    %swap3A_170 = tpu.vector_load %arg20[%swap3A_169] {strides = array<i32>} : memref<80xi32, #tpu.memory_space<vmem>>, vector<16xi32>,
    tpu.vector_store %arg20[%swap3A_169], %add3A_168 {strides = array<i32>} : memref<80xi32, #tpu.memory_space<vmem>>, vector<16xi32>,
    %add3A_171 = arith.constant 320 : i32
    %add3A_172 = arith.addi %multiple_of3A, %add3A_171 : i32
    %add3A_173 = arith.constant 16 : i32
    %add3A_174 = arith.addi %add3A_172, %add3A_173 : i32
    %add3A_175 = vector.broadcast %add3A_174 : i32 to vector<16xi32>
    %add3A_176 = arith.addi %add3A_175, %iota3A : vector<16xi32>
    %swap3A_177 = arith.constant 16 : index
    %swap3A_178 = tpu.vector_load %arg20[%swap3A_177] {strides = array<i32>} : memref<80xi32, #tpu.memory_space<vmem>>, vector<16xi32>,
    tpu.vector_store %arg20[%swap3A_177], %add3A_176 {strides = array<i32>} : memref<80xi32, #tpu.memory_space<vmem>>, vector<16xi32>,
    %add3A_179 = arith.constant 320 : i32
    %add3A_180 = arith.addi %multiple_of3A, %add3A_179 : i32
    %add3A_181 = arith.constant 32 : i32
    %add3A_182 = arith.addi %add3A_180, %add3A_181 : i32
    %add3A_183 = vector.broadcast %add3A_182 : i32 to vector<16xi32>
    %add3A_184 = arith.addi %add3A_183, %iota3A : vector<16xi32>
    %swap3A_185 = arith.constant 32 : index
    %swap3A_186 = tpu.vector_load %arg20[%swap3A_185] {strides = array<i32>} : memref<80xi32, #tpu.memory_space<vmem>>, vector<16xi32>,
    tpu.vector_store %arg20[%swap3A_185], %add3A_184 {strides = array<i32>} : memref<80xi32, #tpu.memory_space<vmem>>, vector<16xi32>,
    %add3A_187 = arith.constant 320 : i32
    %add3A_188 = arith.addi %multiple_of3A, %add3A_187 : i32
    %add3A_189 = arith.constant 48 : i32
    %add3A_190 = arith.addi %add3A_188, %add3A_189 : i32
    %add3A_191 = vector.broadcast %add3A_190 : i32 to vector<16xi32>
    %add3A_192 = arith.addi %add3A_191, %iota3A : vector<16xi32>
    %swap3A_193 = arith.constant 48 : index
    %swap3A_194 = tpu.vector_load %arg20[%swap3A_193] {strides = array<i32>} : memref<80xi32, #tpu.memory_space<vmem>>, vector<16xi32>,
    tpu.vector_store %arg20[%swap3A_193], %add3A_192 {strides = array<i32>} : memref<80xi32, #tpu.memory_space<vmem>>, vector<16xi32>,
    %add3A_195 = arith.constant 320 : i32
    %add3A_196 = arith.addi %multiple_of3A, %add3A_195 : i32
    %add3A_197 = arith.constant 64 : i32
    %add3A_198 = arith.addi %add3A_196, %add3A_197 : i32
    %add3A_199 = vector.broadcast %add3A_198 : i32 to vector<16xi32>
    %add3A_200 = arith.addi %add3A_199, %iota3A : vector<16xi32>
    %swap3A_201 = arith.constant 64 : index
    %swap3A_202 = tpu.vector_load %arg20[%swap3A_201] {strides = array<i32>} : memref<80xi32, #tpu.memory_space<vmem>>, vector<16xi32>,
    tpu.vector_store %arg20[%swap3A_201], %add3A_200 {strides = array<i32>} : memref<80xi32, #tpu.memory_space<vmem>>, vector<16xi32>,
    "tpu.region"() ({
      %run_scoped3A = tpu.sem_alloc : memref<!tpu.dma_semaphore, #tpu.memory_space<semaphore_mem>>
      %dma_start3A = arith.constant 0 : i32
      %dma_start3A_697 = arith.constant 0 : i32
      %dma_start3A_698 = tpu.memref_slice %arg26[%dma_start3A, %dma_start3A_697] : memref<10000x128xf32, #tpu.memory_space<vmem_shared>> -> memref<10000x128xf32, #tpu.memory_space<vmem_shared>>
      tpu.enqueue_indirect_dma source(%arg13 : memref<80x128xf32, #tpu.memory_space<vmem>>) target(%dma_start3A_698 : memref<10000x128xf32, #tpu.memory_space<vmem_shared>>) offsets(%arg20 : memref<80xi32, #tpu.memory_space<vmem>>) semaphore(%run_scoped3A : memref<!tpu.dma_semaphore, #tpu.memory_space<semaphore_mem>>)
      %dma_wait3A = arith.constant 0 : i32
      %dma_wait3A_699 = arith.constant 0 : i32
      %dma_wait3A_700 = tpu.memref_slice %arg26[%dma_wait3A, %dma_wait3A_699] : memref<10000x128xf32, #tpu.memory_space<vmem_shared>> -> memref<10000x128xf32, #tpu.memory_space<vmem_shared>>
      tpu.wait_indirect_dma semaphore(%run_scoped3A : memref<!tpu.dma_semaphore, #tpu.memory_space<semaphore_mem>>) src(%arg13 : memref<80x128xf32, #tpu.memory_space<vmem>>) dst(%dma_wait3A_700 : memref<10000x128xf32, #tpu.memory_space<vmem_shared>>)
      tpu.yield
    }) : () -> ()
    %add3A_203 = arith.constant 400 : i32
    %add3A_204 = arith.addi %multiple_of3A, %add3A_203 : i32
    %add3A_205 = arith.constant 0 : i32
    %add3A_206 = arith.addi %add3A_204, %add3A_205 : i32
    %add3A_207 = vector.broadcast %add3A_206 : i32 to vector<16xi32>
    %add3A_208 = arith.addi %add3A_207, %iota3A : vector<16xi32>
    %swap3A_209 = arith.constant 0 : index
    %swap3A_210 = tpu.vector_load %arg20[%swap3A_209] {strides = array<i32>} : memref<80xi32, #tpu.memory_space<vmem>>, vector<16xi32>,
    tpu.vector_store %arg20[%swap3A_209], %add3A_208 {strides = array<i32>} : memref<80xi32, #tpu.memory_space<vmem>>, vector<16xi32>,
    %add3A_211 = arith.constant 400 : i32
    %add3A_212 = arith.addi %multiple_of3A, %add3A_211 : i32
    %add3A_213 = arith.constant 16 : i32
    %add3A_214 = arith.addi %add3A_212, %add3A_213 : i32
    %add3A_215 = vector.broadcast %add3A_214 : i32 to vector<16xi32>
    %add3A_216 = arith.addi %add3A_215, %iota3A : vector<16xi32>
    %swap3A_217 = arith.constant 16 : index
    %swap3A_218 = tpu.vector_load %arg20[%swap3A_217] {strides = array<i32>} : memref<80xi32, #tpu.memory_space<vmem>>, vector<16xi32>,
    tpu.vector_store %arg20[%swap3A_217], %add3A_216 {strides = array<i32>} : memref<80xi32, #tpu.memory_space<vmem>>, vector<16xi32>,
    %add3A_219 = arith.constant 400 : i32
    %add3A_220 = arith.addi %multiple_of3A, %add3A_219 : i32
    %add3A_221 = arith.constant 32 : i32
    %add3A_222 = arith.addi %add3A_220, %add3A_221 : i32
    %add3A_223 = vector.broadcast %add3A_222 : i32 to vector<16xi32>
    %add3A_224 = arith.addi %add3A_223, %iota3A : vector<16xi32>
    %swap3A_225 = arith.constant 32 : index
    %swap3A_226 = tpu.vector_load %arg20[%swap3A_225] {strides = array<i32>} : memref<80xi32, #tpu.memory_space<vmem>>, vector<16xi32>,
    tpu.vector_store %arg20[%swap3A_225], %add3A_224 {strides = array<i32>} : memref<80xi32, #tpu.memory_space<vmem>>, vector<16xi32>,
    %add3A_227 = arith.constant 400 : i32
    %add3A_228 = arith.addi %multiple_of3A, %add3A_227 : i32
    %add3A_229 = arith.constant 48 : i32
    %add3A_230 = arith.addi %add3A_228, %add3A_229 : i32
    %add3A_231 = vector.broadcast %add3A_230 : i32 to vector<16xi32>
    %add3A_232 = arith.addi %add3A_231, %iota3A : vector<16xi32>
    %swap3A_233 = arith.constant 48 : index
    %swap3A_234 = tpu.vector_load %arg20[%swap3A_233] {strides = array<i32>} : memref<80xi32, #tpu.memory_space<vmem>>, vector<16xi32>,
    tpu.vector_store %arg20[%swap3A_233], %add3A_232 {strides = array<i32>} : memref<80xi32, #tpu.memory_space<vmem>>, vector<16xi32>,
    %add3A_235 = arith.constant 400 : i32
    %add3A_236 = arith.addi %multiple_of3A, %add3A_235 : i32
    %add3A_237 = arith.constant 64 : i32
    %add3A_238 = arith.addi %add3A_236, %add3A_237 : i32
    %add3A_239 = vector.broadcast %add3A_238 : i32 to vector<16xi32>
    %add3A_240 = arith.addi %add3A_239, %iota3A : vector<16xi32>
    %swap3A_241 = arith.constant 64 : index
    %swap3A_242 = tpu.vector_load %arg20[%swap3A_241] {strides = array<i32>} : memref<80xi32, #tpu.memory_space<vmem>>, vector<16xi32>,
    tpu.vector_store %arg20[%swap3A_241], %add3A_240 {strides = array<i32>} : memref<80xi32, #tpu.memory_space<vmem>>, vector<16xi32>,
    "tpu.region"() ({
      %run_scoped3A = tpu.sem_alloc : memref<!tpu.dma_semaphore, #tpu.memory_space<semaphore_mem>>
      %dma_start3A = arith.constant 0 : i32
      %dma_start3A_697 = arith.constant 0 : i32
      %dma_start3A_698 = tpu.memref_slice %arg26[%dma_start3A, %dma_start3A_697] : memref<10000x128xf32, #tpu.memory_space<vmem_shared>> -> memref<10000x128xf32, #tpu.memory_space<vmem_shared>>
      tpu.enqueue_indirect_dma source(%arg13 : memref<80x128xf32, #tpu.memory_space<vmem>>) target(%dma_start3A_698 : memref<10000x128xf32, #tpu.memory_space<vmem_shared>>) offsets(%arg20 : memref<80xi32, #tpu.memory_space<vmem>>) semaphore(%run_scoped3A : memref<!tpu.dma_semaphore, #tpu.memory_space<semaphore_mem>>)
      %dma_wait3A = arith.constant 0 : i32
      %dma_wait3A_699 = arith.constant 0 : i32
      %dma_wait3A_700 = tpu.memref_slice %arg26[%dma_wait3A, %dma_wait3A_699] : memref<10000x128xf32, #tpu.memory_space<vmem_shared>> -> memref<10000x128xf32, #tpu.memory_space<vmem_shared>>
      tpu.wait_indirect_dma semaphore(%run_scoped3A : memref<!tpu.dma_semaphore, #tpu.memory_space<semaphore_mem>>) src(%arg13 : memref<80x128xf32, #tpu.memory_space<vmem>>) dst(%dma_wait3A_700 : memref<10000x128xf32, #tpu.memory_space<vmem_shared>>)
      tpu.yield
    }) : () -> ()
    %add3A_243 = arith.constant 480 : i32
    %add3A_244 = arith.addi %multiple_of3A, %add3A_243 : i32
    %add3A_245 = arith.constant 0 : i32
    %add3A_246 = arith.addi %add3A_244, %add3A_245 : i32
    %add3A_247 = vector.broadcast %add3A_246 : i32 to vector<16xi32>
    %add3A_248 = arith.addi %add3A_247, %iota3A : vector<16xi32>
    %swap3A_249 = arith.constant 0 : index
    %swap3A_250 = tpu.vector_load %arg20[%swap3A_249] {strides = array<i32>} : memref<80xi32, #tpu.memory_space<vmem>>, vector<16xi32>,
    tpu.vector_store %arg20[%swap3A_249], %add3A_248 {strides = array<i32>} : memref<80xi32, #tpu.memory_space<vmem>>, vector<16xi32>,
    %add3A_251 = arith.constant 480 : i32
    %add3A_252 = arith.addi %multiple_of3A, %add3A_251 : i32
    %add3A_253 = arith.constant 16 : i32
    %add3A_254 = arith.addi %add3A_252, %add3A_253 : i32
    %add3A_255 = vector.broadcast %add3A_254 : i32 to vector<16xi32>
    %add3A_256 = arith.addi %add3A_255, %iota3A : vector<16xi32>
    %swap3A_257 = arith.constant 16 : index
    %swap3A_258 = tpu.vector_load %arg20[%swap3A_257] {strides = array<i32>} : memref<80xi32, #tpu.memory_space<vmem>>, vector<16xi32>,
    tpu.vector_store %arg20[%swap3A_257], %add3A_256 {strides = array<i32>} : memref<80xi32, #tpu.memory_space<vmem>>, vector<16xi32>,
    %add3A_259 = arith.constant 480 : i32
    %add3A_260 = arith.addi %multiple_of3A, %add3A_259 : i32
    %add3A_261 = arith.constant 32 : i32
    %add3A_262 = arith.addi %add3A_260, %add3A_261 : i32
    %add3A_263 = vector.broadcast %add3A_262 : i32 to vector<16xi32>
    %add3A_264 = arith.addi %add3A_263, %iota3A : vector<16xi32>
    %swap3A_265 = arith.constant 32 : index
    %swap3A_266 = tpu.vector_load %arg20[%swap3A_265] {strides = array<i32>} : memref<80xi32, #tpu.memory_space<vmem>>, vector<16xi32>,
    tpu.vector_store %arg20[%swap3A_265], %add3A_264 {strides = array<i32>} : memref<80xi32, #tpu.memory_space<vmem>>, vector<16xi32>,
    %add3A_267 = arith.constant 480 : i32
    %add3A_268 = arith.addi %multiple_of3A, %add3A_267 : i32
    %add3A_269 = arith.constant 48 : i32
    %add3A_270 = arith.addi %add3A_268, %add3A_269 : i32
    %add3A_271 = vector.broadcast %add3A_270 : i32 to vector<16xi32>
    %add3A_272 = arith.addi %add3A_271, %iota3A : vector<16xi32>
    %swap3A_273 = arith.constant 48 : index
    %swap3A_274 = tpu.vector_load %arg20[%swap3A_273] {strides = array<i32>} : memref<80xi32, #tpu.memory_space<vmem>>, vector<16xi32>,
    tpu.vector_store %arg20[%swap3A_273], %add3A_272 {strides = array<i32>} : memref<80xi32, #tpu.memory_space<vmem>>, vector<16xi32>,
    %add3A_275 = arith.constant 480 : i32
    %add3A_276 = arith.addi %multiple_of3A, %add3A_275 : i32
    %add3A_277 = arith.constant 64 : i32
    %add3A_278 = arith.addi %add3A_276, %add3A_277 : i32
    %add3A_279 = vector.broadcast %add3A_278 : i32 to vector<16xi32>
    %add3A_280 = arith.addi %add3A_279, %iota3A : vector<16xi32>
    %swap3A_281 = arith.constant 64 : index
    %swap3A_282 = tpu.vector_load %arg20[%swap3A_281] {strides = array<i32>} : memref<80xi32, #tpu.memory_space<vmem>>, vector<16xi32>,
    tpu.vector_store %arg20[%swap3A_281], %add3A_280 {strides = array<i32>} : memref<80xi32, #tpu.memory_space<vmem>>, vector<16xi32>,
    "tpu.region"() ({
      %run_scoped3A = tpu.sem_alloc : memref<!tpu.dma_semaphore, #tpu.memory_space<semaphore_mem>>
      %dma_start3A = arith.constant 0 : i32
      %dma_start3A_697 = arith.constant 0 : i32
      %dma_start3A_698 = tpu.memref_slice %arg26[%dma_start3A, %dma_start3A_697] : memref<10000x128xf32, #tpu.memory_space<vmem_shared>> -> memref<10000x128xf32, #tpu.memory_space<vmem_shared>>
      tpu.enqueue_indirect_dma source(%arg13 : memref<80x128xf32, #tpu.memory_space<vmem>>) target(%dma_start3A_698 : memref<10000x128xf32, #tpu.memory_space<vmem_shared>>) offsets(%arg20 : memref<80xi32, #tpu.memory_space<vmem>>) semaphore(%run_scoped3A : memref<!tpu.dma_semaphore, #tpu.memory_space<semaphore_mem>>)
      %dma_wait3A = arith.constant 0 : i32
      %dma_wait3A_699 = arith.constant 0 : i32
      %dma_wait3A_700 = tpu.memref_slice %arg26[%dma_wait3A, %dma_wait3A_699] : memref<10000x128xf32, #tpu.memory_space<vmem_shared>> -> memref<10000x128xf32, #tpu.memory_space<vmem_shared>>
      tpu.wait_indirect_dma semaphore(%run_scoped3A : memref<!tpu.dma_semaphore, #tpu.memory_space<semaphore_mem>>) src(%arg13 : memref<80x128xf32, #tpu.memory_space<vmem>>) dst(%dma_wait3A_700 : memref<10000x128xf32, #tpu.memory_space<vmem_shared>>)
      tpu.yield
    }) : () -> ()
    %add3A_283 = arith.constant 560 : i32
    %add3A_284 = arith.addi %multiple_of3A, %add3A_283 : i32
    %add3A_285 = arith.constant 0 : i32
    %add3A_286 = arith.addi %add3A_284, %add3A_285 : i32
    %add3A_287 = vector.broadcast %add3A_286 : i32 to vector<16xi32>
    %add3A_288 = arith.addi %add3A_287, %iota3A : vector<16xi32>
    %swap3A_289 = arith.constant 0 : index
    %swap3A_290 = tpu.vector_load %arg20[%swap3A_289] {strides = array<i32>} : memref<80xi32, #tpu.memory_space<vmem>>, vector<16xi32>,
    tpu.vector_store %arg20[%swap3A_289], %add3A_288 {strides = array<i32>} : memref<80xi32, #tpu.memory_space<vmem>>, vector<16xi32>,
    %add3A_291 = arith.constant 560 : i32
    %add3A_292 = arith.addi %multiple_of3A, %add3A_291 : i32
    %add3A_293 = arith.constant 16 : i32
    %add3A_294 = arith.addi %add3A_292, %add3A_293 : i32
    %add3A_295 = vector.broadcast %add3A_294 : i32 to vector<16xi32>
    %add3A_296 = arith.addi %add3A_295, %iota3A : vector<16xi32>
    %swap3A_297 = arith.constant 16 : index
    %swap3A_298 = tpu.vector_load %arg20[%swap3A_297] {strides = array<i32>} : memref<80xi32, #tpu.memory_space<vmem>>, vector<16xi32>,
    tpu.vector_store %arg20[%swap3A_297], %add3A_296 {strides = array<i32>} : memref<80xi32, #tpu.memory_space<vmem>>, vector<16xi32>,
    %add3A_299 = arith.constant 560 : i32
    %add3A_300 = arith.addi %multiple_of3A, %add3A_299 : i32
    %add3A_301 = arith.constant 32 : i32
    %add3A_302 = arith.addi %add3A_300, %add3A_301 : i32
    %add3A_303 = vector.broadcast %add3A_302 : i32 to vector<16xi32>
    %add3A_304 = arith.addi %add3A_303, %iota3A : vector<16xi32>
    %swap3A_305 = arith.constant 32 : index
    %swap3A_306 = tpu.vector_load %arg20[%swap3A_305] {strides = array<i32>} : memref<80xi32, #tpu.memory_space<vmem>>, vector<16xi32>,
    tpu.vector_store %arg20[%swap3A_305], %add3A_304 {strides = array<i32>} : memref<80xi32, #tpu.memory_space<vmem>>, vector<16xi32>,
    %add3A_307 = arith.constant 560 : i32
    %add3A_308 = arith.addi %multiple_of3A, %add3A_307 : i32
    %add3A_309 = arith.constant 48 : i32
    %add3A_310 = arith.addi %add3A_308, %add3A_309 : i32
    %add3A_311 = vector.broadcast %add3A_310 : i32 to vector<16xi32>
    %add3A_312 = arith.addi %add3A_311, %iota3A : vector<16xi32>
    %swap3A_313 = arith.constant 48 : index
    %swap3A_314 = tpu.vector_load %arg20[%swap3A_313] {strides = array<i32>} : memref<80xi32, #tpu.memory_space<vmem>>, vector<16xi32>,
    tpu.vector_store %arg20[%swap3A_313], %add3A_312 {strides = array<i32>} : memref<80xi32, #tpu.memory_space<vmem>>, vector<16xi32>,
    %add3A_315 = arith.constant 560 : i32
    %add3A_316 = arith.addi %multiple_of3A, %add3A_315 : i32
    %add3A_317 = arith.constant 64 : i32
    %add3A_318 = arith.addi %add3A_316, %add3A_317 : i32
    %add3A_319 = vector.broadcast %add3A_318 : i32 to vector<16xi32>
    %add3A_320 = arith.addi %add3A_319, %iota3A : vector<16xi32>
    %swap3A_321 = arith.constant 64 : index
    %swap3A_322 = tpu.vector_load %arg20[%swap3A_321] {strides = array<i32>} : memref<80xi32, #tpu.memory_space<vmem>>, vector<16xi32>,
    tpu.vector_store %arg20[%swap3A_321], %add3A_320 {strides = array<i32>} : memref<80xi32, #tpu.memory_space<vmem>>, vector<16xi32>,
    "tpu.region"() ({
      %run_scoped3A = tpu.sem_alloc : memref<!tpu.dma_semaphore, #tpu.memory_space<semaphore_mem>>
      %dma_start3A = arith.constant 0 : i32
      %dma_start3A_697 = arith.constant 0 : i32
      %dma_start3A_698 = tpu.memref_slice %arg26[%dma_start3A, %dma_start3A_697] : memref<10000x128xf32, #tpu.memory_space<vmem_shared>> -> memref<10000x128xf32, #tpu.memory_space<vmem_shared>>
      tpu.enqueue_indirect_dma source(%arg13 : memref<80x128xf32, #tpu.memory_space<vmem>>) target(%dma_start3A_698 : memref<10000x128xf32, #tpu.memory_space<vmem_shared>>) offsets(%arg20 : memref<80xi32, #tpu.memory_space<vmem>>) semaphore(%run_scoped3A : memref<!tpu.dma_semaphore, #tpu.memory_space<semaphore_mem>>)
      %dma_wait3A = arith.constant 0 : i32
      %dma_wait3A_699 = arith.constant 0 : i32
      %dma_wait3A_700 = tpu.memref_slice %arg26[%dma_wait3A, %dma_wait3A_699] : memref<10000x128xf32, #tpu.memory_space<vmem_shared>> -> memref<10000x128xf32, #tpu.memory_space<vmem_shared>>
      tpu.wait_indirect_dma semaphore(%run_scoped3A : memref<!tpu.dma_semaphore, #tpu.memory_space<semaphore_mem>>) src(%arg13 : memref<80x128xf32, #tpu.memory_space<vmem>>) dst(%dma_wait3A_700 : memref<10000x128xf32, #tpu.memory_space<vmem_shared>>)
      tpu.yield
    }) : () -> ()
    %broadcast_in_dim3A = arith.constant 0.000000e+00 : f32
    %broadcast_in_dim3A_323 = vector.broadcast %broadcast_in_dim3A : f32 to vector<16xf32>
    %scan3A = arith.constant 0 : i32
    %scan3A_324 = arith.constant 0 : i32
    %scan3A_325 = arith.constant 625 : i32
    %scan3A_326 = arith.addi %scan3A_324, %scan3A_325 : i32
    %scan3A_327 = arith.constant 1 : i32
    scf.for %scan3A_697 = %scan3A_324 to %scan3A_326 step %scan3A_327  : i32 {
      %mul3A_698 = arith.constant 16 : i32
      %mul3A_699 = arith.muli %scan3A_697, %mul3A_698 : i32
      %multiple_of3A_700 = tpu.assume_multiple %mul3A_699, 8 : i32
      %swap3A_701 = arith.index_cast %multiple_of3A_700 : i32 to index
      %swap3A_702 = tpu.vector_load %arg16[%swap3A_701] {strides = array<i32>} : memref<10000xf32, #tpu.memory_space<vmem>>, vector<16xf32>,
      tpu.vector_store %arg16[%swap3A_701], %broadcast_in_dim3A_323 {strides = array<i32>} : memref<10000xf32, #tpu.memory_space<vmem>>, vector<16xf32>,
    }
    %scan3A_328 = arith.constant 625 : i32
    %barrier3A = arith.constant 0 : index
    tpu.barrier barrier_id(%barrier3A)
    %mul3A_329 = arith.constant 10000 : i32
    %mul3A_330 = arith.muli %add3A, %mul3A_329 : i32
    %get3A = arith.constant 0 : index
    %get3A_331 = tpu.vector_load %arg19[%get3A] {strides = array<i32>} : memref<128xf32, #tpu.memory_space<vmem>>, vector<16xf32>,
    %get3A_332 = arith.constant 16 : index
    %get3A_333 = tpu.vector_load %arg19[%get3A_332] {strides = array<i32>} : memref<128xf32, #tpu.memory_space<vmem>>, vector<16xf32>,
    %get3A_334 = arith.constant 32 : index
    %get3A_335 = tpu.vector_load %arg19[%get3A_334] {strides = array<i32>} : memref<128xf32, #tpu.memory_space<vmem>>, vector<16xf32>,
    %get3A_336 = arith.constant 48 : index
    %get3A_337 = tpu.vector_load %arg19[%get3A_336] {strides = array<i32>} : memref<128xf32, #tpu.memory_space<vmem>>, vector<16xf32>,
    %get3A_338 = arith.constant 64 : index
    %get3A_339 = tpu.vector_load %arg19[%get3A_338] {strides = array<i32>} : memref<128xf32, #tpu.memory_space<vmem>>, vector<16xf32>,
    %get3A_340 = arith.constant 80 : index
    %get3A_341 = tpu.vector_load %arg19[%get3A_340] {strides = array<i32>} : memref<128xf32, #tpu.memory_space<vmem>>, vector<16xf32>,
    %get3A_342 = arith.constant 96 : index
    %get3A_343 = tpu.vector_load %arg19[%get3A_342] {strides = array<i32>} : memref<128xf32, #tpu.memory_space<vmem>>, vector<16xf32>,
    %get3A_344 = arith.constant 112 : index
    %get3A_345 = tpu.vector_load %arg19[%get3A_344] {strides = array<i32>} : memref<128xf32, #tpu.memory_space<vmem>>, vector<16xf32>,
    %scan3A_346 = arith.constant 0 : i32
    %scan3A_347 = arith.constant 0 : i32
    %scan3A_348 = arith.constant 125 : i32
    %scan3A_349 = arith.addi %scan3A_347, %scan3A_348 : i32
    %scan3A_350 = arith.constant 1 : i32
    scf.for %scan3A_697 = %scan3A_347 to %scan3A_349 step %scan3A_350  : i32 {
      %mul3A_698 = arith.constant 80 : i32
      %mul3A_699 = arith.muli %scan3A_697, %mul3A_698 : i32
      %add3A_700 = arith.addi %mul3A_330, %mul3A_699 : i32
      %multiple_of3A_701 = tpu.assume_multiple %add3A_700, 8 : i32
      %dma_start3A = tpu.memref_slice %arg5[%multiple_of3A_701] : memref<320000xi32, #tpu.memory_space<hbm>> -> memref<80xi32, #tpu.memory_space<hbm>>
      %dma_start3A_702 = tpu.memref_slice %arg5[%multiple_of3A_701] : memref<320000xi32, #tpu.memory_space<hbm>> -> memref<80xi32, #tpu.memory_space<hbm>>
      tpu.enqueue_dma source(%dma_start3A_702 : memref<80xi32, #tpu.memory_space<hbm>>) target(%arg11 : memref<80xi32, #tpu.memory_space<vmem>>) target_semaphore(%arg21 : memref<!tpu.dma_semaphore, #tpu.memory_space<semaphore_mem>>)
      %dma_start3A_703 = tpu.memref_slice %arg6[%multiple_of3A_701] : memref<320000xi32, #tpu.memory_space<hbm>> -> memref<80xi32, #tpu.memory_space<hbm>>
      %dma_start3A_704 = tpu.memref_slice %arg6[%multiple_of3A_701] : memref<320000xi32, #tpu.memory_space<hbm>> -> memref<80xi32, #tpu.memory_space<hbm>>
      tpu.enqueue_dma source(%dma_start3A_704 : memref<80xi32, #tpu.memory_space<hbm>>) target(%arg12 : memref<80xi32, #tpu.memory_space<vmem>>) target_semaphore(%arg22 : memref<!tpu.dma_semaphore, #tpu.memory_space<semaphore_mem>>)
      %dma_start3A_705 = arith.constant 0 : i32
      %dma_start3A_706 = tpu.memref_slice %arg4[%multiple_of3A_701, %dma_start3A_705] : memref<320000x128xf32, #tpu.memory_space<hbm>> -> memref<80x128xf32, #tpu.memory_space<hbm>>
      %dma_start3A_707 = arith.constant 0 : i32
      %dma_start3A_708 = tpu.memref_slice %arg4[%multiple_of3A_701, %dma_start3A_707] : memref<320000x128xf32, #tpu.memory_space<hbm>> -> memref<80x128xf32, #tpu.memory_space<hbm>>
      tpu.enqueue_dma source(%dma_start3A_708 : memref<80x128xf32, #tpu.memory_space<hbm>>) target(%arg15 : memref<80x128xf32, #tpu.memory_space<vmem>>) target_semaphore(%arg23 : memref<!tpu.dma_semaphore, #tpu.memory_space<semaphore_mem>>)
      %dma_wait3A = tpu.memref_slice %arg5[%multiple_of3A_701] : memref<320000xi32, #tpu.memory_space<hbm>> -> memref<80xi32, #tpu.memory_space<hbm>>
      %dma_wait3A_709 = tpu.memref_slice %arg5[%multiple_of3A_701] : memref<320000xi32, #tpu.memory_space<hbm>> -> memref<80xi32, #tpu.memory_space<hbm>>
      tpu.wait_dma2 semaphore(%arg21 : memref<!tpu.dma_semaphore, #tpu.memory_space<semaphore_mem>>) src(%dma_wait3A_709 : memref<80xi32, #tpu.memory_space<hbm>>) dst(%arg11 : memref<80xi32, #tpu.memory_space<vmem>>)
      %dma_wait3A_710 = tpu.memref_slice %arg6[%multiple_of3A_701] : memref<320000xi32, #tpu.memory_space<hbm>> -> memref<80xi32, #tpu.memory_space<hbm>>
      %dma_wait3A_711 = tpu.memref_slice %arg6[%multiple_of3A_701] : memref<320000xi32, #tpu.memory_space<hbm>> -> memref<80xi32, #tpu.memory_space<hbm>>
      tpu.wait_dma2 semaphore(%arg22 : memref<!tpu.dma_semaphore, #tpu.memory_space<semaphore_mem>>) src(%dma_wait3A_711 : memref<80xi32, #tpu.memory_space<hbm>>) dst(%arg12 : memref<80xi32, #tpu.memory_space<vmem>>)
      %dma_start3A_712 = arith.constant 0 : i32
      %dma_start3A_713 = arith.constant 0 : i32
      %dma_start3A_714 = tpu.memref_slice %arg2[%dma_start3A_712, %dma_start3A_713] : memref<10000x128xf32, #tpu.memory_space<hbm>> -> memref<10000x128xf32, #tpu.memory_space<hbm>>
      tpu.enqueue_indirect_dma source(%dma_start3A_714 : memref<10000x128xf32, #tpu.memory_space<hbm>>) target(%arg13 : memref<80x128xf32, #tpu.memory_space<vmem>>) offsets(%arg11 : memref<80xi32, #tpu.memory_space<vmem>>) semaphore(%arg24 : memref<!tpu.dma_semaphore, #tpu.memory_space<semaphore_mem>>)
      %dma_start3A_715 = arith.constant 0 : i32
      %dma_start3A_716 = arith.constant 0 : i32
      %dma_start3A_717 = tpu.memref_slice %arg3[%dma_start3A_715, %dma_start3A_716] : memref<10000x128xf32, #tpu.memory_space<hbm>> -> memref<10000x128xf32, #tpu.memory_space<hbm>>
      tpu.enqueue_indirect_dma source(%dma_start3A_717 : memref<10000x128xf32, #tpu.memory_space<hbm>>) target(%arg14 : memref<80x128xf32, #tpu.memory_space<vmem>>) offsets(%arg12 : memref<80xi32, #tpu.memory_space<vmem>>) semaphore(%arg25 : memref<!tpu.dma_semaphore, #tpu.memory_space<semaphore_mem>>)
      %dma_wait3A_718 = arith.constant 0 : i32
      %dma_wait3A_719 = tpu.memref_slice %arg4[%multiple_of3A_701, %dma_wait3A_718] : memref<320000x128xf32, #tpu.memory_space<hbm>> -> memref<80x128xf32, #tpu.memory_space<hbm>>
      %dma_wait3A_720 = arith.constant 0 : i32
      %dma_wait3A_721 = tpu.memref_slice %arg4[%multiple_of3A_701, %dma_wait3A_720] : memref<320000x128xf32, #tpu.memory_space<hbm>> -> memref<80x128xf32, #tpu.memory_space<hbm>>
      tpu.wait_dma2 semaphore(%arg23 : memref<!tpu.dma_semaphore, #tpu.memory_space<semaphore_mem>>) src(%dma_wait3A_721 : memref<80x128xf32, #tpu.memory_space<hbm>>) dst(%arg15 : memref<80x128xf32, #tpu.memory_space<vmem>>)
      %dma_wait3A_722 = arith.constant 0 : i32
      %dma_wait3A_723 = arith.constant 0 : i32
      %dma_wait3A_724 = tpu.memref_slice %arg2[%dma_wait3A_722, %dma_wait3A_723] : memref<10000x128xf32, #tpu.memory_space<hbm>> -> memref<10000x128xf32, #tpu.memory_space<hbm>>
      tpu.wait_indirect_dma semaphore(%arg24 : memref<!tpu.dma_semaphore, #tpu.memory_space<semaphore_mem>>) src(%dma_wait3A_724 : memref<10000x128xf32, #tpu.memory_space<hbm>>) dst(%arg13 : memref<80x128xf32, #tpu.memory_space<vmem>>)
      %dma_wait3A_725 = arith.constant 0 : i32
      %dma_wait3A_726 = arith.constant 0 : i32
      %dma_wait3A_727 = tpu.memref_slice %arg3[%dma_wait3A_725, %dma_wait3A_726] : memref<10000x128xf32, #tpu.memory_space<hbm>> -> memref<10000x128xf32, #tpu.memory_space<hbm>>
      tpu.wait_indirect_dma semaphore(%arg25 : memref<!tpu.dma_semaphore, #tpu.memory_space<semaphore_mem>>) src(%dma_wait3A_727 : memref<10000x128xf32, #tpu.memory_space<hbm>>) dst(%arg14 : memref<80x128xf32, #tpu.memory_space<vmem>>)
      %iota3A_728 = tpu.iota {dimensions = array<i32: 0>} : vector<16xi32>
      %scan3A_729 = arith.constant 0 : i32
      %scan3A_730 = arith.constant 0 : i32
      %scan3A_731 = arith.constant 5 : i32
      %scan3A_732 = arith.addi %scan3A_730, %scan3A_731 : i32
      %scan3A_733 = arith.constant 1 : i32
      scf.for %scan3A_735 = %scan3A_730 to %scan3A_732 step %scan3A_733  : i32 {
        %mul3A_736 = arith.constant 16 : i32
        %mul3A_737 = arith.muli %scan3A_735, %mul3A_736 : i32
        %scan3A_738 = arith.constant 0 : i32
        %scan3A_739 = arith.constant 0 : i32
        %scan3A_740 = arith.constant 16 : i32
        %scan3A_741 = arith.addi %scan3A_739, %scan3A_740 : i32
        %scan3A_742 = arith.constant 1 : i32
        scf.for %scan3A_930 = %scan3A_739 to %scan3A_741 step %scan3A_742  : i32 {
          %add3A_931 = arith.addi %mul3A_737, %scan3A_930 : i32
          %get3A_932 = arith.index_cast %add3A_931 : i32 to index
          %get3A_933 = arith.constant 0 : index
          %get3A_934 = tpu.vector_load %arg13[%get3A_932, %get3A_933] {strides = array<i32>} : memref<80x128xf32, #tpu.memory_space<vmem>>, vector<16xf32>,
          %get3A_935 = arith.index_cast %add3A_931 : i32 to index
          %get3A_936 = arith.constant 0 : index
          %get3A_937 = tpu.vector_load %arg14[%get3A_935, %get3A_936] {strides = array<i32>} : memref<80x128xf32, #tpu.memory_space<vmem>>, vector<16xf32>,
          %add3A_938 = arith.addf %get3A_934, %get3A_937 : vector<16xf32>
          %get3A_939 = arith.index_cast %add3A_931 : i32 to index
          %get3A_940 = arith.constant 0 : index
          %get3A_941 = tpu.vector_load %arg15[%get3A_939, %get3A_940] {strides = array<i32>} : memref<80x128xf32, #tpu.memory_space<vmem>>, vector<16xf32>,
          %add3A_942 = arith.addf %add3A_938, %get3A_941 : vector<16xf32>
          %mul3A_943 = arith.constant 0.00999999977 : f32
          %mul3A_944 = vector.broadcast %mul3A_943 : f32 to vector<16xf32>
          %mul3A_945 = arith.mulf %mul3A_944, %add3A_942 : vector<16xf32>
          %max3A = arith.maximumf %add3A_942, %mul3A_945 : vector<16xf32>
          %mul3A_946 = arith.mulf %max3A, %get3A_331 : vector<16xf32>
          %get3A_947 = arith.index_cast %add3A_931 : i32 to index
          %get3A_948 = arith.constant 16 : index
          %get3A_949 = tpu.vector_load %arg13[%get3A_947, %get3A_948] {strides = array<i32>} : memref<80x128xf32, #tpu.memory_space<vmem>>, vector<16xf32>,
          %get3A_950 = arith.index_cast %add3A_931 : i32 to index
          %get3A_951 = arith.constant 16 : index
          %get3A_952 = tpu.vector_load %arg14[%get3A_950, %get3A_951] {strides = array<i32>} : memref<80x128xf32, #tpu.memory_space<vmem>>, vector<16xf32>,
          %add3A_953 = arith.addf %get3A_949, %get3A_952 : vector<16xf32>
          %get3A_954 = arith.index_cast %add3A_931 : i32 to index
          %get3A_955 = arith.constant 16 : index
          %get3A_956 = tpu.vector_load %arg15[%get3A_954, %get3A_955] {strides = array<i32>} : memref<80x128xf32, #tpu.memory_space<vmem>>, vector<16xf32>,
          %add3A_957 = arith.addf %add3A_953, %get3A_956 : vector<16xf32>
          %mul3A_958 = arith.constant 0.00999999977 : f32
          %mul3A_959 = vector.broadcast %mul3A_958 : f32 to vector<16xf32>
          %mul3A_960 = arith.mulf %mul3A_959, %add3A_957 : vector<16xf32>
          %max3A_961 = arith.maximumf %add3A_957, %mul3A_960 : vector<16xf32>
          %mul3A_962 = arith.mulf %max3A_961, %get3A_333 : vector<16xf32>
          %add3A_963 = arith.addf %mul3A_946, %mul3A_962 : vector<16xf32>
          %get3A_964 = arith.index_cast %add3A_931 : i32 to index
          %get3A_965 = arith.constant 32 : index
          %get3A_966 = tpu.vector_load %arg13[%get3A_964, %get3A_965] {strides = array<i32>} : memref<80x128xf32, #tpu.memory_space<vmem>>, vector<16xf32>,
          %get3A_967 = arith.index_cast %add3A_931 : i32 to index
          %get3A_968 = arith.constant 32 : index
          %get3A_969 = tpu.vector_load %arg14[%get3A_967, %get3A_968] {strides = array<i32>} : memref<80x128xf32, #tpu.memory_space<vmem>>, vector<16xf32>,
          %add3A_970 = arith.addf %get3A_966, %get3A_969 : vector<16xf32>
          %get3A_971 = arith.index_cast %add3A_931 : i32 to index
          %get3A_972 = arith.constant 32 : index
          %get3A_973 = tpu.vector_load %arg15[%get3A_971, %get3A_972] {strides = array<i32>} : memref<80x128xf32, #tpu.memory_space<vmem>>, vector<16xf32>,
          %add3A_974 = arith.addf %add3A_970, %get3A_973 : vector<16xf32>
          %mul3A_975 = arith.constant 0.00999999977 : f32
          %mul3A_976 = vector.broadcast %mul3A_975 : f32 to vector<16xf32>
          %mul3A_977 = arith.mulf %mul3A_976, %add3A_974 : vector<16xf32>
          %max3A_978 = arith.maximumf %add3A_974, %mul3A_977 : vector<16xf32>
          %mul3A_979 = arith.mulf %max3A_978, %get3A_335 : vector<16xf32>
          %add3A_980 = arith.addf %add3A_963, %mul3A_979 : vector<16xf32>
          %get3A_981 = arith.index_cast %add3A_931 : i32 to index
          %get3A_982 = arith.constant 48 : index
          %get3A_983 = tpu.vector_load %arg13[%get3A_981, %get3A_982] {strides = array<i32>} : memref<80x128xf32, #tpu.memory_space<vmem>>, vector<16xf32>,
          %get3A_984 = arith.index_cast %add3A_931 : i32 to index
          %get3A_985 = arith.constant 48 : index
          %get3A_986 = tpu.vector_load %arg14[%get3A_984, %get3A_985] {strides = array<i32>} : memref<80x128xf32, #tpu.memory_space<vmem>>, vector<16xf32>,
          %add3A_987 = arith.addf %get3A_983, %get3A_986 : vector<16xf32>
          %get3A_988 = arith.index_cast %add3A_931 : i32 to index
          %get3A_989 = arith.constant 48 : index
          %get3A_990 = tpu.vector_load %arg15[%get3A_988, %get3A_989] {strides = array<i32>} : memref<80x128xf32, #tpu.memory_space<vmem>>, vector<16xf32>,
          %add3A_991 = arith.addf %add3A_987, %get3A_990 : vector<16xf32>
          %mul3A_992 = arith.constant 0.00999999977 : f32
          %mul3A_993 = vector.broadcast %mul3A_992 : f32 to vector<16xf32>
          %mul3A_994 = arith.mulf %mul3A_993, %add3A_991 : vector<16xf32>
          %max3A_995 = arith.maximumf %add3A_991, %mul3A_994 : vector<16xf32>
          %mul3A_996 = arith.mulf %max3A_995, %get3A_337 : vector<16xf32>
          %add3A_997 = arith.addf %add3A_980, %mul3A_996 : vector<16xf32>
          %get3A_998 = arith.index_cast %add3A_931 : i32 to index
          %get3A_999 = arith.constant 64 : index
          %get3A_1000 = tpu.vector_load %arg13[%get3A_998, %get3A_999] {strides = array<i32>} : memref<80x128xf32, #tpu.memory_space<vmem>>, vector<16xf32>,
          %get3A_1001 = arith.index_cast %add3A_931 : i32 to index
          %get3A_1002 = arith.constant 64 : index
          %get3A_1003 = tpu.vector_load %arg14[%get3A_1001, %get3A_1002] {strides = array<i32>} : memref<80x128xf32, #tpu.memory_space<vmem>>, vector<16xf32>,
          %add3A_1004 = arith.addf %get3A_1000, %get3A_1003 : vector<16xf32>
          %get3A_1005 = arith.index_cast %add3A_931 : i32 to index
          %get3A_1006 = arith.constant 64 : index
          %get3A_1007 = tpu.vector_load %arg15[%get3A_1005, %get3A_1006] {strides = array<i32>} : memref<80x128xf32, #tpu.memory_space<vmem>>, vector<16xf32>,
          %add3A_1008 = arith.addf %add3A_1004, %get3A_1007 : vector<16xf32>
          %mul3A_1009 = arith.constant 0.00999999977 : f32
          %mul3A_1010 = vector.broadcast %mul3A_1009 : f32 to vector<16xf32>
          %mul3A_1011 = arith.mulf %mul3A_1010, %add3A_1008 : vector<16xf32>
          %max3A_1012 = arith.maximumf %add3A_1008, %mul3A_1011 : vector<16xf32>
          %mul3A_1013 = arith.mulf %max3A_1012, %get3A_339 : vector<16xf32>
          %add3A_1014 = arith.addf %add3A_997, %mul3A_1013 : vector<16xf32>
          %get3A_1015 = arith.index_cast %add3A_931 : i32 to index
          %get3A_1016 = arith.constant 80 : index
          %get3A_1017 = tpu.vector_load %arg13[%get3A_1015, %get3A_1016] {strides = array<i32>} : memref<80x128xf32, #tpu.memory_space<vmem>>, vector<16xf32>,
          %get3A_1018 = arith.index_cast %add3A_931 : i32 to index
          %get3A_1019 = arith.constant 80 : index
          %get3A_1020 = tpu.vector_load %arg14[%get3A_1018, %get3A_1019] {strides = array<i32>} : memref<80x128xf32, #tpu.memory_space<vmem>>, vector<16xf32>,
          %add3A_1021 = arith.addf %get3A_1017, %get3A_1020 : vector<16xf32>
          %get3A_1022 = arith.index_cast %add3A_931 : i32 to index
          %get3A_1023 = arith.constant 80 : index
          %get3A_1024 = tpu.vector_load %arg15[%get3A_1022, %get3A_1023] {strides = array<i32>} : memref<80x128xf32, #tpu.memory_space<vmem>>, vector<16xf32>,
          %add3A_1025 = arith.addf %add3A_1021, %get3A_1024 : vector<16xf32>
          %mul3A_1026 = arith.constant 0.00999999977 : f32
          %mul3A_1027 = vector.broadcast %mul3A_1026 : f32 to vector<16xf32>
          %mul3A_1028 = arith.mulf %mul3A_1027, %add3A_1025 : vector<16xf32>
          %max3A_1029 = arith.maximumf %add3A_1025, %mul3A_1028 : vector<16xf32>
          %mul3A_1030 = arith.mulf %max3A_1029, %get3A_341 : vector<16xf32>
          %add3A_1031 = arith.addf %add3A_1014, %mul3A_1030 : vector<16xf32>
          %get3A_1032 = arith.index_cast %add3A_931 : i32 to index
          %get3A_1033 = arith.constant 96 : index
          %get3A_1034 = tpu.vector_load %arg13[%get3A_1032, %get3A_1033] {strides = array<i32>} : memref<80x128xf32, #tpu.memory_space<vmem>>, vector<16xf32>,
          %get3A_1035 = arith.index_cast %add3A_931 : i32 to index
          %get3A_1036 = arith.constant 96 : index
          %get3A_1037 = tpu.vector_load %arg14[%get3A_1035, %get3A_1036] {strides = array<i32>} : memref<80x128xf32, #tpu.memory_space<vmem>>, vector<16xf32>,
          %add3A_1038 = arith.addf %get3A_1034, %get3A_1037 : vector<16xf32>
          %get3A_1039 = arith.index_cast %add3A_931 : i32 to index
          %get3A_1040 = arith.constant 96 : index
          %get3A_1041 = tpu.vector_load %arg15[%get3A_1039, %get3A_1040] {strides = array<i32>} : memref<80x128xf32, #tpu.memory_space<vmem>>, vector<16xf32>,
          %add3A_1042 = arith.addf %add3A_1038, %get3A_1041 : vector<16xf32>
          %mul3A_1043 = arith.constant 0.00999999977 : f32
          %mul3A_1044 = vector.broadcast %mul3A_1043 : f32 to vector<16xf32>
          %mul3A_1045 = arith.mulf %mul3A_1044, %add3A_1042 : vector<16xf32>
          %max3A_1046 = arith.maximumf %add3A_1042, %mul3A_1045 : vector<16xf32>
          %mul3A_1047 = arith.mulf %max3A_1046, %get3A_343 : vector<16xf32>
          %add3A_1048 = arith.addf %add3A_1031, %mul3A_1047 : vector<16xf32>
          %get3A_1049 = arith.index_cast %add3A_931 : i32 to index
          %get3A_1050 = arith.constant 112 : index
          %get3A_1051 = tpu.vector_load %arg13[%get3A_1049, %get3A_1050] {strides = array<i32>} : memref<80x128xf32, #tpu.memory_space<vmem>>, vector<16xf32>,
          %get3A_1052 = arith.index_cast %add3A_931 : i32 to index
          %get3A_1053 = arith.constant 112 : index
          %get3A_1054 = tpu.vector_load %arg14[%get3A_1052, %get3A_1053] {strides = array<i32>} : memref<80x128xf32, #tpu.memory_space<vmem>>, vector<16xf32>,
          %add3A_1055 = arith.addf %get3A_1051, %get3A_1054 : vector<16xf32>
          %get3A_1056 = arith.index_cast %add3A_931 : i32 to index
          %get3A_1057 = arith.constant 112 : index
          %get3A_1058 = tpu.vector_load %arg15[%get3A_1056, %get3A_1057] {strides = array<i32>} : memref<80x128xf32, #tpu.memory_space<vmem>>, vector<16xf32>,
          %add3A_1059 = arith.addf %add3A_1055, %get3A_1058 : vector<16xf32>
          %mul3A_1060 = arith.constant 0.00999999977 : f32
          %mul3A_1061 = vector.broadcast %mul3A_1060 : f32 to vector<16xf32>
          %mul3A_1062 = arith.mulf %mul3A_1061, %add3A_1059 : vector<16xf32>
          %max3A_1063 = arith.maximumf %add3A_1059, %mul3A_1062 : vector<16xf32>
          %mul3A_1064 = arith.mulf %max3A_1063, %get3A_345 : vector<16xf32>
          %add3A_1065 = arith.addf %add3A_1048, %mul3A_1064 : vector<16xf32>
          %mul3A_1066 = arith.constant 16 : i32
          %mul3A_1067 = arith.muli %scan3A_930, %mul3A_1066 : i32
          %multiple_of3A_1068 = tpu.assume_multiple %mul3A_1067, 8 : i32
          %swap3A_1069 = arith.index_cast %multiple_of3A_1068 : i32 to index
          %swap3A_1070 = tpu.vector_load %arg17[%swap3A_1069] {strides = array<i32>} : memref<256xf32, #tpu.memory_space<vmem>>, vector<16xf32>,
          tpu.vector_store %arg17[%swap3A_1069], %add3A_1065 {strides = array<i32>} : memref<256xf32, #tpu.memory_space<vmem>>, vector<16xf32>,
        }
        %scan3A_743 = arith.constant 16 : i32
        %mul3A_744 = arith.constant 16 : i32
        %mul3A_745 = vector.broadcast %mul3A_744 : i32 to vector<16xi32>
        %mul3A_746 = arith.muli %iota3A_728, %mul3A_745 : vector<16xi32>
        %add3A_747 = arith.constant 0 : i32
        %add3A_748 = vector.broadcast %add3A_747 : i32 to vector<16xi32>
        %add3A_749 = arith.addi %mul3A_746, %add3A_748 : vector<16xi32>
        %gather3A = tpu.vector_load_idx %arg17[%add3A_749] : memref<256xf32, #tpu.memory_space<vmem>>[vector<16xi32>], vector<16xf32>,
        %mul3A_750 = arith.constant 16 : i32
        %mul3A_751 = vector.broadcast %mul3A_750 : i32 to vector<16xi32>
        %mul3A_752 = arith.muli %iota3A_728, %mul3A_751 : vector<16xi32>
        %add3A_753 = arith.constant 1 : i32
        %add3A_754 = vector.broadcast %add3A_753 : i32 to vector<16xi32>
        %add3A_755 = arith.addi %mul3A_752, %add3A_754 : vector<16xi32>
        %gather3A_756 = tpu.vector_load_idx %arg17[%add3A_755] : memref<256xf32, #tpu.memory_space<vmem>>[vector<16xi32>], vector<16xf32>,
        %add3A_757 = arith.addf %gather3A, %gather3A_756 : vector<16xf32>
        %mul3A_758 = arith.constant 16 : i32
        %mul3A_759 = vector.broadcast %mul3A_758 : i32 to vector<16xi32>
        %mul3A_760 = arith.muli %iota3A_728, %mul3A_759 : vector<16xi32>
        %add3A_761 = arith.constant 2 : i32
        %add3A_762 = vector.broadcast %add3A_761 : i32 to vector<16xi32>
        %add3A_763 = arith.addi %mul3A_760, %add3A_762 : vector<16xi32>
        %gather3A_764 = tpu.vector_load_idx %arg17[%add3A_763] : memref<256xf32, #tpu.memory_space<vmem>>[vector<16xi32>], vector<16xf32>,
        %add3A_765 = arith.addf %add3A_757, %gather3A_764 : vector<16xf32>
        %mul3A_766 = arith.constant 16 : i32
        %mul3A_767 = vector.broadcast %mul3A_766 : i32 to vector<16xi32>
        %mul3A_768 = arith.muli %iota3A_728, %mul3A_767 : vector<16xi32>
        %add3A_769 = arith.constant 3 : i32
        %add3A_770 = vector.broadcast %add3A_769 : i32 to vector<16xi32>
        %add3A_771 = arith.addi %mul3A_768, %add3A_770 : vector<16xi32>
        %gather3A_772 = tpu.vector_load_idx %arg17[%add3A_771] : memref<256xf32, #tpu.memory_space<vmem>>[vector<16xi32>], vector<16xf32>,
        %add3A_773 = arith.addf %add3A_765, %gather3A_772 : vector<16xf32>
        %mul3A_774 = arith.constant 16 : i32
        %mul3A_775 = vector.broadcast %mul3A_774 : i32 to vector<16xi32>
        %mul3A_776 = arith.muli %iota3A_728, %mul3A_775 : vector<16xi32>
        %add3A_777 = arith.constant 4 : i32
        %add3A_778 = vector.broadcast %add3A_777 : i32 to vector<16xi32>
        %add3A_779 = arith.addi %mul3A_776, %add3A_778 : vector<16xi32>
        %gather3A_780 = tpu.vector_load_idx %arg17[%add3A_779] : memref<256xf32, #tpu.memory_space<vmem>>[vector<16xi32>], vector<16xf32>,
        %add3A_781 = arith.addf %add3A_773, %gather3A_780 : vector<16xf32>
        %mul3A_782 = arith.constant 16 : i32
        %mul3A_783 = vector.broadcast %mul3A_782 : i32 to vector<16xi32>
        %mul3A_784 = arith.muli %iota3A_728, %mul3A_783 : vector<16xi32>
        %add3A_785 = arith.constant 5 : i32
        %add3A_786 = vector.broadcast %add3A_785 : i32 to vector<16xi32>
        %add3A_787 = arith.addi %mul3A_784, %add3A_786 : vector<16xi32>
        %gather3A_788 = tpu.vector_load_idx %arg17[%add3A_787] : memref<256xf32, #tpu.memory_space<vmem>>[vector<16xi32>], vector<16xf32>,
        %add3A_789 = arith.addf %add3A_781, %gather3A_788 : vector<16xf32>
        %mul3A_790 = arith.constant 16 : i32
        %mul3A_791 = vector.broadcast %mul3A_790 : i32 to vector<16xi32>
        %mul3A_792 = arith.muli %iota3A_728, %mul3A_791 : vector<16xi32>
        %add3A_793 = arith.constant 6 : i32
        %add3A_794 = vector.broadcast %add3A_793 : i32 to vector<16xi32>
        %add3A_795 = arith.addi %mul3A_792, %add3A_794 : vector<16xi32>
        %gather3A_796 = tpu.vector_load_idx %arg17[%add3A_795] : memref<256xf32, #tpu.memory_space<vmem>>[vector<16xi32>], vector<16xf32>,
        %add3A_797 = arith.addf %add3A_789, %gather3A_796 : vector<16xf32>
        %mul3A_798 = arith.constant 16 : i32
        %mul3A_799 = vector.broadcast %mul3A_798 : i32 to vector<16xi32>
        %mul3A_800 = arith.muli %iota3A_728, %mul3A_799 : vector<16xi32>
        %add3A_801 = arith.constant 7 : i32
        %add3A_802 = vector.broadcast %add3A_801 : i32 to vector<16xi32>
        %add3A_803 = arith.addi %mul3A_800, %add3A_802 : vector<16xi32>
        %gather3A_804 = tpu.vector_load_idx %arg17[%add3A_803] : memref<256xf32, #tpu.memory_space<vmem>>[vector<16xi32>], vector<16xf32>,
        %add3A_805 = arith.addf %add3A_797, %gather3A_804 : vector<16xf32>
        %mul3A_806 = arith.constant 16 : i32
        %mul3A_807 = vector.broadcast %mul3A_806 : i32 to vector<16xi32>
        %mul3A_808 = arith.muli %iota3A_728, %mul3A_807 : vector<16xi32>
        %add3A_809 = arith.constant 8 : i32
        %add3A_810 = vector.broadcast %add3A_809 : i32 to vector<16xi32>
        %add3A_811 = arith.addi %mul3A_808, %add3A_810 : vector<16xi32>
        %gather3A_812 = tpu.vector_load_idx %arg17[%add3A_811] : memref<256xf32, #tpu.memory_space<vmem>>[vector<16xi32>], vector<16xf32>,
        %add3A_813 = arith.addf %add3A_805, %gather3A_812 : vector<16xf32>
        %mul3A_814 = arith.constant 16 : i32
        %mul3A_815 = vector.broadcast %mul3A_814 : i32 to vector<16xi32>
        %mul3A_816 = arith.muli %iota3A_728, %mul3A_815 : vector<16xi32>
        %add3A_817 = arith.constant 9 : i32
        %add3A_818 = vector.broadcast %add3A_817 : i32 to vector<16xi32>
        %add3A_819 = arith.addi %mul3A_816, %add3A_818 : vector<16xi32>
        %gather3A_820 = tpu.vector_load_idx %arg17[%add3A_819] : memref<256xf32, #tpu.memory_space<vmem>>[vector<16xi32>], vector<16xf32>,
        %add3A_821 = arith.addf %add3A_813, %gather3A_820 : vector<16xf32>
        %mul3A_822 = arith.constant 16 : i32
        %mul3A_823 = vector.broadcast %mul3A_822 : i32 to vector<16xi32>
        %mul3A_824 = arith.muli %iota3A_728, %mul3A_823 : vector<16xi32>
        %add3A_825 = arith.constant 10 : i32
        %add3A_826 = vector.broadcast %add3A_825 : i32 to vector<16xi32>
        %add3A_827 = arith.addi %mul3A_824, %add3A_826 : vector<16xi32>
        %gather3A_828 = tpu.vector_load_idx %arg17[%add3A_827] : memref<256xf32, #tpu.memory_space<vmem>>[vector<16xi32>], vector<16xf32>,
        %add3A_829 = arith.addf %add3A_821, %gather3A_828 : vector<16xf32>
        %mul3A_830 = arith.constant 16 : i32
        %mul3A_831 = vector.broadcast %mul3A_830 : i32 to vector<16xi32>
        %mul3A_832 = arith.muli %iota3A_728, %mul3A_831 : vector<16xi32>
        %add3A_833 = arith.constant 11 : i32
        %add3A_834 = vector.broadcast %add3A_833 : i32 to vector<16xi32>
        %add3A_835 = arith.addi %mul3A_832, %add3A_834 : vector<16xi32>
        %gather3A_836 = tpu.vector_load_idx %arg17[%add3A_835] : memref<256xf32, #tpu.memory_space<vmem>>[vector<16xi32>], vector<16xf32>,
        %add3A_837 = arith.addf %add3A_829, %gather3A_836 : vector<16xf32>
        %mul3A_838 = arith.constant 16 : i32
        %mul3A_839 = vector.broadcast %mul3A_838 : i32 to vector<16xi32>
        %mul3A_840 = arith.muli %iota3A_728, %mul3A_839 : vector<16xi32>
        %add3A_841 = arith.constant 12 : i32
        %add3A_842 = vector.broadcast %add3A_841 : i32 to vector<16xi32>
        %add3A_843 = arith.addi %mul3A_840, %add3A_842 : vector<16xi32>
        %gather3A_844 = tpu.vector_load_idx %arg17[%add3A_843] : memref<256xf32, #tpu.memory_space<vmem>>[vector<16xi32>], vector<16xf32>,
        %add3A_845 = arith.addf %add3A_837, %gather3A_844 : vector<16xf32>
        %mul3A_846 = arith.constant 16 : i32
        %mul3A_847 = vector.broadcast %mul3A_846 : i32 to vector<16xi32>
        %mul3A_848 = arith.muli %iota3A_728, %mul3A_847 : vector<16xi32>
        %add3A_849 = arith.constant 13 : i32
        %add3A_850 = vector.broadcast %add3A_849 : i32 to vector<16xi32>
        %add3A_851 = arith.addi %mul3A_848, %add3A_850 : vector<16xi32>
        %gather3A_852 = tpu.vector_load_idx %arg17[%add3A_851] : memref<256xf32, #tpu.memory_space<vmem>>[vector<16xi32>], vector<16xf32>,
        %add3A_853 = arith.addf %add3A_845, %gather3A_852 : vector<16xf32>
        %mul3A_854 = arith.constant 16 : i32
        %mul3A_855 = vector.broadcast %mul3A_854 : i32 to vector<16xi32>
        %mul3A_856 = arith.muli %iota3A_728, %mul3A_855 : vector<16xi32>
        %add3A_857 = arith.constant 14 : i32
        %add3A_858 = vector.broadcast %add3A_857 : i32 to vector<16xi32>
        %add3A_859 = arith.addi %mul3A_856, %add3A_858 : vector<16xi32>
        %gather3A_860 = tpu.vector_load_idx %arg17[%add3A_859] : memref<256xf32, #tpu.memory_space<vmem>>[vector<16xi32>], vector<16xf32>,
        %add3A_861 = arith.addf %add3A_853, %gather3A_860 : vector<16xf32>
        %mul3A_862 = arith.constant 16 : i32
        %mul3A_863 = vector.broadcast %mul3A_862 : i32 to vector<16xi32>
        %mul3A_864 = arith.muli %iota3A_728, %mul3A_863 : vector<16xi32>
        %add3A_865 = arith.constant 15 : i32
        %add3A_866 = vector.broadcast %add3A_865 : i32 to vector<16xi32>
        %add3A_867 = arith.addi %mul3A_864, %add3A_866 : vector<16xi32>
        %gather3A_868 = tpu.vector_load_idx %arg17[%add3A_867] : memref<256xf32, #tpu.memory_space<vmem>>[vector<16xi32>], vector<16xf32>,
        %add3A_869 = arith.addf %add3A_861, %gather3A_868 : vector<16xf32>
        %exp3A = math.exp %add3A_869 : vector<16xf32>
        %swap3A_870 = arith.constant 0 : index
        %swap3A_871 = tpu.vector_load %arg18[%swap3A_870] {strides = array<i32>} : memref<16xf32, #tpu.memory_space<vmem>>, vector<16xf32>,
        tpu.vector_store %arg18[%swap3A_870], %exp3A {strides = array<i32>} : memref<16xf32, #tpu.memory_space<vmem>>, vector<16xf32>,
        %multiple_of3A_872 = tpu.assume_multiple %mul3A_737, 8 : i32
        %get3A_873 = arith.index_cast %multiple_of3A_872 : i32 to index
        %get3A_874 = tpu.vector_load %arg12[%get3A_873] {strides = array<i32>} : memref<80xi32, #tpu.memory_space<vmem>>, vector<16xi32>,
        %get3A_875 = arith.constant 0 : index
        %get3A_876 = tpu.vector_load %arg18[%get3A_875] {strides = array<i32>} : memref<16xf32, #tpu.memory_space<vmem>>, vector<16xf32>,
        %eq3A = arith.constant 0 : i32
        %eq3A_877 = vector.broadcast %eq3A : i32 to vector<16xi32>
        %eq3A_878 = arith.cmpi eq, %iota3A_728, %eq3A_877 : vector<16xi32>
        tpu.vector_store_idx %arg16[%get3A_874], %get3A_876 masked %eq3A_878 {add = true} : memref<10000xf32, #tpu.memory_space<vmem>>[vector<16xi32>], vector<16xf32>, vector<16xi1>
        %eq3A_879 = arith.constant 1 : i32
        %eq3A_880 = vector.broadcast %eq3A_879 : i32 to vector<16xi32>
        %eq3A_881 = arith.cmpi eq, %iota3A_728, %eq3A_880 : vector<16xi32>
        tpu.vector_store_idx %arg16[%get3A_874], %get3A_876 masked %eq3A_881 {add = true} : memref<10000xf32, #tpu.memory_space<vmem>>[vector<16xi32>], vector<16xf32>, vector<16xi1>
        %eq3A_882 = arith.constant 2 : i32
        %eq3A_883 = vector.broadcast %eq3A_882 : i32 to vector<16xi32>
        %eq3A_884 = arith.cmpi eq, %iota3A_728, %eq3A_883 : vector<16xi32>
        tpu.vector_store_idx %arg16[%get3A_874], %get3A_876 masked %eq3A_884 {add = true} : memref<10000xf32, #tpu.memory_space<vmem>>[vector<16xi32>], vector<16xf32>, vector<16xi1>
        %eq3A_885 = arith.constant 3 : i32
        %eq3A_886 = vector.broadcast %eq3A_885 : i32 to vector<16xi32>
        %eq3A_887 = arith.cmpi eq, %iota3A_728, %eq3A_886 : vector<16xi32>
        tpu.vector_store_idx %arg16[%get3A_874], %get3A_876 masked %eq3A_887 {add = true} : memref<10000xf32, #tpu.memory_space<vmem>>[vector<16xi32>], vector<16xf32>, vector<16xi1>
        %eq3A_888 = arith.constant 4 : i32
        %eq3A_889 = vector.broadcast %eq3A_888 : i32 to vector<16xi32>
        %eq3A_890 = arith.cmpi eq, %iota3A_728, %eq3A_889 : vector<16xi32>
        tpu.vector_store_idx %arg16[%get3A_874], %get3A_876 masked %eq3A_890 {add = true} : memref<10000xf32, #tpu.memory_space<vmem>>[vector<16xi32>], vector<16xf32>, vector<16xi1>
        %eq3A_891 = arith.constant 5 : i32
        %eq3A_892 = vector.broadcast %eq3A_891 : i32 to vector<16xi32>
        %eq3A_893 = arith.cmpi eq, %iota3A_728, %eq3A_892 : vector<16xi32>
        tpu.vector_store_idx %arg16[%get3A_874], %get3A_876 masked %eq3A_893 {add = true} : memref<10000xf32, #tpu.memory_space<vmem>>[vector<16xi32>], vector<16xf32>, vector<16xi1>
        %eq3A_894 = arith.constant 6 : i32
        %eq3A_895 = vector.broadcast %eq3A_894 : i32 to vector<16xi32>
        %eq3A_896 = arith.cmpi eq, %iota3A_728, %eq3A_895 : vector<16xi32>
        tpu.vector_store_idx %arg16[%get3A_874], %get3A_876 masked %eq3A_896 {add = true} : memref<10000xf32, #tpu.memory_space<vmem>>[vector<16xi32>], vector<16xf32>, vector<16xi1>
        %eq3A_897 = arith.constant 7 : i32
        %eq3A_898 = vector.broadcast %eq3A_897 : i32 to vector<16xi32>
        %eq3A_899 = arith.cmpi eq, %iota3A_728, %eq3A_898 : vector<16xi32>
        tpu.vector_store_idx %arg16[%get3A_874], %get3A_876 masked %eq3A_899 {add = true} : memref<10000xf32, #tpu.memory_space<vmem>>[vector<16xi32>], vector<16xf32>, vector<16xi1>
        %eq3A_900 = arith.constant 8 : i32
        %eq3A_901 = vector.broadcast %eq3A_900 : i32 to vector<16xi32>
        %eq3A_902 = arith.cmpi eq, %iota3A_728, %eq3A_901 : vector<16xi32>
        tpu.vector_store_idx %arg16[%get3A_874], %get3A_876 masked %eq3A_902 {add = true} : memref<10000xf32, #tpu.memory_space<vmem>>[vector<16xi32>], vector<16xf32>, vector<16xi1>
        %eq3A_903 = arith.constant 9 : i32
        %eq3A_904 = vector.broadcast %eq3A_903 : i32 to vector<16xi32>
        %eq3A_905 = arith.cmpi eq, %iota3A_728, %eq3A_904 : vector<16xi32>
        tpu.vector_store_idx %arg16[%get3A_874], %get3A_876 masked %eq3A_905 {add = true} : memref<10000xf32, #tpu.memory_space<vmem>>[vector<16xi32>], vector<16xf32>, vector<16xi1>
        %eq3A_906 = arith.constant 10 : i32
        %eq3A_907 = vector.broadcast %eq3A_906 : i32 to vector<16xi32>
        %eq3A_908 = arith.cmpi eq, %iota3A_728, %eq3A_907 : vector<16xi32>
        tpu.vector_store_idx %arg16[%get3A_874], %get3A_876 masked %eq3A_908 {add = true} : memref<10000xf32, #tpu.memory_space<vmem>>[vector<16xi32>], vector<16xf32>, vector<16xi1>
        %eq3A_909 = arith.constant 11 : i32
        %eq3A_910 = vector.broadcast %eq3A_909 : i32 to vector<16xi32>
        %eq3A_911 = arith.cmpi eq, %iota3A_728, %eq3A_910 : vector<16xi32>
        tpu.vector_store_idx %arg16[%get3A_874], %get3A_876 masked %eq3A_911 {add = true} : memref<10000xf32, #tpu.memory_space<vmem>>[vector<16xi32>], vector<16xf32>, vector<16xi1>
        %eq3A_912 = arith.constant 12 : i32
        %eq3A_913 = vector.broadcast %eq3A_912 : i32 to vector<16xi32>
        %eq3A_914 = arith.cmpi eq, %iota3A_728, %eq3A_913 : vector<16xi32>
        tpu.vector_store_idx %arg16[%get3A_874], %get3A_876 masked %eq3A_914 {add = true} : memref<10000xf32, #tpu.memory_space<vmem>>[vector<16xi32>], vector<16xf32>, vector<16xi1>
        %eq3A_915 = arith.constant 13 : i32
        %eq3A_916 = vector.broadcast %eq3A_915 : i32 to vector<16xi32>
        %eq3A_917 = arith.cmpi eq, %iota3A_728, %eq3A_916 : vector<16xi32>
        tpu.vector_store_idx %arg16[%get3A_874], %get3A_876 masked %eq3A_917 {add = true} : memref<10000xf32, #tpu.memory_space<vmem>>[vector<16xi32>], vector<16xf32>, vector<16xi1>
        %eq3A_918 = arith.constant 14 : i32
        %eq3A_919 = vector.broadcast %eq3A_918 : i32 to vector<16xi32>
        %eq3A_920 = arith.cmpi eq, %iota3A_728, %eq3A_919 : vector<16xi32>
        tpu.vector_store_idx %arg16[%get3A_874], %get3A_876 masked %eq3A_920 {add = true} : memref<10000xf32, #tpu.memory_space<vmem>>[vector<16xi32>], vector<16xf32>, vector<16xi1>
        %eq3A_921 = arith.constant 15 : i32
        %eq3A_922 = vector.broadcast %eq3A_921 : i32 to vector<16xi32>
        %eq3A_923 = arith.cmpi eq, %iota3A_728, %eq3A_922 : vector<16xi32>
        tpu.vector_store_idx %arg16[%get3A_874], %get3A_876 masked %eq3A_923 {add = true} : memref<10000xf32, #tpu.memory_space<vmem>>[vector<16xi32>], vector<16xf32>, vector<16xi1>
        %scan3A_924 = arith.constant 0 : i32
        %scan3A_925 = arith.constant 0 : i32
        %scan3A_926 = arith.constant 16 : i32
        %scan3A_927 = arith.addi %scan3A_925, %scan3A_926 : i32
        %scan3A_928 = arith.constant 1 : i32
        scf.for %scan3A_930 = %scan3A_925 to %scan3A_927 step %scan3A_928  : i32 {
          %add3A_931 = arith.addi %mul3A_737, %scan3A_930 : i32
          %broadcast_in_dim3A_932 = vector.broadcast %scan3A_930 : i32 to vector<16xi32>
          %gather3A_933 = tpu.vector_load_idx %arg18[%broadcast_in_dim3A_932] : memref<16xf32, #tpu.memory_space<vmem>>[vector<16xi32>], vector<16xf32>,
          %get3A_934 = arith.index_cast %add3A_931 : i32 to index
          %get3A_935 = arith.constant 0 : index
          %get3A_936 = tpu.vector_load %arg13[%get3A_934, %get3A_935] {strides = array<i32>} : memref<80x128xf32, #tpu.memory_space<vmem>>, vector<16xf32>,
          %mul3A_937 = arith.mulf %get3A_936, %gather3A_933 : vector<16xf32>
          %swap3A_938 = arith.index_cast %add3A_931 : i32 to index
          %swap3A_939 = arith.constant 0 : index
          %swap3A_940 = tpu.vector_load %arg13[%swap3A_938, %swap3A_939] {strides = array<i32>} : memref<80x128xf32, #tpu.memory_space<vmem>>, vector<16xf32>,
          tpu.vector_store %arg13[%swap3A_938, %swap3A_939], %mul3A_937 {strides = array<i32>} : memref<80x128xf32, #tpu.memory_space<vmem>>, vector<16xf32>,
          %get3A_941 = arith.index_cast %add3A_931 : i32 to index
          %get3A_942 = arith.constant 16 : index
          %get3A_943 = tpu.vector_load %arg13[%get3A_941, %get3A_942] {strides = array<i32>} : memref<80x128xf32, #tpu.memory_space<vmem>>, vector<16xf32>,
          %mul3A_944 = arith.mulf %get3A_943, %gather3A_933 : vector<16xf32>
          %swap3A_945 = arith.index_cast %add3A_931 : i32 to index
          %swap3A_946 = arith.constant 16 : index
          %swap3A_947 = tpu.vector_load %arg13[%swap3A_945, %swap3A_946] {strides = array<i32>} : memref<80x128xf32, #tpu.memory_space<vmem>>, vector<16xf32>,
          tpu.vector_store %arg13[%swap3A_945, %swap3A_946], %mul3A_944 {strides = array<i32>} : memref<80x128xf32, #tpu.memory_space<vmem>>, vector<16xf32>,
          %get3A_948 = arith.index_cast %add3A_931 : i32 to index
          %get3A_949 = arith.constant 32 : index
          %get3A_950 = tpu.vector_load %arg13[%get3A_948, %get3A_949] {strides = array<i32>} : memref<80x128xf32, #tpu.memory_space<vmem>>, vector<16xf32>,
          %mul3A_951 = arith.mulf %get3A_950, %gather3A_933 : vector<16xf32>
          %swap3A_952 = arith.index_cast %add3A_931 : i32 to index
          %swap3A_953 = arith.constant 32 : index
          %swap3A_954 = tpu.vector_load %arg13[%swap3A_952, %swap3A_953] {strides = array<i32>} : memref<80x128xf32, #tpu.memory_space<vmem>>, vector<16xf32>,
          tpu.vector_store %arg13[%swap3A_952, %swap3A_953], %mul3A_951 {strides = array<i32>} : memref<80x128xf32, #tpu.memory_space<vmem>>, vector<16xf32>,
          %get3A_955 = arith.index_cast %add3A_931 : i32 to index
          %get3A_956 = arith.constant 48 : index
          %get3A_957 = tpu.vector_load %arg13[%get3A_955, %get3A_956] {strides = array<i32>} : memref<80x128xf32, #tpu.memory_space<vmem>>, vector<16xf32>,
          %mul3A_958 = arith.mulf %get3A_957, %gather3A_933 : vector<16xf32>
          %swap3A_959 = arith.index_cast %add3A_931 : i32 to index
          %swap3A_960 = arith.constant 48 : index
          %swap3A_961 = tpu.vector_load %arg13[%swap3A_959, %swap3A_960] {strides = array<i32>} : memref<80x128xf32, #tpu.memory_space<vmem>>, vector<16xf32>,
          tpu.vector_store %arg13[%swap3A_959, %swap3A_960], %mul3A_958 {strides = array<i32>} : memref<80x128xf32, #tpu.memory_space<vmem>>, vector<16xf32>,
          %get3A_962 = arith.index_cast %add3A_931 : i32 to index
          %get3A_963 = arith.constant 64 : index
          %get3A_964 = tpu.vector_load %arg13[%get3A_962, %get3A_963] {strides = array<i32>} : memref<80x128xf32, #tpu.memory_space<vmem>>, vector<16xf32>,
          %mul3A_965 = arith.mulf %get3A_964, %gather3A_933 : vector<16xf32>
          %swap3A_966 = arith.index_cast %add3A_931 : i32 to index
          %swap3A_967 = arith.constant 64 : index
          %swap3A_968 = tpu.vector_load %arg13[%swap3A_966, %swap3A_967] {strides = array<i32>} : memref<80x128xf32, #tpu.memory_space<vmem>>, vector<16xf32>,
          tpu.vector_store %arg13[%swap3A_966, %swap3A_967], %mul3A_965 {strides = array<i32>} : memref<80x128xf32, #tpu.memory_space<vmem>>, vector<16xf32>,
          %get3A_969 = arith.index_cast %add3A_931 : i32 to index
          %get3A_970 = arith.constant 80 : index
          %get3A_971 = tpu.vector_load %arg13[%get3A_969, %get3A_970] {strides = array<i32>} : memref<80x128xf32, #tpu.memory_space<vmem>>, vector<16xf32>,
          %mul3A_972 = arith.mulf %get3A_971, %gather3A_933 : vector<16xf32>
          %swap3A_973 = arith.index_cast %add3A_931 : i32 to index
          %swap3A_974 = arith.constant 80 : index
          %swap3A_975 = tpu.vector_load %arg13[%swap3A_973, %swap3A_974] {strides = array<i32>} : memref<80x128xf32, #tpu.memory_space<vmem>>, vector<16xf32>,
          tpu.vector_store %arg13[%swap3A_973, %swap3A_974], %mul3A_972 {strides = array<i32>} : memref<80x128xf32, #tpu.memory_space<vmem>>, vector<16xf32>,
          %get3A_976 = arith.index_cast %add3A_931 : i32 to index
          %get3A_977 = arith.constant 96 : index
          %get3A_978 = tpu.vector_load %arg13[%get3A_976, %get3A_977] {strides = array<i32>} : memref<80x128xf32, #tpu.memory_space<vmem>>, vector<16xf32>,
          %mul3A_979 = arith.mulf %get3A_978, %gather3A_933 : vector<16xf32>
          %swap3A_980 = arith.index_cast %add3A_931 : i32 to index
          %swap3A_981 = arith.constant 96 : index
          %swap3A_982 = tpu.vector_load %arg13[%swap3A_980, %swap3A_981] {strides = array<i32>} : memref<80x128xf32, #tpu.memory_space<vmem>>, vector<16xf32>,
          tpu.vector_store %arg13[%swap3A_980, %swap3A_981], %mul3A_979 {strides = array<i32>} : memref<80x128xf32, #tpu.memory_space<vmem>>, vector<16xf32>,
          %get3A_983 = arith.index_cast %add3A_931 : i32 to index
          %get3A_984 = arith.constant 112 : index
          %get3A_985 = tpu.vector_load %arg13[%get3A_983, %get3A_984] {strides = array<i32>} : memref<80x128xf32, #tpu.memory_space<vmem>>, vector<16xf32>,
          %mul3A_986 = arith.mulf %get3A_985, %gather3A_933 : vector<16xf32>
          %swap3A_987 = arith.index_cast %add3A_931 : i32 to index
          %swap3A_988 = arith.constant 112 : index
          %swap3A_989 = tpu.vector_load %arg13[%swap3A_987, %swap3A_988] {strides = array<i32>} : memref<80x128xf32, #tpu.memory_space<vmem>>, vector<16xf32>,
          tpu.vector_store %arg13[%swap3A_987, %swap3A_988], %mul3A_986 {strides = array<i32>} : memref<80x128xf32, #tpu.memory_space<vmem>>, vector<16xf32>,
        }
        %scan3A_929 = arith.constant 16 : i32
      }
      %scan3A_734 = arith.constant 5 : i32
      "tpu.region"() ({
        %run_scoped3A = tpu.sem_alloc : memref<!tpu.dma_semaphore, #tpu.memory_space<semaphore_mem>>
        %dma_start3A_735 = arith.constant 0 : i32
        %dma_start3A_736 = arith.constant 0 : i32
        %dma_start3A_737 = tpu.memref_slice %arg26[%dma_start3A_735, %dma_start3A_736] : memref<10000x128xf32, #tpu.memory_space<vmem_shared>> -> memref<10000x128xf32, #tpu.memory_space<vmem_shared>>
        tpu.enqueue_indirect_dma source(%arg13 : memref<80x128xf32, #tpu.memory_space<vmem>>) target(%dma_start3A_737 : memref<10000x128xf32, #tpu.memory_space<vmem_shared>>) offsets(%arg12 : memref<80xi32, #tpu.memory_space<vmem>>) semaphore(%run_scoped3A : memref<!tpu.dma_semaphore, #tpu.memory_space<semaphore_mem>>) {add = true}
        %dma_wait3A_738 = arith.constant 0 : i32
        %dma_wait3A_739 = arith.constant 0 : i32
        %dma_wait3A_740 = tpu.memref_slice %arg26[%dma_wait3A_738, %dma_wait3A_739] : memref<10000x128xf32, #tpu.memory_space<vmem_shared>> -> memref<10000x128xf32, #tpu.memory_space<vmem_shared>>
        tpu.wait_indirect_dma semaphore(%run_scoped3A : memref<!tpu.dma_semaphore, #tpu.memory_space<semaphore_mem>>) src(%arg13 : memref<80x128xf32, #tpu.memory_space<vmem>>) dst(%dma_wait3A_740 : memref<10000x128xf32, #tpu.memory_space<vmem_shared>>)
        tpu.yield
      }) : () -> ()
    }
    %scan3A_351 = arith.constant 125 : i32
    "tpu.region"() ({
      %run_scoped3A = tpu.sem_alloc : memref<!tpu.dma_semaphore, #tpu.memory_space<semaphore_mem>>
      %dma_start3A = arith.constant 0 : i32
      %dma_start3A_697 = tpu.memref_slice %arg10[%add3A, %dma_start3A] : memref<32x10000xf32, #tpu.memory_space<hbm>> -> memref<1x10000xf32, #tpu.memory_space<hbm>>
      %dma_start3A_698 = tpu.memref_squeeze %dma_start3A_697 : memref<1x10000xf32, #tpu.memory_space<hbm>> -> memref<10000xf32, #tpu.memory_space<hbm>>
      %dma_start3A_699 = arith.constant 0 : i32
      %dma_start3A_700 = tpu.memref_slice %arg10[%add3A, %dma_start3A_699] : memref<32x10000xf32, #tpu.memory_space<hbm>> -> memref<1x10000xf32, #tpu.memory_space<hbm>>
      %dma_start3A_701 = tpu.memref_squeeze %dma_start3A_700 : memref<1x10000xf32, #tpu.memory_space<hbm>> -> memref<10000xf32, #tpu.memory_space<hbm>>
      tpu.enqueue_dma source(%arg16 : memref<10000xf32, #tpu.memory_space<vmem>>) target(%dma_start3A_701 : memref<10000xf32, #tpu.memory_space<hbm>>) target_semaphore(%run_scoped3A : memref<!tpu.dma_semaphore, #tpu.memory_space<semaphore_mem>>)
      %dma_wait3A = arith.constant 0 : i32
      %dma_wait3A_702 = tpu.memref_slice %arg10[%add3A, %dma_wait3A] : memref<32x10000xf32, #tpu.memory_space<hbm>> -> memref<1x10000xf32, #tpu.memory_space<hbm>>
      %dma_wait3A_703 = tpu.memref_squeeze %dma_wait3A_702 : memref<1x10000xf32, #tpu.memory_space<hbm>> -> memref<10000xf32, #tpu.memory_space<hbm>>
      %dma_wait3A_704 = arith.constant 0 : i32
      %dma_wait3A_705 = tpu.memref_slice %arg10[%add3A, %dma_wait3A_704] : memref<32x10000xf32, #tpu.memory_space<hbm>> -> memref<1x10000xf32, #tpu.memory_space<hbm>>
      %dma_wait3A_706 = tpu.memref_squeeze %dma_wait3A_705 : memref<1x10000xf32, #tpu.memory_space<hbm>> -> memref<10000xf32, #tpu.memory_space<hbm>>
      tpu.wait_dma2 semaphore(%run_scoped3A : memref<!tpu.dma_semaphore, #tpu.memory_space<semaphore_mem>>) src(%arg16 : memref<10000xf32, #tpu.memory_space<vmem>>) dst(%dma_wait3A_706 : memref<10000xf32, #tpu.memory_space<hbm>>)
      tpu.yield
    }) : () -> ()
    %barrier3A_352 = arith.constant 0 : index
    tpu.barrier barrier_id(%barrier3A_352)
    %add3A_353 = arith.constant 0 : i32
    %add3A_354 = arith.addi %multiple_of3A, %add3A_353 : i32
    %add3A_355 = arith.constant 0 : i32
    %add3A_356 = arith.addi %add3A_354, %add3A_355 : i32
    %add3A_357 = vector.broadcast %add3A_356 : i32 to vector<16xi32>
    %add3A_358 = arith.addi %add3A_357, %iota3A : vector<16xi32>
    %swap3A_359 = arith.constant 0 : index
    %swap3A_360 = tpu.vector_load %arg20[%swap3A_359] {strides = array<i32>} : memref<80xi32, #tpu.memory_space<vmem>>, vector<16xi32>,
    tpu.vector_store %arg20[%swap3A_359], %add3A_358 {strides = array<i32>} : memref<80xi32, #tpu.memory_space<vmem>>, vector<16xi32>,
    %add3A_361 = arith.constant 0 : i32
    %add3A_362 = arith.addi %multiple_of3A, %add3A_361 : i32
    %add3A_363 = arith.constant 16 : i32
    %add3A_364 = arith.addi %add3A_362, %add3A_363 : i32
    %add3A_365 = vector.broadcast %add3A_364 : i32 to vector<16xi32>
    %add3A_366 = arith.addi %add3A_365, %iota3A : vector<16xi32>
    %swap3A_367 = arith.constant 16 : index
    %swap3A_368 = tpu.vector_load %arg20[%swap3A_367] {strides = array<i32>} : memref<80xi32, #tpu.memory_space<vmem>>, vector<16xi32>,
    tpu.vector_store %arg20[%swap3A_367], %add3A_366 {strides = array<i32>} : memref<80xi32, #tpu.memory_space<vmem>>, vector<16xi32>,
    %add3A_369 = arith.constant 0 : i32
    %add3A_370 = arith.addi %multiple_of3A, %add3A_369 : i32
    %add3A_371 = arith.constant 32 : i32
    %add3A_372 = arith.addi %add3A_370, %add3A_371 : i32
    %add3A_373 = vector.broadcast %add3A_372 : i32 to vector<16xi32>
    %add3A_374 = arith.addi %add3A_373, %iota3A : vector<16xi32>
    %swap3A_375 = arith.constant 32 : index
    %swap3A_376 = tpu.vector_load %arg20[%swap3A_375] {strides = array<i32>} : memref<80xi32, #tpu.memory_space<vmem>>, vector<16xi32>,
    tpu.vector_store %arg20[%swap3A_375], %add3A_374 {strides = array<i32>} : memref<80xi32, #tpu.memory_space<vmem>>, vector<16xi32>,
    %add3A_377 = arith.constant 0 : i32
    %add3A_378 = arith.addi %multiple_of3A, %add3A_377 : i32
    %add3A_379 = arith.constant 48 : i32
    %add3A_380 = arith.addi %add3A_378, %add3A_379 : i32
    %add3A_381 = vector.broadcast %add3A_380 : i32 to vector<16xi32>
    %add3A_382 = arith.addi %add3A_381, %iota3A : vector<16xi32>
    %swap3A_383 = arith.constant 48 : index
    %swap3A_384 = tpu.vector_load %arg20[%swap3A_383] {strides = array<i32>} : memref<80xi32, #tpu.memory_space<vmem>>, vector<16xi32>,
    tpu.vector_store %arg20[%swap3A_383], %add3A_382 {strides = array<i32>} : memref<80xi32, #tpu.memory_space<vmem>>, vector<16xi32>,
    %add3A_385 = arith.constant 0 : i32
    %add3A_386 = arith.addi %multiple_of3A, %add3A_385 : i32
    %add3A_387 = arith.constant 64 : i32
    %add3A_388 = arith.addi %add3A_386, %add3A_387 : i32
    %add3A_389 = vector.broadcast %add3A_388 : i32 to vector<16xi32>
    %add3A_390 = arith.addi %add3A_389, %iota3A : vector<16xi32>
    %swap3A_391 = arith.constant 64 : index
    %swap3A_392 = tpu.vector_load %arg20[%swap3A_391] {strides = array<i32>} : memref<80xi32, #tpu.memory_space<vmem>>, vector<16xi32>,
    tpu.vector_store %arg20[%swap3A_391], %add3A_390 {strides = array<i32>} : memref<80xi32, #tpu.memory_space<vmem>>, vector<16xi32>,
    %add3A_393 = arith.constant 0 : i32
    %add3A_394 = arith.addi %multiple_of3A, %add3A_393 : i32
    %multiple_of3A_395 = tpu.assume_multiple %add3A_394, 8 : i32
    "tpu.region"() ({
      %run_scoped3A = tpu.sem_alloc : memref<!tpu.dma_semaphore, #tpu.memory_space<semaphore_mem>>
      %dma_start3A = arith.constant 0 : i32
      %dma_start3A_697 = arith.constant 0 : i32
      %dma_start3A_698 = tpu.memref_slice %arg26[%dma_start3A, %dma_start3A_697] : memref<10000x128xf32, #tpu.memory_space<vmem_shared>> -> memref<10000x128xf32, #tpu.memory_space<vmem_shared>>
      tpu.enqueue_indirect_dma source(%dma_start3A_698 : memref<10000x128xf32, #tpu.memory_space<vmem_shared>>) target(%arg13 : memref<80x128xf32, #tpu.memory_space<vmem>>) offsets(%arg20 : memref<80xi32, #tpu.memory_space<vmem>>) semaphore(%run_scoped3A : memref<!tpu.dma_semaphore, #tpu.memory_space<semaphore_mem>>)
      %dma_wait3A = arith.constant 0 : i32
      %dma_wait3A_699 = arith.constant 0 : i32
      %dma_wait3A_700 = tpu.memref_slice %arg26[%dma_wait3A, %dma_wait3A_699] : memref<10000x128xf32, #tpu.memory_space<vmem_shared>> -> memref<10000x128xf32, #tpu.memory_space<vmem_shared>>
      tpu.wait_indirect_dma semaphore(%run_scoped3A : memref<!tpu.dma_semaphore, #tpu.memory_space<semaphore_mem>>) src(%dma_wait3A_700 : memref<10000x128xf32, #tpu.memory_space<vmem_shared>>) dst(%arg13 : memref<80x128xf32, #tpu.memory_space<vmem>>)
      tpu.yield
    }) : () -> ()
    "tpu.region"() ({
      %run_scoped3A = tpu.sem_alloc : memref<!tpu.dma_semaphore, #tpu.memory_space<semaphore_mem>>
      %dma_start3A = arith.constant 0 : i32
      %dma_start3A_697 = tpu.memref_slice %arg9[%arg0, %multiple_of3A_395, %dma_start3A] : memref<2x10000x128xf32, #tpu.memory_space<hbm>> -> memref<1x80x128xf32, #tpu.memory_space<hbm>>
      %dma_start3A_698 = tpu.memref_squeeze %dma_start3A_697 : memref<1x80x128xf32, #tpu.memory_space<hbm>> -> memref<80x128xf32, #tpu.memory_space<hbm>>
      %dma_start3A_699 = arith.constant 0 : i32
      %dma_start3A_700 = tpu.memref_slice %arg9[%arg0, %multiple_of3A_395, %dma_start3A_699] : memref<2x10000x128xf32, #tpu.memory_space<hbm>> -> memref<1x80x128xf32, #tpu.memory_space<hbm>>
      %dma_start3A_701 = tpu.memref_squeeze %dma_start3A_700 : memref<1x80x128xf32, #tpu.memory_space<hbm>> -> memref<80x128xf32, #tpu.memory_space<hbm>>
      tpu.enqueue_dma source(%arg13 : memref<80x128xf32, #tpu.memory_space<vmem>>) target(%dma_start3A_701 : memref<80x128xf32, #tpu.memory_space<hbm>>) target_semaphore(%run_scoped3A : memref<!tpu.dma_semaphore, #tpu.memory_space<semaphore_mem>>)
      %dma_wait3A = arith.constant 0 : i32
      %dma_wait3A_702 = tpu.memref_slice %arg9[%arg0, %multiple_of3A_395, %dma_wait3A] : memref<2x10000x128xf32, #tpu.memory_space<hbm>> -> memref<1x80x128xf32, #tpu.memory_space<hbm>>
      %dma_wait3A_703 = tpu.memref_squeeze %dma_wait3A_702 : memref<1x80x128xf32, #tpu.memory_space<hbm>> -> memref<80x128xf32, #tpu.memory_space<hbm>>
      %dma_wait3A_704 = arith.constant 0 : i32
      %dma_wait3A_705 = tpu.memref_slice %arg9[%arg0, %multiple_of3A_395, %dma_wait3A_704] : memref<2x10000x128xf32, #tpu.memory_space<hbm>> -> memref<1x80x128xf32, #tpu.memory_space<hbm>>
      %dma_wait3A_706 = tpu.memref_squeeze %dma_wait3A_705 : memref<1x80x128xf32, #tpu.memory_space<hbm>> -> memref<80x128xf32, #tpu.memory_space<hbm>>
      tpu.wait_dma2 semaphore(%run_scoped3A : memref<!tpu.dma_semaphore, #tpu.memory_space<semaphore_mem>>) src(%arg13 : memref<80x128xf32, #tpu.memory_space<vmem>>) dst(%dma_wait3A_706 : memref<80x128xf32, #tpu.memory_space<hbm>>)
      tpu.yield
    }) : () -> ()
    %add3A_396 = arith.constant 80 : i32
    %add3A_397 = arith.addi %multiple_of3A, %add3A_396 : i32
    %add3A_398 = arith.constant 0 : i32
    %add3A_399 = arith.addi %add3A_397, %add3A_398 : i32
    %add3A_400 = vector.broadcast %add3A_399 : i32 to vector<16xi32>
    %add3A_401 = arith.addi %add3A_400, %iota3A : vector<16xi32>
    %swap3A_402 = arith.constant 0 : index
    %swap3A_403 = tpu.vector_load %arg20[%swap3A_402] {strides = array<i32>} : memref<80xi32, #tpu.memory_space<vmem>>, vector<16xi32>,
    tpu.vector_store %arg20[%swap3A_402], %add3A_401 {strides = array<i32>} : memref<80xi32, #tpu.memory_space<vmem>>, vector<16xi32>,
    %add3A_404 = arith.constant 80 : i32
    %add3A_405 = arith.addi %multiple_of3A, %add3A_404 : i32
    %add3A_406 = arith.constant 16 : i32
    %add3A_407 = arith.addi %add3A_405, %add3A_406 : i32
    %add3A_408 = vector.broadcast %add3A_407 : i32 to vector<16xi32>
    %add3A_409 = arith.addi %add3A_408, %iota3A : vector<16xi32>
    %swap3A_410 = arith.constant 16 : index
    %swap3A_411 = tpu.vector_load %arg20[%swap3A_410] {strides = array<i32>} : memref<80xi32, #tpu.memory_space<vmem>>, vector<16xi32>,
    tpu.vector_store %arg20[%swap3A_410], %add3A_409 {strides = array<i32>} : memref<80xi32, #tpu.memory_space<vmem>>, vector<16xi32>,
    %add3A_412 = arith.constant 80 : i32
    %add3A_413 = arith.addi %multiple_of3A, %add3A_412 : i32
    %add3A_414 = arith.constant 32 : i32
    %add3A_415 = arith.addi %add3A_413, %add3A_414 : i32
    %add3A_416 = vector.broadcast %add3A_415 : i32 to vector<16xi32>
    %add3A_417 = arith.addi %add3A_416, %iota3A : vector<16xi32>
    %swap3A_418 = arith.constant 32 : index
    %swap3A_419 = tpu.vector_load %arg20[%swap3A_418] {strides = array<i32>} : memref<80xi32, #tpu.memory_space<vmem>>, vector<16xi32>,
    tpu.vector_store %arg20[%swap3A_418], %add3A_417 {strides = array<i32>} : memref<80xi32, #tpu.memory_space<vmem>>, vector<16xi32>,
    %add3A_420 = arith.constant 80 : i32
    %add3A_421 = arith.addi %multiple_of3A, %add3A_420 : i32
    %add3A_422 = arith.constant 48 : i32
    %add3A_423 = arith.addi %add3A_421, %add3A_422 : i32
    %add3A_424 = vector.broadcast %add3A_423 : i32 to vector<16xi32>
    %add3A_425 = arith.addi %add3A_424, %iota3A : vector<16xi32>
    %swap3A_426 = arith.constant 48 : index
    %swap3A_427 = tpu.vector_load %arg20[%swap3A_426] {strides = array<i32>} : memref<80xi32, #tpu.memory_space<vmem>>, vector<16xi32>,
    tpu.vector_store %arg20[%swap3A_426], %add3A_425 {strides = array<i32>} : memref<80xi32, #tpu.memory_space<vmem>>, vector<16xi32>,
    %add3A_428 = arith.constant 80 : i32
    %add3A_429 = arith.addi %multiple_of3A, %add3A_428 : i32
    %add3A_430 = arith.constant 64 : i32
    %add3A_431 = arith.addi %add3A_429, %add3A_430 : i32
    %add3A_432 = vector.broadcast %add3A_431 : i32 to vector<16xi32>
    %add3A_433 = arith.addi %add3A_432, %iota3A : vector<16xi32>
    %swap3A_434 = arith.constant 64 : index
    %swap3A_435 = tpu.vector_load %arg20[%swap3A_434] {strides = array<i32>} : memref<80xi32, #tpu.memory_space<vmem>>, vector<16xi32>,
    tpu.vector_store %arg20[%swap3A_434], %add3A_433 {strides = array<i32>} : memref<80xi32, #tpu.memory_space<vmem>>, vector<16xi32>,
    %add3A_436 = arith.constant 80 : i32
    %add3A_437 = arith.addi %multiple_of3A, %add3A_436 : i32
    %multiple_of3A_438 = tpu.assume_multiple %add3A_437, 8 : i32
    "tpu.region"() ({
      %run_scoped3A = tpu.sem_alloc : memref<!tpu.dma_semaphore, #tpu.memory_space<semaphore_mem>>
      %dma_start3A = arith.constant 0 : i32
      %dma_start3A_697 = arith.constant 0 : i32
      %dma_start3A_698 = tpu.memref_slice %arg26[%dma_start3A, %dma_start3A_697] : memref<10000x128xf32, #tpu.memory_space<vmem_shared>> -> memref<10000x128xf32, #tpu.memory_space<vmem_shared>>
      tpu.enqueue_indirect_dma source(%dma_start3A_698 : memref<10000x128xf32, #tpu.memory_space<vmem_shared>>) target(%arg13 : memref<80x128xf32, #tpu.memory_space<vmem>>) offsets(%arg20 : memref<80xi32, #tpu.memory_space<vmem>>) semaphore(%run_scoped3A : memref<!tpu.dma_semaphore, #tpu.memory_space<semaphore_mem>>)
      %dma_wait3A = arith.constant 0 : i32
      %dma_wait3A_699 = arith.constant 0 : i32
      %dma_wait3A_700 = tpu.memref_slice %arg26[%dma_wait3A, %dma_wait3A_699] : memref<10000x128xf32, #tpu.memory_space<vmem_shared>> -> memref<10000x128xf32, #tpu.memory_space<vmem_shared>>
      tpu.wait_indirect_dma semaphore(%run_scoped3A : memref<!tpu.dma_semaphore, #tpu.memory_space<semaphore_mem>>) src(%dma_wait3A_700 : memref<10000x128xf32, #tpu.memory_space<vmem_shared>>) dst(%arg13 : memref<80x128xf32, #tpu.memory_space<vmem>>)
      tpu.yield
    }) : () -> ()
    "tpu.region"() ({
      %run_scoped3A = tpu.sem_alloc : memref<!tpu.dma_semaphore, #tpu.memory_space<semaphore_mem>>
      %dma_start3A = arith.constant 0 : i32
      %dma_start3A_697 = tpu.memref_slice %arg9[%arg0, %multiple_of3A_438, %dma_start3A] : memref<2x10000x128xf32, #tpu.memory_space<hbm>> -> memref<1x80x128xf32, #tpu.memory_space<hbm>>
      %dma_start3A_698 = tpu.memref_squeeze %dma_start3A_697 : memref<1x80x128xf32, #tpu.memory_space<hbm>> -> memref<80x128xf32, #tpu.memory_space<hbm>>
      %dma_start3A_699 = arith.constant 0 : i32
      %dma_start3A_700 = tpu.memref_slice %arg9[%arg0, %multiple_of3A_438, %dma_start3A_699] : memref<2x10000x128xf32, #tpu.memory_space<hbm>> -> memref<1x80x128xf32, #tpu.memory_space<hbm>>
      %dma_start3A_701 = tpu.memref_squeeze %dma_start3A_700 : memref<1x80x128xf32, #tpu.memory_space<hbm>> -> memref<80x128xf32, #tpu.memory_space<hbm>>
      tpu.enqueue_dma source(%arg13 : memref<80x128xf32, #tpu.memory_space<vmem>>) target(%dma_start3A_701 : memref<80x128xf32, #tpu.memory_space<hbm>>) target_semaphore(%run_scoped3A : memref<!tpu.dma_semaphore, #tpu.memory_space<semaphore_mem>>)
      %dma_wait3A = arith.constant 0 : i32
      %dma_wait3A_702 = tpu.memref_slice %arg9[%arg0, %multiple_of3A_438, %dma_wait3A] : memref<2x10000x128xf32, #tpu.memory_space<hbm>> -> memref<1x80x128xf32, #tpu.memory_space<hbm>>
      %dma_wait3A_703 = tpu.memref_squeeze %dma_wait3A_702 : memref<1x80x128xf32, #tpu.memory_space<hbm>> -> memref<80x128xf32, #tpu.memory_space<hbm>>
      %dma_wait3A_704 = arith.constant 0 : i32
      %dma_wait3A_705 = tpu.memref_slice %arg9[%arg0, %multiple_of3A_438, %dma_wait3A_704] : memref<2x10000x128xf32, #tpu.memory_space<hbm>> -> memref<1x80x128xf32, #tpu.memory_space<hbm>>
      %dma_wait3A_706 = tpu.memref_squeeze %dma_wait3A_705 : memref<1x80x128xf32, #tpu.memory_space<hbm>> -> memref<80x128xf32, #tpu.memory_space<hbm>>
      tpu.wait_dma2 semaphore(%run_scoped3A : memref<!tpu.dma_semaphore, #tpu.memory_space<semaphore_mem>>) src(%arg13 : memref<80x128xf32, #tpu.memory_space<vmem>>) dst(%dma_wait3A_706 : memref<80x128xf32, #tpu.memory_space<hbm>>)
      tpu.yield
    }) : () -> ()
    %add3A_439 = arith.constant 160 : i32
    %add3A_440 = arith.addi %multiple_of3A, %add3A_439 : i32
    %add3A_441 = arith.constant 0 : i32
    %add3A_442 = arith.addi %add3A_440, %add3A_441 : i32
    %add3A_443 = vector.broadcast %add3A_442 : i32 to vector<16xi32>
    %add3A_444 = arith.addi %add3A_443, %iota3A : vector<16xi32>
    %swap3A_445 = arith.constant 0 : index
    %swap3A_446 = tpu.vector_load %arg20[%swap3A_445] {strides = array<i32>} : memref<80xi32, #tpu.memory_space<vmem>>, vector<16xi32>,
    tpu.vector_store %arg20[%swap3A_445], %add3A_444 {strides = array<i32>} : memref<80xi32, #tpu.memory_space<vmem>>, vector<16xi32>,
    %add3A_447 = arith.constant 160 : i32
    %add3A_448 = arith.addi %multiple_of3A, %add3A_447 : i32
    %add3A_449 = arith.constant 16 : i32
    %add3A_450 = arith.addi %add3A_448, %add3A_449 : i32
    %add3A_451 = vector.broadcast %add3A_450 : i32 to vector<16xi32>
    %add3A_452 = arith.addi %add3A_451, %iota3A : vector<16xi32>
    %swap3A_453 = arith.constant 16 : index
    %swap3A_454 = tpu.vector_load %arg20[%swap3A_453] {strides = array<i32>} : memref<80xi32, #tpu.memory_space<vmem>>, vector<16xi32>,
    tpu.vector_store %arg20[%swap3A_453], %add3A_452 {strides = array<i32>} : memref<80xi32, #tpu.memory_space<vmem>>, vector<16xi32>,
    %add3A_455 = arith.constant 160 : i32
    %add3A_456 = arith.addi %multiple_of3A, %add3A_455 : i32
    %add3A_457 = arith.constant 32 : i32
    %add3A_458 = arith.addi %add3A_456, %add3A_457 : i32
    %add3A_459 = vector.broadcast %add3A_458 : i32 to vector<16xi32>
    %add3A_460 = arith.addi %add3A_459, %iota3A : vector<16xi32>
    %swap3A_461 = arith.constant 32 : index
    %swap3A_462 = tpu.vector_load %arg20[%swap3A_461] {strides = array<i32>} : memref<80xi32, #tpu.memory_space<vmem>>, vector<16xi32>,
    tpu.vector_store %arg20[%swap3A_461], %add3A_460 {strides = array<i32>} : memref<80xi32, #tpu.memory_space<vmem>>, vector<16xi32>,
    %add3A_463 = arith.constant 160 : i32
    %add3A_464 = arith.addi %multiple_of3A, %add3A_463 : i32
    %add3A_465 = arith.constant 48 : i32
    %add3A_466 = arith.addi %add3A_464, %add3A_465 : i32
    %add3A_467 = vector.broadcast %add3A_466 : i32 to vector<16xi32>
    %add3A_468 = arith.addi %add3A_467, %iota3A : vector<16xi32>
    %swap3A_469 = arith.constant 48 : index
    %swap3A_470 = tpu.vector_load %arg20[%swap3A_469] {strides = array<i32>} : memref<80xi32, #tpu.memory_space<vmem>>, vector<16xi32>,
    tpu.vector_store %arg20[%swap3A_469], %add3A_468 {strides = array<i32>} : memref<80xi32, #tpu.memory_space<vmem>>, vector<16xi32>,
    %add3A_471 = arith.constant 160 : i32
    %add3A_472 = arith.addi %multiple_of3A, %add3A_471 : i32
    %add3A_473 = arith.constant 64 : i32
    %add3A_474 = arith.addi %add3A_472, %add3A_473 : i32
    %add3A_475 = vector.broadcast %add3A_474 : i32 to vector<16xi32>
    %add3A_476 = arith.addi %add3A_475, %iota3A : vector<16xi32>
    %swap3A_477 = arith.constant 64 : index
    %swap3A_478 = tpu.vector_load %arg20[%swap3A_477] {strides = array<i32>} : memref<80xi32, #tpu.memory_space<vmem>>, vector<16xi32>,
    tpu.vector_store %arg20[%swap3A_477], %add3A_476 {strides = array<i32>} : memref<80xi32, #tpu.memory_space<vmem>>, vector<16xi32>,
    %add3A_479 = arith.constant 160 : i32
    %add3A_480 = arith.addi %multiple_of3A, %add3A_479 : i32
    %multiple_of3A_481 = tpu.assume_multiple %add3A_480, 8 : i32
    "tpu.region"() ({
      %run_scoped3A = tpu.sem_alloc : memref<!tpu.dma_semaphore, #tpu.memory_space<semaphore_mem>>
      %dma_start3A = arith.constant 0 : i32
      %dma_start3A_697 = arith.constant 0 : i32
      %dma_start3A_698 = tpu.memref_slice %arg26[%dma_start3A, %dma_start3A_697] : memref<10000x128xf32, #tpu.memory_space<vmem_shared>> -> memref<10000x128xf32, #tpu.memory_space<vmem_shared>>
      tpu.enqueue_indirect_dma source(%dma_start3A_698 : memref<10000x128xf32, #tpu.memory_space<vmem_shared>>) target(%arg13 : memref<80x128xf32, #tpu.memory_space<vmem>>) offsets(%arg20 : memref<80xi32, #tpu.memory_space<vmem>>) semaphore(%run_scoped3A : memref<!tpu.dma_semaphore, #tpu.memory_space<semaphore_mem>>)
      %dma_wait3A = arith.constant 0 : i32
      %dma_wait3A_699 = arith.constant 0 : i32
      %dma_wait3A_700 = tpu.memref_slice %arg26[%dma_wait3A, %dma_wait3A_699] : memref<10000x128xf32, #tpu.memory_space<vmem_shared>> -> memref<10000x128xf32, #tpu.memory_space<vmem_shared>>
      tpu.wait_indirect_dma semaphore(%run_scoped3A : memref<!tpu.dma_semaphore, #tpu.memory_space<semaphore_mem>>) src(%dma_wait3A_700 : memref<10000x128xf32, #tpu.memory_space<vmem_shared>>) dst(%arg13 : memref<80x128xf32, #tpu.memory_space<vmem>>)
      tpu.yield
    }) : () -> ()
    "tpu.region"() ({
      %run_scoped3A = tpu.sem_alloc : memref<!tpu.dma_semaphore, #tpu.memory_space<semaphore_mem>>
      %dma_start3A = arith.constant 0 : i32
      %dma_start3A_697 = tpu.memref_slice %arg9[%arg0, %multiple_of3A_481, %dma_start3A] : memref<2x10000x128xf32, #tpu.memory_space<hbm>> -> memref<1x80x128xf32, #tpu.memory_space<hbm>>
      %dma_start3A_698 = tpu.memref_squeeze %dma_start3A_697 : memref<1x80x128xf32, #tpu.memory_space<hbm>> -> memref<80x128xf32, #tpu.memory_space<hbm>>
      %dma_start3A_699 = arith.constant 0 : i32
      %dma_start3A_700 = tpu.memref_slice %arg9[%arg0, %multiple_of3A_481, %dma_start3A_699] : memref<2x10000x128xf32, #tpu.memory_space<hbm>> -> memref<1x80x128xf32, #tpu.memory_space<hbm>>
      %dma_start3A_701 = tpu.memref_squeeze %dma_start3A_700 : memref<1x80x128xf32, #tpu.memory_space<hbm>> -> memref<80x128xf32, #tpu.memory_space<hbm>>
      tpu.enqueue_dma source(%arg13 : memref<80x128xf32, #tpu.memory_space<vmem>>) target(%dma_start3A_701 : memref<80x128xf32, #tpu.memory_space<hbm>>) target_semaphore(%run_scoped3A : memref<!tpu.dma_semaphore, #tpu.memory_space<semaphore_mem>>)
      %dma_wait3A = arith.constant 0 : i32
      %dma_wait3A_702 = tpu.memref_slice %arg9[%arg0, %multiple_of3A_481, %dma_wait3A] : memref<2x10000x128xf32, #tpu.memory_space<hbm>> -> memref<1x80x128xf32, #tpu.memory_space<hbm>>
      %dma_wait3A_703 = tpu.memref_squeeze %dma_wait3A_702 : memref<1x80x128xf32, #tpu.memory_space<hbm>> -> memref<80x128xf32, #tpu.memory_space<hbm>>
      %dma_wait3A_704 = arith.constant 0 : i32
      %dma_wait3A_705 = tpu.memref_slice %arg9[%arg0, %multiple_of3A_481, %dma_wait3A_704] : memref<2x10000x128xf32, #tpu.memory_space<hbm>> -> memref<1x80x128xf32, #tpu.memory_space<hbm>>
      %dma_wait3A_706 = tpu.memref_squeeze %dma_wait3A_705 : memref<1x80x128xf32, #tpu.memory_space<hbm>> -> memref<80x128xf32, #tpu.memory_space<hbm>>
      tpu.wait_dma2 semaphore(%run_scoped3A : memref<!tpu.dma_semaphore, #tpu.memory_space<semaphore_mem>>) src(%arg13 : memref<80x128xf32, #tpu.memory_space<vmem>>) dst(%dma_wait3A_706 : memref<80x128xf32, #tpu.memory_space<hbm>>)
      tpu.yield
    }) : () -> ()
    %add3A_482 = arith.constant 240 : i32
    %add3A_483 = arith.addi %multiple_of3A, %add3A_482 : i32
    %add3A_484 = arith.constant 0 : i32
    %add3A_485 = arith.addi %add3A_483, %add3A_484 : i32
    %add3A_486 = vector.broadcast %add3A_485 : i32 to vector<16xi32>
    %add3A_487 = arith.addi %add3A_486, %iota3A : vector<16xi32>
    %swap3A_488 = arith.constant 0 : index
    %swap3A_489 = tpu.vector_load %arg20[%swap3A_488] {strides = array<i32>} : memref<80xi32, #tpu.memory_space<vmem>>, vector<16xi32>,
    tpu.vector_store %arg20[%swap3A_488], %add3A_487 {strides = array<i32>} : memref<80xi32, #tpu.memory_space<vmem>>, vector<16xi32>,
    %add3A_490 = arith.constant 240 : i32
    %add3A_491 = arith.addi %multiple_of3A, %add3A_490 : i32
    %add3A_492 = arith.constant 16 : i32
    %add3A_493 = arith.addi %add3A_491, %add3A_492 : i32
    %add3A_494 = vector.broadcast %add3A_493 : i32 to vector<16xi32>
    %add3A_495 = arith.addi %add3A_494, %iota3A : vector<16xi32>
    %swap3A_496 = arith.constant 16 : index
    %swap3A_497 = tpu.vector_load %arg20[%swap3A_496] {strides = array<i32>} : memref<80xi32, #tpu.memory_space<vmem>>, vector<16xi32>,
    tpu.vector_store %arg20[%swap3A_496], %add3A_495 {strides = array<i32>} : memref<80xi32, #tpu.memory_space<vmem>>, vector<16xi32>,
    %add3A_498 = arith.constant 240 : i32
    %add3A_499 = arith.addi %multiple_of3A, %add3A_498 : i32
    %add3A_500 = arith.constant 32 : i32
    %add3A_501 = arith.addi %add3A_499, %add3A_500 : i32
    %add3A_502 = vector.broadcast %add3A_501 : i32 to vector<16xi32>
    %add3A_503 = arith.addi %add3A_502, %iota3A : vector<16xi32>
    %swap3A_504 = arith.constant 32 : index
    %swap3A_505 = tpu.vector_load %arg20[%swap3A_504] {strides = array<i32>} : memref<80xi32, #tpu.memory_space<vmem>>, vector<16xi32>,
    tpu.vector_store %arg20[%swap3A_504], %add3A_503 {strides = array<i32>} : memref<80xi32, #tpu.memory_space<vmem>>, vector<16xi32>,
    %add3A_506 = arith.constant 240 : i32
    %add3A_507 = arith.addi %multiple_of3A, %add3A_506 : i32
    %add3A_508 = arith.constant 48 : i32
    %add3A_509 = arith.addi %add3A_507, %add3A_508 : i32
    %add3A_510 = vector.broadcast %add3A_509 : i32 to vector<16xi32>
    %add3A_511 = arith.addi %add3A_510, %iota3A : vector<16xi32>
    %swap3A_512 = arith.constant 48 : index
    %swap3A_513 = tpu.vector_load %arg20[%swap3A_512] {strides = array<i32>} : memref<80xi32, #tpu.memory_space<vmem>>, vector<16xi32>,
    tpu.vector_store %arg20[%swap3A_512], %add3A_511 {strides = array<i32>} : memref<80xi32, #tpu.memory_space<vmem>>, vector<16xi32>,
    %add3A_514 = arith.constant 240 : i32
    %add3A_515 = arith.addi %multiple_of3A, %add3A_514 : i32
    %add3A_516 = arith.constant 64 : i32
    %add3A_517 = arith.addi %add3A_515, %add3A_516 : i32
    %add3A_518 = vector.broadcast %add3A_517 : i32 to vector<16xi32>
    %add3A_519 = arith.addi %add3A_518, %iota3A : vector<16xi32>
    %swap3A_520 = arith.constant 64 : index
    %swap3A_521 = tpu.vector_load %arg20[%swap3A_520] {strides = array<i32>} : memref<80xi32, #tpu.memory_space<vmem>>, vector<16xi32>,
    tpu.vector_store %arg20[%swap3A_520], %add3A_519 {strides = array<i32>} : memref<80xi32, #tpu.memory_space<vmem>>, vector<16xi32>,
    %add3A_522 = arith.constant 240 : i32
    %add3A_523 = arith.addi %multiple_of3A, %add3A_522 : i32
    %multiple_of3A_524 = tpu.assume_multiple %add3A_523, 8 : i32
    "tpu.region"() ({
      %run_scoped3A = tpu.sem_alloc : memref<!tpu.dma_semaphore, #tpu.memory_space<semaphore_mem>>
      %dma_start3A = arith.constant 0 : i32
      %dma_start3A_697 = arith.constant 0 : i32
      %dma_start3A_698 = tpu.memref_slice %arg26[%dma_start3A, %dma_start3A_697] : memref<10000x128xf32, #tpu.memory_space<vmem_shared>> -> memref<10000x128xf32, #tpu.memory_space<vmem_shared>>
      tpu.enqueue_indirect_dma source(%dma_start3A_698 : memref<10000x128xf32, #tpu.memory_space<vmem_shared>>) target(%arg13 : memref<80x128xf32, #tpu.memory_space<vmem>>) offsets(%arg20 : memref<80xi32, #tpu.memory_space<vmem>>) semaphore(%run_scoped3A : memref<!tpu.dma_semaphore, #tpu.memory_space<semaphore_mem>>)
      %dma_wait3A = arith.constant 0 : i32
      %dma_wait3A_699 = arith.constant 0 : i32
      %dma_wait3A_700 = tpu.memref_slice %arg26[%dma_wait3A, %dma_wait3A_699] : memref<10000x128xf32, #tpu.memory_space<vmem_shared>> -> memref<10000x128xf32, #tpu.memory_space<vmem_shared>>
      tpu.wait_indirect_dma semaphore(%run_scoped3A : memref<!tpu.dma_semaphore, #tpu.memory_space<semaphore_mem>>) src(%dma_wait3A_700 : memref<10000x128xf32, #tpu.memory_space<vmem_shared>>) dst(%arg13 : memref<80x128xf32, #tpu.memory_space<vmem>>)
      tpu.yield
    }) : () -> ()
    "tpu.region"() ({
      %run_scoped3A = tpu.sem_alloc : memref<!tpu.dma_semaphore, #tpu.memory_space<semaphore_mem>>
      %dma_start3A = arith.constant 0 : i32
      %dma_start3A_697 = tpu.memref_slice %arg9[%arg0, %multiple_of3A_524, %dma_start3A] : memref<2x10000x128xf32, #tpu.memory_space<hbm>> -> memref<1x80x128xf32, #tpu.memory_space<hbm>>
      %dma_start3A_698 = tpu.memref_squeeze %dma_start3A_697 : memref<1x80x128xf32, #tpu.memory_space<hbm>> -> memref<80x128xf32, #tpu.memory_space<hbm>>
      %dma_start3A_699 = arith.constant 0 : i32
      %dma_start3A_700 = tpu.memref_slice %arg9[%arg0, %multiple_of3A_524, %dma_start3A_699] : memref<2x10000x128xf32, #tpu.memory_space<hbm>> -> memref<1x80x128xf32, #tpu.memory_space<hbm>>
      %dma_start3A_701 = tpu.memref_squeeze %dma_start3A_700 : memref<1x80x128xf32, #tpu.memory_space<hbm>> -> memref<80x128xf32, #tpu.memory_space<hbm>>
      tpu.enqueue_dma source(%arg13 : memref<80x128xf32, #tpu.memory_space<vmem>>) target(%dma_start3A_701 : memref<80x128xf32, #tpu.memory_space<hbm>>) target_semaphore(%run_scoped3A : memref<!tpu.dma_semaphore, #tpu.memory_space<semaphore_mem>>)
      %dma_wait3A = arith.constant 0 : i32
      %dma_wait3A_702 = tpu.memref_slice %arg9[%arg0, %multiple_of3A_524, %dma_wait3A] : memref<2x10000x128xf32, #tpu.memory_space<hbm>> -> memref<1x80x128xf32, #tpu.memory_space<hbm>>
      %dma_wait3A_703 = tpu.memref_squeeze %dma_wait3A_702 : memref<1x80x128xf32, #tpu.memory_space<hbm>> -> memref<80x128xf32, #tpu.memory_space<hbm>>
      %dma_wait3A_704 = arith.constant 0 : i32
      %dma_wait3A_705 = tpu.memref_slice %arg9[%arg0, %multiple_of3A_524, %dma_wait3A_704] : memref<2x10000x128xf32, #tpu.memory_space<hbm>> -> memref<1x80x128xf32, #tpu.memory_space<hbm>>
      %dma_wait3A_706 = tpu.memref_squeeze %dma_wait3A_705 : memref<1x80x128xf32, #tpu.memory_space<hbm>> -> memref<80x128xf32, #tpu.memory_space<hbm>>
      tpu.wait_dma2 semaphore(%run_scoped3A : memref<!tpu.dma_semaphore, #tpu.memory_space<semaphore_mem>>) src(%arg13 : memref<80x128xf32, #tpu.memory_space<vmem>>) dst(%dma_wait3A_706 : memref<80x128xf32, #tpu.memory_space<hbm>>)
      tpu.yield
    }) : () -> ()
    %add3A_525 = arith.constant 320 : i32
    %add3A_526 = arith.addi %multiple_of3A, %add3A_525 : i32
    %add3A_527 = arith.constant 0 : i32
    %add3A_528 = arith.addi %add3A_526, %add3A_527 : i32
    %add3A_529 = vector.broadcast %add3A_528 : i32 to vector<16xi32>
    %add3A_530 = arith.addi %add3A_529, %iota3A : vector<16xi32>
    %swap3A_531 = arith.constant 0 : index
    %swap3A_532 = tpu.vector_load %arg20[%swap3A_531] {strides = array<i32>} : memref<80xi32, #tpu.memory_space<vmem>>, vector<16xi32>,
    tpu.vector_store %arg20[%swap3A_531], %add3A_530 {strides = array<i32>} : memref<80xi32, #tpu.memory_space<vmem>>, vector<16xi32>,
    %add3A_533 = arith.constant 320 : i32
    %add3A_534 = arith.addi %multiple_of3A, %add3A_533 : i32
    %add3A_535 = arith.constant 16 : i32
    %add3A_536 = arith.addi %add3A_534, %add3A_535 : i32
    %add3A_537 = vector.broadcast %add3A_536 : i32 to vector<16xi32>
    %add3A_538 = arith.addi %add3A_537, %iota3A : vector<16xi32>
    %swap3A_539 = arith.constant 16 : index
    %swap3A_540 = tpu.vector_load %arg20[%swap3A_539] {strides = array<i32>} : memref<80xi32, #tpu.memory_space<vmem>>, vector<16xi32>,
    tpu.vector_store %arg20[%swap3A_539], %add3A_538 {strides = array<i32>} : memref<80xi32, #tpu.memory_space<vmem>>, vector<16xi32>,
    %add3A_541 = arith.constant 320 : i32
    %add3A_542 = arith.addi %multiple_of3A, %add3A_541 : i32
    %add3A_543 = arith.constant 32 : i32
    %add3A_544 = arith.addi %add3A_542, %add3A_543 : i32
    %add3A_545 = vector.broadcast %add3A_544 : i32 to vector<16xi32>
    %add3A_546 = arith.addi %add3A_545, %iota3A : vector<16xi32>
    %swap3A_547 = arith.constant 32 : index
    %swap3A_548 = tpu.vector_load %arg20[%swap3A_547] {strides = array<i32>} : memref<80xi32, #tpu.memory_space<vmem>>, vector<16xi32>,
    tpu.vector_store %arg20[%swap3A_547], %add3A_546 {strides = array<i32>} : memref<80xi32, #tpu.memory_space<vmem>>, vector<16xi32>,
    %add3A_549 = arith.constant 320 : i32
    %add3A_550 = arith.addi %multiple_of3A, %add3A_549 : i32
    %add3A_551 = arith.constant 48 : i32
    %add3A_552 = arith.addi %add3A_550, %add3A_551 : i32
    %add3A_553 = vector.broadcast %add3A_552 : i32 to vector<16xi32>
    %add3A_554 = arith.addi %add3A_553, %iota3A : vector<16xi32>
    %swap3A_555 = arith.constant 48 : index
    %swap3A_556 = tpu.vector_load %arg20[%swap3A_555] {strides = array<i32>} : memref<80xi32, #tpu.memory_space<vmem>>, vector<16xi32>,
    tpu.vector_store %arg20[%swap3A_555], %add3A_554 {strides = array<i32>} : memref<80xi32, #tpu.memory_space<vmem>>, vector<16xi32>,
    %add3A_557 = arith.constant 320 : i32
    %add3A_558 = arith.addi %multiple_of3A, %add3A_557 : i32
    %add3A_559 = arith.constant 64 : i32
    %add3A_560 = arith.addi %add3A_558, %add3A_559 : i32
    %add3A_561 = vector.broadcast %add3A_560 : i32 to vector<16xi32>
    %add3A_562 = arith.addi %add3A_561, %iota3A : vector<16xi32>
    %swap3A_563 = arith.constant 64 : index
    %swap3A_564 = tpu.vector_load %arg20[%swap3A_563] {strides = array<i32>} : memref<80xi32, #tpu.memory_space<vmem>>, vector<16xi32>,
    tpu.vector_store %arg20[%swap3A_563], %add3A_562 {strides = array<i32>} : memref<80xi32, #tpu.memory_space<vmem>>, vector<16xi32>,
    %add3A_565 = arith.constant 320 : i32
    %add3A_566 = arith.addi %multiple_of3A, %add3A_565 : i32
    %multiple_of3A_567 = tpu.assume_multiple %add3A_566, 8 : i32
    "tpu.region"() ({
      %run_scoped3A = tpu.sem_alloc : memref<!tpu.dma_semaphore, #tpu.memory_space<semaphore_mem>>
      %dma_start3A = arith.constant 0 : i32
      %dma_start3A_697 = arith.constant 0 : i32
      %dma_start3A_698 = tpu.memref_slice %arg26[%dma_start3A, %dma_start3A_697] : memref<10000x128xf32, #tpu.memory_space<vmem_shared>> -> memref<10000x128xf32, #tpu.memory_space<vmem_shared>>
      tpu.enqueue_indirect_dma source(%dma_start3A_698 : memref<10000x128xf32, #tpu.memory_space<vmem_shared>>) target(%arg13 : memref<80x128xf32, #tpu.memory_space<vmem>>) offsets(%arg20 : memref<80xi32, #tpu.memory_space<vmem>>) semaphore(%run_scoped3A : memref<!tpu.dma_semaphore, #tpu.memory_space<semaphore_mem>>)
      %dma_wait3A = arith.constant 0 : i32
      %dma_wait3A_699 = arith.constant 0 : i32
      %dma_wait3A_700 = tpu.memref_slice %arg26[%dma_wait3A, %dma_wait3A_699] : memref<10000x128xf32, #tpu.memory_space<vmem_shared>> -> memref<10000x128xf32, #tpu.memory_space<vmem_shared>>
      tpu.wait_indirect_dma semaphore(%run_scoped3A : memref<!tpu.dma_semaphore, #tpu.memory_space<semaphore_mem>>) src(%dma_wait3A_700 : memref<10000x128xf32, #tpu.memory_space<vmem_shared>>) dst(%arg13 : memref<80x128xf32, #tpu.memory_space<vmem>>)
      tpu.yield
    }) : () -> ()
    "tpu.region"() ({
      %run_scoped3A = tpu.sem_alloc : memref<!tpu.dma_semaphore, #tpu.memory_space<semaphore_mem>>
      %dma_start3A = arith.constant 0 : i32
      %dma_start3A_697 = tpu.memref_slice %arg9[%arg0, %multiple_of3A_567, %dma_start3A] : memref<2x10000x128xf32, #tpu.memory_space<hbm>> -> memref<1x80x128xf32, #tpu.memory_space<hbm>>
      %dma_start3A_698 = tpu.memref_squeeze %dma_start3A_697 : memref<1x80x128xf32, #tpu.memory_space<hbm>> -> memref<80x128xf32, #tpu.memory_space<hbm>>
      %dma_start3A_699 = arith.constant 0 : i32
      %dma_start3A_700 = tpu.memref_slice %arg9[%arg0, %multiple_of3A_567, %dma_start3A_699] : memref<2x10000x128xf32, #tpu.memory_space<hbm>> -> memref<1x80x128xf32, #tpu.memory_space<hbm>>
      %dma_start3A_701 = tpu.memref_squeeze %dma_start3A_700 : memref<1x80x128xf32, #tpu.memory_space<hbm>> -> memref<80x128xf32, #tpu.memory_space<hbm>>
      tpu.enqueue_dma source(%arg13 : memref<80x128xf32, #tpu.memory_space<vmem>>) target(%dma_start3A_701 : memref<80x128xf32, #tpu.memory_space<hbm>>) target_semaphore(%run_scoped3A : memref<!tpu.dma_semaphore, #tpu.memory_space<semaphore_mem>>)
      %dma_wait3A = arith.constant 0 : i32
      %dma_wait3A_702 = tpu.memref_slice %arg9[%arg0, %multiple_of3A_567, %dma_wait3A] : memref<2x10000x128xf32, #tpu.memory_space<hbm>> -> memref<1x80x128xf32, #tpu.memory_space<hbm>>
      %dma_wait3A_703 = tpu.memref_squeeze %dma_wait3A_702 : memref<1x80x128xf32, #tpu.memory_space<hbm>> -> memref<80x128xf32, #tpu.memory_space<hbm>>
      %dma_wait3A_704 = arith.constant 0 : i32
      %dma_wait3A_705 = tpu.memref_slice %arg9[%arg0, %multiple_of3A_567, %dma_wait3A_704] : memref<2x10000x128xf32, #tpu.memory_space<hbm>> -> memref<1x80x128xf32, #tpu.memory_space<hbm>>
      %dma_wait3A_706 = tpu.memref_squeeze %dma_wait3A_705 : memref<1x80x128xf32, #tpu.memory_space<hbm>> -> memref<80x128xf32, #tpu.memory_space<hbm>>
      tpu.wait_dma2 semaphore(%run_scoped3A : memref<!tpu.dma_semaphore, #tpu.memory_space<semaphore_mem>>) src(%arg13 : memref<80x128xf32, #tpu.memory_space<vmem>>) dst(%dma_wait3A_706 : memref<80x128xf32, #tpu.memory_space<hbm>>)
      tpu.yield
    }) : () -> ()
    %add3A_568 = arith.constant 400 : i32
    %add3A_569 = arith.addi %multiple_of3A, %add3A_568 : i32
    %add3A_570 = arith.constant 0 : i32
    %add3A_571 = arith.addi %add3A_569, %add3A_570 : i32
    %add3A_572 = vector.broadcast %add3A_571 : i32 to vector<16xi32>
    %add3A_573 = arith.addi %add3A_572, %iota3A : vector<16xi32>
    %swap3A_574 = arith.constant 0 : index
    %swap3A_575 = tpu.vector_load %arg20[%swap3A_574] {strides = array<i32>} : memref<80xi32, #tpu.memory_space<vmem>>, vector<16xi32>,
    tpu.vector_store %arg20[%swap3A_574], %add3A_573 {strides = array<i32>} : memref<80xi32, #tpu.memory_space<vmem>>, vector<16xi32>,
    %add3A_576 = arith.constant 400 : i32
    %add3A_577 = arith.addi %multiple_of3A, %add3A_576 : i32
    %add3A_578 = arith.constant 16 : i32
    %add3A_579 = arith.addi %add3A_577, %add3A_578 : i32
    %add3A_580 = vector.broadcast %add3A_579 : i32 to vector<16xi32>
    %add3A_581 = arith.addi %add3A_580, %iota3A : vector<16xi32>
    %swap3A_582 = arith.constant 16 : index
    %swap3A_583 = tpu.vector_load %arg20[%swap3A_582] {strides = array<i32>} : memref<80xi32, #tpu.memory_space<vmem>>, vector<16xi32>,
    tpu.vector_store %arg20[%swap3A_582], %add3A_581 {strides = array<i32>} : memref<80xi32, #tpu.memory_space<vmem>>, vector<16xi32>,
    %add3A_584 = arith.constant 400 : i32
    %add3A_585 = arith.addi %multiple_of3A, %add3A_584 : i32
    %add3A_586 = arith.constant 32 : i32
    %add3A_587 = arith.addi %add3A_585, %add3A_586 : i32
    %add3A_588 = vector.broadcast %add3A_587 : i32 to vector<16xi32>
    %add3A_589 = arith.addi %add3A_588, %iota3A : vector<16xi32>
    %swap3A_590 = arith.constant 32 : index
    %swap3A_591 = tpu.vector_load %arg20[%swap3A_590] {strides = array<i32>} : memref<80xi32, #tpu.memory_space<vmem>>, vector<16xi32>,
    tpu.vector_store %arg20[%swap3A_590], %add3A_589 {strides = array<i32>} : memref<80xi32, #tpu.memory_space<vmem>>, vector<16xi32>,
    %add3A_592 = arith.constant 400 : i32
    %add3A_593 = arith.addi %multiple_of3A, %add3A_592 : i32
    %add3A_594 = arith.constant 48 : i32
    %add3A_595 = arith.addi %add3A_593, %add3A_594 : i32
    %add3A_596 = vector.broadcast %add3A_595 : i32 to vector<16xi32>
    %add3A_597 = arith.addi %add3A_596, %iota3A : vector<16xi32>
    %swap3A_598 = arith.constant 48 : index
    %swap3A_599 = tpu.vector_load %arg20[%swap3A_598] {strides = array<i32>} : memref<80xi32, #tpu.memory_space<vmem>>, vector<16xi32>,
    tpu.vector_store %arg20[%swap3A_598], %add3A_597 {strides = array<i32>} : memref<80xi32, #tpu.memory_space<vmem>>, vector<16xi32>,
    %add3A_600 = arith.constant 400 : i32
    %add3A_601 = arith.addi %multiple_of3A, %add3A_600 : i32
    %add3A_602 = arith.constant 64 : i32
    %add3A_603 = arith.addi %add3A_601, %add3A_602 : i32
    %add3A_604 = vector.broadcast %add3A_603 : i32 to vector<16xi32>
    %add3A_605 = arith.addi %add3A_604, %iota3A : vector<16xi32>
    %swap3A_606 = arith.constant 64 : index
    %swap3A_607 = tpu.vector_load %arg20[%swap3A_606] {strides = array<i32>} : memref<80xi32, #tpu.memory_space<vmem>>, vector<16xi32>,
    tpu.vector_store %arg20[%swap3A_606], %add3A_605 {strides = array<i32>} : memref<80xi32, #tpu.memory_space<vmem>>, vector<16xi32>,
    %add3A_608 = arith.constant 400 : i32
    %add3A_609 = arith.addi %multiple_of3A, %add3A_608 : i32
    %multiple_of3A_610 = tpu.assume_multiple %add3A_609, 8 : i32
    "tpu.region"() ({
      %run_scoped3A = tpu.sem_alloc : memref<!tpu.dma_semaphore, #tpu.memory_space<semaphore_mem>>
      %dma_start3A = arith.constant 0 : i32
      %dma_start3A_697 = arith.constant 0 : i32
      %dma_start3A_698 = tpu.memref_slice %arg26[%dma_start3A, %dma_start3A_697] : memref<10000x128xf32, #tpu.memory_space<vmem_shared>> -> memref<10000x128xf32, #tpu.memory_space<vmem_shared>>
      tpu.enqueue_indirect_dma source(%dma_start3A_698 : memref<10000x128xf32, #tpu.memory_space<vmem_shared>>) target(%arg13 : memref<80x128xf32, #tpu.memory_space<vmem>>) offsets(%arg20 : memref<80xi32, #tpu.memory_space<vmem>>) semaphore(%run_scoped3A : memref<!tpu.dma_semaphore, #tpu.memory_space<semaphore_mem>>)
      %dma_wait3A = arith.constant 0 : i32
      %dma_wait3A_699 = arith.constant 0 : i32
      %dma_wait3A_700 = tpu.memref_slice %arg26[%dma_wait3A, %dma_wait3A_699] : memref<10000x128xf32, #tpu.memory_space<vmem_shared>> -> memref<10000x128xf32, #tpu.memory_space<vmem_shared>>
      tpu.wait_indirect_dma semaphore(%run_scoped3A : memref<!tpu.dma_semaphore, #tpu.memory_space<semaphore_mem>>) src(%dma_wait3A_700 : memref<10000x128xf32, #tpu.memory_space<vmem_shared>>) dst(%arg13 : memref<80x128xf32, #tpu.memory_space<vmem>>)
      tpu.yield
    }) : () -> ()
    "tpu.region"() ({
      %run_scoped3A = tpu.sem_alloc : memref<!tpu.dma_semaphore, #tpu.memory_space<semaphore_mem>>
      %dma_start3A = arith.constant 0 : i32
      %dma_start3A_697 = tpu.memref_slice %arg9[%arg0, %multiple_of3A_610, %dma_start3A] : memref<2x10000x128xf32, #tpu.memory_space<hbm>> -> memref<1x80x128xf32, #tpu.memory_space<hbm>>
      %dma_start3A_698 = tpu.memref_squeeze %dma_start3A_697 : memref<1x80x128xf32, #tpu.memory_space<hbm>> -> memref<80x128xf32, #tpu.memory_space<hbm>>
      %dma_start3A_699 = arith.constant 0 : i32
      %dma_start3A_700 = tpu.memref_slice %arg9[%arg0, %multiple_of3A_610, %dma_start3A_699] : memref<2x10000x128xf32, #tpu.memory_space<hbm>> -> memref<1x80x128xf32, #tpu.memory_space<hbm>>
      %dma_start3A_701 = tpu.memref_squeeze %dma_start3A_700 : memref<1x80x128xf32, #tpu.memory_space<hbm>> -> memref<80x128xf32, #tpu.memory_space<hbm>>
      tpu.enqueue_dma source(%arg13 : memref<80x128xf32, #tpu.memory_space<vmem>>) target(%dma_start3A_701 : memref<80x128xf32, #tpu.memory_space<hbm>>) target_semaphore(%run_scoped3A : memref<!tpu.dma_semaphore, #tpu.memory_space<semaphore_mem>>)
      %dma_wait3A = arith.constant 0 : i32
      %dma_wait3A_702 = tpu.memref_slice %arg9[%arg0, %multiple_of3A_610, %dma_wait3A] : memref<2x10000x128xf32, #tpu.memory_space<hbm>> -> memref<1x80x128xf32, #tpu.memory_space<hbm>>
      %dma_wait3A_703 = tpu.memref_squeeze %dma_wait3A_702 : memref<1x80x128xf32, #tpu.memory_space<hbm>> -> memref<80x128xf32, #tpu.memory_space<hbm>>
      %dma_wait3A_704 = arith.constant 0 : i32
      %dma_wait3A_705 = tpu.memref_slice %arg9[%arg0, %multiple_of3A_610, %dma_wait3A_704] : memref<2x10000x128xf32, #tpu.memory_space<hbm>> -> memref<1x80x128xf32, #tpu.memory_space<hbm>>
      %dma_wait3A_706 = tpu.memref_squeeze %dma_wait3A_705 : memref<1x80x128xf32, #tpu.memory_space<hbm>> -> memref<80x128xf32, #tpu.memory_space<hbm>>
      tpu.wait_dma2 semaphore(%run_scoped3A : memref<!tpu.dma_semaphore, #tpu.memory_space<semaphore_mem>>) src(%arg13 : memref<80x128xf32, #tpu.memory_space<vmem>>) dst(%dma_wait3A_706 : memref<80x128xf32, #tpu.memory_space<hbm>>)
      tpu.yield
    }) : () -> ()
    %add3A_611 = arith.constant 480 : i32
    %add3A_612 = arith.addi %multiple_of3A, %add3A_611 : i32
    %add3A_613 = arith.constant 0 : i32
    %add3A_614 = arith.addi %add3A_612, %add3A_613 : i32
    %add3A_615 = vector.broadcast %add3A_614 : i32 to vector<16xi32>
    %add3A_616 = arith.addi %add3A_615, %iota3A : vector<16xi32>
    %swap3A_617 = arith.constant 0 : index
    %swap3A_618 = tpu.vector_load %arg20[%swap3A_617] {strides = array<i32>} : memref<80xi32, #tpu.memory_space<vmem>>, vector<16xi32>,
    tpu.vector_store %arg20[%swap3A_617], %add3A_616 {strides = array<i32>} : memref<80xi32, #tpu.memory_space<vmem>>, vector<16xi32>,
    %add3A_619 = arith.constant 480 : i32
    %add3A_620 = arith.addi %multiple_of3A, %add3A_619 : i32
    %add3A_621 = arith.constant 16 : i32
    %add3A_622 = arith.addi %add3A_620, %add3A_621 : i32
    %add3A_623 = vector.broadcast %add3A_622 : i32 to vector<16xi32>
    %add3A_624 = arith.addi %add3A_623, %iota3A : vector<16xi32>
    %swap3A_625 = arith.constant 16 : index
    %swap3A_626 = tpu.vector_load %arg20[%swap3A_625] {strides = array<i32>} : memref<80xi32, #tpu.memory_space<vmem>>, vector<16xi32>,
    tpu.vector_store %arg20[%swap3A_625], %add3A_624 {strides = array<i32>} : memref<80xi32, #tpu.memory_space<vmem>>, vector<16xi32>,
    %add3A_627 = arith.constant 480 : i32
    %add3A_628 = arith.addi %multiple_of3A, %add3A_627 : i32
    %add3A_629 = arith.constant 32 : i32
    %add3A_630 = arith.addi %add3A_628, %add3A_629 : i32
    %add3A_631 = vector.broadcast %add3A_630 : i32 to vector<16xi32>
    %add3A_632 = arith.addi %add3A_631, %iota3A : vector<16xi32>
    %swap3A_633 = arith.constant 32 : index
    %swap3A_634 = tpu.vector_load %arg20[%swap3A_633] {strides = array<i32>} : memref<80xi32, #tpu.memory_space<vmem>>, vector<16xi32>,
    tpu.vector_store %arg20[%swap3A_633], %add3A_632 {strides = array<i32>} : memref<80xi32, #tpu.memory_space<vmem>>, vector<16xi32>,
    %add3A_635 = arith.constant 480 : i32
    %add3A_636 = arith.addi %multiple_of3A, %add3A_635 : i32
    %add3A_637 = arith.constant 48 : i32
    %add3A_638 = arith.addi %add3A_636, %add3A_637 : i32
    %add3A_639 = vector.broadcast %add3A_638 : i32 to vector<16xi32>
    %add3A_640 = arith.addi %add3A_639, %iota3A : vector<16xi32>
    %swap3A_641 = arith.constant 48 : index
    %swap3A_642 = tpu.vector_load %arg20[%swap3A_641] {strides = array<i32>} : memref<80xi32, #tpu.memory_space<vmem>>, vector<16xi32>,
    tpu.vector_store %arg20[%swap3A_641], %add3A_640 {strides = array<i32>} : memref<80xi32, #tpu.memory_space<vmem>>, vector<16xi32>,
    %add3A_643 = arith.constant 480 : i32
    %add3A_644 = arith.addi %multiple_of3A, %add3A_643 : i32
    %add3A_645 = arith.constant 64 : i32
    %add3A_646 = arith.addi %add3A_644, %add3A_645 : i32
    %add3A_647 = vector.broadcast %add3A_646 : i32 to vector<16xi32>
    %add3A_648 = arith.addi %add3A_647, %iota3A : vector<16xi32>
    %swap3A_649 = arith.constant 64 : index
    %swap3A_650 = tpu.vector_load %arg20[%swap3A_649] {strides = array<i32>} : memref<80xi32, #tpu.memory_space<vmem>>, vector<16xi32>,
    tpu.vector_store %arg20[%swap3A_649], %add3A_648 {strides = array<i32>} : memref<80xi32, #tpu.memory_space<vmem>>, vector<16xi32>,
    %add3A_651 = arith.constant 480 : i32
    %add3A_652 = arith.addi %multiple_of3A, %add3A_651 : i32
    %multiple_of3A_653 = tpu.assume_multiple %add3A_652, 8 : i32
    "tpu.region"() ({
      %run_scoped3A = tpu.sem_alloc : memref<!tpu.dma_semaphore, #tpu.memory_space<semaphore_mem>>
      %dma_start3A = arith.constant 0 : i32
      %dma_start3A_697 = arith.constant 0 : i32
      %dma_start3A_698 = tpu.memref_slice %arg26[%dma_start3A, %dma_start3A_697] : memref<10000x128xf32, #tpu.memory_space<vmem_shared>> -> memref<10000x128xf32, #tpu.memory_space<vmem_shared>>
      tpu.enqueue_indirect_dma source(%dma_start3A_698 : memref<10000x128xf32, #tpu.memory_space<vmem_shared>>) target(%arg13 : memref<80x128xf32, #tpu.memory_space<vmem>>) offsets(%arg20 : memref<80xi32, #tpu.memory_space<vmem>>) semaphore(%run_scoped3A : memref<!tpu.dma_semaphore, #tpu.memory_space<semaphore_mem>>)
      %dma_wait3A = arith.constant 0 : i32
      %dma_wait3A_699 = arith.constant 0 : i32
      %dma_wait3A_700 = tpu.memref_slice %arg26[%dma_wait3A, %dma_wait3A_699] : memref<10000x128xf32, #tpu.memory_space<vmem_shared>> -> memref<10000x128xf32, #tpu.memory_space<vmem_shared>>
      tpu.wait_indirect_dma semaphore(%run_scoped3A : memref<!tpu.dma_semaphore, #tpu.memory_space<semaphore_mem>>) src(%dma_wait3A_700 : memref<10000x128xf32, #tpu.memory_space<vmem_shared>>) dst(%arg13 : memref<80x128xf32, #tpu.memory_space<vmem>>)
      tpu.yield
    }) : () -> ()
    "tpu.region"() ({
      %run_scoped3A = tpu.sem_alloc : memref<!tpu.dma_semaphore, #tpu.memory_space<semaphore_mem>>
      %dma_start3A = arith.constant 0 : i32
      %dma_start3A_697 = tpu.memref_slice %arg9[%arg0, %multiple_of3A_653, %dma_start3A] : memref<2x10000x128xf32, #tpu.memory_space<hbm>> -> memref<1x80x128xf32, #tpu.memory_space<hbm>>
      %dma_start3A_698 = tpu.memref_squeeze %dma_start3A_697 : memref<1x80x128xf32, #tpu.memory_space<hbm>> -> memref<80x128xf32, #tpu.memory_space<hbm>>
      %dma_start3A_699 = arith.constant 0 : i32
      %dma_start3A_700 = tpu.memref_slice %arg9[%arg0, %multiple_of3A_653, %dma_start3A_699] : memref<2x10000x128xf32, #tpu.memory_space<hbm>> -> memref<1x80x128xf32, #tpu.memory_space<hbm>>
      %dma_start3A_701 = tpu.memref_squeeze %dma_start3A_700 : memref<1x80x128xf32, #tpu.memory_space<hbm>> -> memref<80x128xf32, #tpu.memory_space<hbm>>
      tpu.enqueue_dma source(%arg13 : memref<80x128xf32, #tpu.memory_space<vmem>>) target(%dma_start3A_701 : memref<80x128xf32, #tpu.memory_space<hbm>>) target_semaphore(%run_scoped3A : memref<!tpu.dma_semaphore, #tpu.memory_space<semaphore_mem>>)
      %dma_wait3A = arith.constant 0 : i32
      %dma_wait3A_702 = tpu.memref_slice %arg9[%arg0, %multiple_of3A_653, %dma_wait3A] : memref<2x10000x128xf32, #tpu.memory_space<hbm>> -> memref<1x80x128xf32, #tpu.memory_space<hbm>>
      %dma_wait3A_703 = tpu.memref_squeeze %dma_wait3A_702 : memref<1x80x128xf32, #tpu.memory_space<hbm>> -> memref<80x128xf32, #tpu.memory_space<hbm>>
      %dma_wait3A_704 = arith.constant 0 : i32
      %dma_wait3A_705 = tpu.memref_slice %arg9[%arg0, %multiple_of3A_653, %dma_wait3A_704] : memref<2x10000x128xf32, #tpu.memory_space<hbm>> -> memref<1x80x128xf32, #tpu.memory_space<hbm>>
      %dma_wait3A_706 = tpu.memref_squeeze %dma_wait3A_705 : memref<1x80x128xf32, #tpu.memory_space<hbm>> -> memref<80x128xf32, #tpu.memory_space<hbm>>
      tpu.wait_dma2 semaphore(%run_scoped3A : memref<!tpu.dma_semaphore, #tpu.memory_space<semaphore_mem>>) src(%arg13 : memref<80x128xf32, #tpu.memory_space<vmem>>) dst(%dma_wait3A_706 : memref<80x128xf32, #tpu.memory_space<hbm>>)
      tpu.yield
    }) : () -> ()
    %add3A_654 = arith.constant 560 : i32
    %add3A_655 = arith.addi %multiple_of3A, %add3A_654 : i32
    %add3A_656 = arith.constant 0 : i32
    %add3A_657 = arith.addi %add3A_655, %add3A_656 : i32
    %add3A_658 = vector.broadcast %add3A_657 : i32 to vector<16xi32>
    %add3A_659 = arith.addi %add3A_658, %iota3A : vector<16xi32>
    %swap3A_660 = arith.constant 0 : index
    %swap3A_661 = tpu.vector_load %arg20[%swap3A_660] {strides = array<i32>} : memref<80xi32, #tpu.memory_space<vmem>>, vector<16xi32>,
    tpu.vector_store %arg20[%swap3A_660], %add3A_659 {strides = array<i32>} : memref<80xi32, #tpu.memory_space<vmem>>, vector<16xi32>,
    %add3A_662 = arith.constant 560 : i32
    %add3A_663 = arith.addi %multiple_of3A, %add3A_662 : i32
    %add3A_664 = arith.constant 16 : i32
    %add3A_665 = arith.addi %add3A_663, %add3A_664 : i32
    %add3A_666 = vector.broadcast %add3A_665 : i32 to vector<16xi32>
    %add3A_667 = arith.addi %add3A_666, %iota3A : vector<16xi32>
    %swap3A_668 = arith.constant 16 : index
    %swap3A_669 = tpu.vector_load %arg20[%swap3A_668] {strides = array<i32>} : memref<80xi32, #tpu.memory_space<vmem>>, vector<16xi32>,
    tpu.vector_store %arg20[%swap3A_668], %add3A_667 {strides = array<i32>} : memref<80xi32, #tpu.memory_space<vmem>>, vector<16xi32>,
    %add3A_670 = arith.constant 560 : i32
    %add3A_671 = arith.addi %multiple_of3A, %add3A_670 : i32
    %add3A_672 = arith.constant 32 : i32
    %add3A_673 = arith.addi %add3A_671, %add3A_672 : i32
    %add3A_674 = vector.broadcast %add3A_673 : i32 to vector<16xi32>
    %add3A_675 = arith.addi %add3A_674, %iota3A : vector<16xi32>
    %swap3A_676 = arith.constant 32 : index
    %swap3A_677 = tpu.vector_load %arg20[%swap3A_676] {strides = array<i32>} : memref<80xi32, #tpu.memory_space<vmem>>, vector<16xi32>,
    tpu.vector_store %arg20[%swap3A_676], %add3A_675 {strides = array<i32>} : memref<80xi32, #tpu.memory_space<vmem>>, vector<16xi32>,
    %add3A_678 = arith.constant 560 : i32
    %add3A_679 = arith.addi %multiple_of3A, %add3A_678 : i32
    %add3A_680 = arith.constant 48 : i32
    %add3A_681 = arith.addi %add3A_679, %add3A_680 : i32
    %add3A_682 = vector.broadcast %add3A_681 : i32 to vector<16xi32>
    %add3A_683 = arith.addi %add3A_682, %iota3A : vector<16xi32>
    %swap3A_684 = arith.constant 48 : index
    %swap3A_685 = tpu.vector_load %arg20[%swap3A_684] {strides = array<i32>} : memref<80xi32, #tpu.memory_space<vmem>>, vector<16xi32>,
    tpu.vector_store %arg20[%swap3A_684], %add3A_683 {strides = array<i32>} : memref<80xi32, #tpu.memory_space<vmem>>, vector<16xi32>,
    %add3A_686 = arith.constant 560 : i32
    %add3A_687 = arith.addi %multiple_of3A, %add3A_686 : i32
    %add3A_688 = arith.constant 64 : i32
    %add3A_689 = arith.addi %add3A_687, %add3A_688 : i32
    %add3A_690 = vector.broadcast %add3A_689 : i32 to vector<16xi32>
    %add3A_691 = arith.addi %add3A_690, %iota3A : vector<16xi32>
    %swap3A_692 = arith.constant 64 : index
    %swap3A_693 = tpu.vector_load %arg20[%swap3A_692] {strides = array<i32>} : memref<80xi32, #tpu.memory_space<vmem>>, vector<16xi32>,
    tpu.vector_store %arg20[%swap3A_692], %add3A_691 {strides = array<i32>} : memref<80xi32, #tpu.memory_space<vmem>>, vector<16xi32>,
    %add3A_694 = arith.constant 560 : i32
    %add3A_695 = arith.addi %multiple_of3A, %add3A_694 : i32
    %multiple_of3A_696 = tpu.assume_multiple %add3A_695, 8 : i32
    "tpu.region"() ({
      %run_scoped3A = tpu.sem_alloc : memref<!tpu.dma_semaphore, #tpu.memory_space<semaphore_mem>>
      %dma_start3A = arith.constant 0 : i32
      %dma_start3A_697 = arith.constant 0 : i32
      %dma_start3A_698 = tpu.memref_slice %arg26[%dma_start3A, %dma_start3A_697] : memref<10000x128xf32, #tpu.memory_space<vmem_shared>> -> memref<10000x128xf32, #tpu.memory_space<vmem_shared>>
      tpu.enqueue_indirect_dma source(%dma_start3A_698 : memref<10000x128xf32, #tpu.memory_space<vmem_shared>>) target(%arg13 : memref<80x128xf32, #tpu.memory_space<vmem>>) offsets(%arg20 : memref<80xi32, #tpu.memory_space<vmem>>) semaphore(%run_scoped3A : memref<!tpu.dma_semaphore, #tpu.memory_space<semaphore_mem>>)
      %dma_wait3A = arith.constant 0 : i32
      %dma_wait3A_699 = arith.constant 0 : i32
      %dma_wait3A_700 = tpu.memref_slice %arg26[%dma_wait3A, %dma_wait3A_699] : memref<10000x128xf32, #tpu.memory_space<vmem_shared>> -> memref<10000x128xf32, #tpu.memory_space<vmem_shared>>
      tpu.wait_indirect_dma semaphore(%run_scoped3A : memref<!tpu.dma_semaphore, #tpu.memory_space<semaphore_mem>>) src(%dma_wait3A_700 : memref<10000x128xf32, #tpu.memory_space<vmem_shared>>) dst(%arg13 : memref<80x128xf32, #tpu.memory_space<vmem>>)
      tpu.yield
    }) : () -> ()
    "tpu.region"() ({
      %run_scoped3A = tpu.sem_alloc : memref<!tpu.dma_semaphore, #tpu.memory_space<semaphore_mem>>
      %dma_start3A = arith.constant 0 : i32
      %dma_start3A_697 = tpu.memref_slice %arg9[%arg0, %multiple_of3A_696, %dma_start3A] : memref<2x10000x128xf32, #tpu.memory_space<hbm>> -> memref<1x80x128xf32, #tpu.memory_space<hbm>>
      %dma_start3A_698 = tpu.memref_squeeze %dma_start3A_697 : memref<1x80x128xf32, #tpu.memory_space<hbm>> -> memref<80x128xf32, #tpu.memory_space<hbm>>
      %dma_start3A_699 = arith.constant 0 : i32
      %dma_start3A_700 = tpu.memref_slice %arg9[%arg0, %multiple_of3A_696, %dma_start3A_699] : memref<2x10000x128xf32, #tpu.memory_space<hbm>> -> memref<1x80x128xf32, #tpu.memory_space<hbm>>
      %dma_start3A_701 = tpu.memref_squeeze %dma_start3A_700 : memref<1x80x128xf32, #tpu.memory_space<hbm>> -> memref<80x128xf32, #tpu.memory_space<hbm>>
      tpu.enqueue_dma source(%arg13 : memref<80x128xf32, #tpu.memory_space<vmem>>) target(%dma_start3A_701 : memref<80x128xf32, #tpu.memory_space<hbm>>) target_semaphore(%run_scoped3A : memref<!tpu.dma_semaphore, #tpu.memory_space<semaphore_mem>>)
      %dma_wait3A = arith.constant 0 : i32
      %dma_wait3A_702 = tpu.memref_slice %arg9[%arg0, %multiple_of3A_696, %dma_wait3A] : memref<2x10000x128xf32, #tpu.memory_space<hbm>> -> memref<1x80x128xf32, #tpu.memory_space<hbm>>
      %dma_wait3A_703 = tpu.memref_squeeze %dma_wait3A_702 : memref<1x80x128xf32, #tpu.memory_space<hbm>> -> memref<80x128xf32, #tpu.memory_space<hbm>>
      %dma_wait3A_704 = arith.constant 0 : i32
      %dma_wait3A_705 = tpu.memref_slice %arg9[%arg0, %multiple_of3A_696, %dma_wait3A_704] : memref<2x10000x128xf32, #tpu.memory_space<hbm>> -> memref<1x80x128xf32, #tpu.memory_space<hbm>>
      %dma_wait3A_706 = tpu.memref_squeeze %dma_wait3A_705 : memref<1x80x128xf32, #tpu.memory_space<hbm>> -> memref<80x128xf32, #tpu.memory_space<hbm>>
      tpu.wait_dma2 semaphore(%run_scoped3A : memref<!tpu.dma_semaphore, #tpu.memory_space<semaphore_mem>>) src(%arg13 : memref<80x128xf32, #tpu.memory_space<vmem>>) dst(%dma_wait3A_706 : memref<80x128xf32, #tpu.memory_space<hbm>>)
      tpu.yield
    }) : () -> ()
    return
  }
}

module attributes {stable_mosaic.version = 14 : i64} {
  func.func @_mm_body(%arg0: i32, %arg1: memref<400x300xf32, #tpu.memory_space<vmem>>, %arg2: memref<300x128xf32, #tpu.memory_space<vmem>>, %arg3: memref<400x128xf32, #tpu.memory_space<vmem>>) attributes {dimension_semantics = [#tpu.dimension_semantics<arbitrary>], iteration_bounds = array<i64: 25>, scalar_prefetch = 0 : i64, scratch_operands = 0 : i64, tpu.core_type = #tpu.core_type<tc>, window_params = [{transform_indices = @transform_0, window_bounds = array<i64: 400, 300>}, {pipeline_mode = #tpu.pipeline_mode<synchronous>, transform_indices = @transform_1, window_bounds = array<i64: 300, 128>}, {transform_indices = @transform_2, window_bounds = array<i64: 400, 128>}]} {
    %get3A = arith.constant 0 : index
    %get3A_0 = arith.constant 0 : index
    %get3A_1 = vector.load %arg1[%get3A, %get3A_0] : memref<400x300xf32, #tpu.memory_space<vmem>>, vector<400x300xf32>
    %get3A_2 = arith.constant 0 : index
    %get3A_3 = arith.constant 0 : index
    %get3A_4 = vector.load %arg2[%get3A_2, %get3A_3] : memref<300x128xf32, #tpu.memory_space<vmem>>, vector<300x128xf32>
    %dot_general3A = arith.constant dense<0.000000e+00> : vector<400x128xf32>
    %dot_general3A_5 = tpu.matmul %get3A_1, %get3A_4, %dot_general3A {dimension_numbers = #tpu.dot_dimension_numbers<[1], [0], [0], [1], [0, 0, 1, 1], [], []>, transpose_lhs_hint = false} : vector<400x300xf32>, vector<300x128xf32>, vector<400x128xf32> -> vector<400x128xf32>
    %swap3A = arith.constant 0 : index
    %swap3A_6 = arith.constant 0 : index
    %swap3A_7 = vector.load %arg3[%swap3A, %swap3A_6] : memref<400x128xf32, #tpu.memory_space<vmem>>, vector<400x128xf32>
    tpu.vector_store %arg3[%swap3A, %swap3A_6], %dot_general3A_5 {strides = array<i32>} : memref<400x128xf32, #tpu.memory_space<vmem>>, vector<400x128xf32>,
    return
  }
  func.func @transform_0(%arg0: i32) -> (i32, i32) {
    %c0_i32 = arith.constant 0 : i32
    %c0_i32_0 = arith.constant 0 : i32
    return %arg0, %c0_i32 : i32, i32
  }
  func.func @transform_1(%arg0: i32) -> (i32, i32) {
    %c0_i32 = arith.constant 0 : i32
    %c0_i32_0 = arith.constant 0 : i32
    %c0_i32_1 = arith.constant 0 : i32
    return %c0_i32, %c0_i32_0 : i32, i32
  }
  func.func @transform_2(%arg0: i32) -> (i32, i32) {
    %c0_i32 = arith.constant 0 : i32
    %c0_i32_0 = arith.constant 0 : i32
    return %arg0, %c0_i32 : i32, i32
  }
}

module attributes {stable_mosaic.version = 14 : i64} {
  func.func @_mm_body(%arg0: i32, %arg1: memref<400x128xf32, #tpu.memory_space<vmem>>, %arg2: memref<128x128xf32, #tpu.memory_space<vmem>>, %arg3: memref<400x128xf32, #tpu.memory_space<vmem>>) attributes {dimension_semantics = [#tpu.dimension_semantics<arbitrary>], iteration_bounds = array<i64: 25>, scalar_prefetch = 0 : i64, scratch_operands = 0 : i64, tpu.core_type = #tpu.core_type<tc>, window_params = [{transform_indices = @transform_0, window_bounds = array<i64: 400, 128>}, {pipeline_mode = #tpu.pipeline_mode<synchronous>, transform_indices = @transform_1, window_bounds = array<i64: 128, 128>}, {transform_indices = @transform_2, window_bounds = array<i64: 400, 128>}]} {
    %get3A = arith.constant 0 : index
    %get3A_0 = arith.constant 0 : index
    %get3A_1 = vector.load %arg1[%get3A, %get3A_0] : memref<400x128xf32, #tpu.memory_space<vmem>>, vector<400x128xf32>
    %get3A_2 = arith.constant 0 : index
    %get3A_3 = arith.constant 0 : index
    %get3A_4 = vector.load %arg2[%get3A_2, %get3A_3] : memref<128x128xf32, #tpu.memory_space<vmem>>, vector<128x128xf32>
    %dot_general3A = arith.constant dense<0.000000e+00> : vector<400x128xf32>
    %dot_general3A_5 = tpu.matmul %get3A_1, %get3A_4, %dot_general3A {dimension_numbers = #tpu.dot_dimension_numbers<[1], [0], [0], [1], [0, 0, 1, 1], [], []>, transpose_lhs_hint = false} : vector<400x128xf32>, vector<128x128xf32>, vector<400x128xf32> -> vector<400x128xf32>
    %swap3A = arith.constant 0 : index
    %swap3A_6 = arith.constant 0 : index
    %swap3A_7 = vector.load %arg3[%swap3A, %swap3A_6] : memref<400x128xf32, #tpu.memory_space<vmem>>, vector<400x128xf32>
    tpu.vector_store %arg3[%swap3A, %swap3A_6], %dot_general3A_5 {strides = array<i32>} : memref<400x128xf32, #tpu.memory_space<vmem>>, vector<400x128xf32>,
    return
  }
  func.func @transform_0(%arg0: i32) -> (i32, i32) {
    %c0_i32 = arith.constant 0 : i32
    %c0_i32_0 = arith.constant 0 : i32
    return %arg0, %c0_i32 : i32, i32
  }
  func.func @transform_1(%arg0: i32) -> (i32, i32) {
    %c0_i32 = arith.constant 0 : i32
    %c0_i32_0 = arith.constant 0 : i32
    %c0_i32_1 = arith.constant 0 : i32
    return %c0_i32, %c0_i32_0 : i32, i32
  }
  func.func @transform_2(%arg0: i32) -> (i32, i32) {
    %c0_i32 = arith.constant 0 : i32
    %c0_i32_0 = arith.constant 0 : i32
    return %arg0, %c0_i32 : i32, i32
  }
}

module attributes {stable_mosaic.version = 14 : i64} {
  func.func @_mm_bias_body(%arg0: i32, %arg1: memref<2000x16xf32, #tpu.memory_space<vmem>>, %arg2: memref<16x128xf32, #tpu.memory_space<vmem>>, %arg3: memref<1x128xf32, #tpu.memory_space<vmem>>, %arg4: memref<2000x128xf32, #tpu.memory_space<vmem>>) attributes {dimension_semantics = [#tpu.dimension_semantics<arbitrary>], iteration_bounds = array<i64: 160>, scalar_prefetch = 0 : i64, scratch_operands = 0 : i64, tpu.core_type = #tpu.core_type<tc>, window_params = [{transform_indices = @transform_0, window_bounds = array<i64: 2000, 16>}, {pipeline_mode = #tpu.pipeline_mode<synchronous>, transform_indices = @transform_1, window_bounds = array<i64: 16, 128>}, {pipeline_mode = #tpu.pipeline_mode<synchronous>, transform_indices = @transform_2, window_bounds = array<i64: 1, 128>}, {transform_indices = @transform_3, window_bounds = array<i64: 2000, 128>}]} {
    %get3A = arith.constant 0 : index
    %get3A_0 = arith.constant 0 : index
    %get3A_1 = vector.load %arg1[%get3A, %get3A_0] : memref<2000x16xf32, #tpu.memory_space<vmem>>, vector<2000x16xf32>
    %get3A_2 = arith.constant 0 : index
    %get3A_3 = arith.constant 0 : index
    %get3A_4 = vector.load %arg2[%get3A_2, %get3A_3] : memref<16x128xf32, #tpu.memory_space<vmem>>, vector<16x128xf32>
    %dot_general3A = arith.constant dense<0.000000e+00> : vector<2000x128xf32>
    %dot_general3A_5 = tpu.matmul %get3A_1, %get3A_4, %dot_general3A {dimension_numbers = #tpu.dot_dimension_numbers<[1], [0], [0], [1], [0, 0, 1, 1], [], []>, transpose_lhs_hint = false} : vector<2000x16xf32>, vector<16x128xf32>, vector<2000x128xf32> -> vector<2000x128xf32>
    %get3A_6 = arith.constant 0 : index
    %get3A_7 = arith.constant 0 : index
    %get3A_8 = vector.load %arg3[%get3A_6, %get3A_7] : memref<1x128xf32, #tpu.memory_space<vmem>>, vector<1x128xf32>
    %add3A = vector.broadcast %get3A_8 : vector<1x128xf32> to vector<2000x128xf32>
    %add3A_9 = arith.addf %dot_general3A_5, %add3A : vector<2000x128xf32>
    %swap3A = arith.constant 0 : index
    %swap3A_10 = arith.constant 0 : index
    %swap3A_11 = vector.load %arg4[%swap3A, %swap3A_10] : memref<2000x128xf32, #tpu.memory_space<vmem>>, vector<2000x128xf32>
    tpu.vector_store %arg4[%swap3A, %swap3A_10], %add3A_9 {strides = array<i32>} : memref<2000x128xf32, #tpu.memory_space<vmem>>, vector<2000x128xf32>,
    return
  }
  func.func @transform_0(%arg0: i32) -> (i32, i32) {
    %c0_i32 = arith.constant 0 : i32
    %c0_i32_0 = arith.constant 0 : i32
    return %arg0, %c0_i32 : i32, i32
  }
  func.func @transform_1(%arg0: i32) -> (i32, i32) {
    %c0_i32 = arith.constant 0 : i32
    %c0_i32_0 = arith.constant 0 : i32
    %c0_i32_1 = arith.constant 0 : i32
    return %c0_i32, %c0_i32_0 : i32, i32
  }
  func.func @transform_2(%arg0: i32) -> (i32, i32) {
    %c0_i32 = arith.constant 0 : i32
    %c0_i32_0 = arith.constant 0 : i32
    %c0_i32_1 = arith.constant 0 : i32
    return %c0_i32, %c0_i32_0 : i32, i32
  }
  func.func @transform_3(%arg0: i32) -> (i32, i32) {
    %c0_i32 = arith.constant 0 : i32
    %c0_i32_0 = arith.constant 0 : i32
    return %arg0, %c0_i32 : i32, i32
  }
}

module attributes {stable_mosaic.version = 14 : i64} {
  func.func @_combine_body(%arg0: i32, %arg1: memref<2x400x128xf32, #tpu.memory_space<vmem>>, %arg2: memref<400x32xf32, #tpu.memory_space<vmem>>, %arg3: memref<400x128xf32, #tpu.memory_space<vmem>>) attributes {dimension_semantics = [#tpu.dimension_semantics<arbitrary>], iteration_bounds = array<i64: 25>, scalar_prefetch = 0 : i64, scratch_operands = 0 : i64, tpu.core_type = #tpu.core_type<tc>, window_params = [{transform_indices = @transform_0, window_bounds = array<i64: 2, 400, 128>}, {transform_indices = @transform_1, window_bounds = array<i64: 400, 32>}, {transform_indices = @transform_2, window_bounds = array<i64: 400, 128>}]} {
    %get3A = arith.constant 0 : index
    %get3A_0 = arith.constant 0 : index
    %get3A_1 = arith.constant 0 : index
    %get3A_2 = vector.load %arg1[%get3A, %get3A_0, %get3A_1] : memref<2x400x128xf32, #tpu.memory_space<vmem>>, vector<1x400x128xf32>
    %get3A_3 = vector.shape_cast %get3A_2 : vector<1x400x128xf32> to vector<400x128xf32>
    %get3A_4 = arith.constant 1 : index
    %get3A_5 = arith.constant 0 : index
    %get3A_6 = arith.constant 0 : index
    %get3A_7 = vector.load %arg1[%get3A_4, %get3A_5, %get3A_6] : memref<2x400x128xf32, #tpu.memory_space<vmem>>, vector<1x400x128xf32>
    %get3A_8 = vector.shape_cast %get3A_7 : vector<1x400x128xf32> to vector<400x128xf32>
    %add3A = arith.addf %get3A_3, %get3A_8 : vector<400x128xf32>
    %get3A_9 = arith.constant 0 : index
    %get3A_10 = arith.constant 0 : index
    %get3A_11 = vector.load %arg2[%get3A_9, %get3A_10] : memref<400x32xf32, #tpu.memory_space<vmem>>, vector<400x32xf32>
    %reduce_sum3A = arith.constant dense<0.000000e+00> : vector<400xf32>
    %reduce_sum3A_12 = vector.multi_reduction <add>, %get3A_11, %reduce_sum3A [1] : vector<400x32xf32> to vector<400xf32>
    %broadcast_in_dim3A = vector.shape_cast %reduce_sum3A_12 : vector<400xf32> to vector<400x1xf32>
    %gt3A = arith.constant 0.000000e+00 : f32
    %gt3A_13 = vector.broadcast %gt3A : f32 to vector<400x1xf32>
    %gt3A_14 = arith.cmpf ogt, %broadcast_in_dim3A, %gt3A_13 : vector<400x1xf32>
    %div3A = vector.broadcast %broadcast_in_dim3A : vector<400x1xf32> to vector<400x128xf32>
    %div3A_15 = arith.divf %add3A, %div3A : vector<400x128xf32>
    %jit3A = arith.constant 0.000000e+00 : f32
    %broadcast_in_dim3A_16 = vector.shape_cast %gt3A_14 : vector<400x1xi1> to vector<400x1xi1>
    %broadcast_in_dim3A_17 = vector.broadcast %broadcast_in_dim3A_16 : vector<400x1xi1> to vector<400x128xi1>
    %broadcast_in_dim3A_18 = vector.broadcast %jit3A : f32 to vector<400x128xf32>
    %select_n3A = arith.select %broadcast_in_dim3A_17, %div3A_15, %broadcast_in_dim3A_18 : vector<400x128xi1>, vector<400x128xf32>
    %swap3A = arith.constant 0 : index
    %swap3A_19 = arith.constant 0 : index
    %swap3A_20 = vector.load %arg3[%swap3A, %swap3A_19] : memref<400x128xf32, #tpu.memory_space<vmem>>, vector<400x128xf32>
    tpu.vector_store %arg3[%swap3A, %swap3A_19], %select_n3A {strides = array<i32>} : memref<400x128xf32, #tpu.memory_space<vmem>>, vector<400x128xf32>,
    return
  }
  func.func @transform_0(%arg0: i32) -> (i32, i32, i32) {
    %c0_i32 = arith.constant 0 : i32
    %c0_i32_0 = arith.constant 0 : i32
    %c0_i32_1 = arith.constant 0 : i32
    return %c0_i32, %arg0, %c0_i32_0 : i32, i32, i32
  }
  func.func @transform_1(%arg0: i32) -> (i32, i32) {
    %c0_i32 = arith.constant 0 : i32
    %c0_i32_0 = arith.constant 0 : i32
    return %arg0, %c0_i32 : i32, i32
  }
  func.func @transform_2(%arg0: i32) -> (i32, i32) {
    %c0_i32 = arith.constant 0 : i32
    %c0_i32_0 = arith.constant 0 : i32
    return %arg0, %c0_i32 : i32, i32
  }
}

</mosaic_0001>

<sc_bundles>
// kernel: kernel.7.cloned.1.call-start
scs
__scs_entry_jumppad:
0x0: {  	(pc) =	sbr.rel $0x88, $3  }
0x1: {  	(tag) =	ssettag $0x0;
	lr =	simm.s32 $0x1  }
0x2: {  	[smem:$0x3F97] =	sst lr;
	_ =	strace $0xD0000000  }
0x3: {  	_ = 	snop  }
0x4: {  	_ = 	snop  }
0x5: {  	_ = 	snop  }
0x6: {  	_ = 	snop  }
0x7: {  	_ = 	snop  }
__scs_overlays_trampoline_lowered:
0x8: {  	[smem:$0x3FA6] =	sst s0  }
0x9: {  	[smem:$0x3FA7] =	sst s1  }
0xa: {  	[smem:$0x3FA8] =	sst s2  }
0xb: {  	[smem:$0x3FA9] =	sst s3  }
0xc: {  	[smem:$0x3FAA] =	sst s4  }
0xd: {  	[smem:$0x3FAB] =	sst s5  }
0xe: {  	[smem:$0x3FAC] =	sst s6  }
0xf: {  	[smem:$0x3FAD] =	sst s7  }
0x10: {  	[smem:$0x3FAE] =	sst s8  }
0x11: {  	[smem:$0x3FAF] =	sst s9;
	s0 =	simm.s32 @!p0 $0x0  }
0x12: {  	s1 =	sld [smem:$0x3F95];
	s0 =	simm.s32 @p0 $0x1  }
0x13: {  	[smem:$0x3FB0] =	sst s0;
	s0 =	simm.s32 @!p1 $0x0  }
0x14: {  	s2 =	sld [smem:$0x3F94];
	s0 =	simm.s32 @p1 $0x1  }
0x15: {  	[smem:$0x3FB1] =	sst s0;
	s0 =	simm.s32 @!p2 $0x0  }
0x16: {  	s3 =	sld [smem:$0x3FDB];
	s0 =	simm.s32 @p2 $0x1  }
0x17: {  	s4 =	simm.s32 $0x1BF5;
	[smem:$0x3FB3] =	sst s0  }
0x18: {  	s0 =	sld [smem:$0x3F96];
	_ =	swait.ge [sflag:s4], $0x0  }
0x19: {  	s7 =	sld [smem:$0x3F97]  }
0x1a: {  	s8 =	sadd.s32 $0xFFFFE003, lr  }
0x1b: {  	s9 =	sadd.s32 $0xFFFFFEF7, lr;
	s5 =	simm.s32 $0xFFFFFFFF;
	p2 =	slt.u32 s8, $0xFFFFF086  }
0x1c: {  	p1 =	slt.u32 s9, $0xF7A;
	s5 =	simm.s32 @!p2 $0x0  }
0x1d: {  	s5 =	simm.s32 @p1 $0x1;
	p0 =	seq.s32 s7, s2  }
0x1e: {  	s7 =	smul.u32 @!p0 $0xF7A, s2;
	p2 =	seq.s32 @!p0 s5, $0x0  }
0x1f: {  	s9 =	smul.u32 $0xF7A, s1;
	s8 =	simm.s32 @!p0 $0x1BF5;
	p2 =	por !p2, p0  }
0x20: {  	[sflag:s8] =	ssyncset.s32 @!p0 $0xFFFFF086;
	s6 =	sadd.s32 @!p0 s3, s7;
	s7 =	simm.s32 @!p0 $0x108  }
0x21: {  	s3 =	sadd.s32 s3, s9;
	s6 =	sadd.s32 @!p0 $0x88, s6;
	s7 =	simm.s32 @p2 $0x1082  }
0x22: {  	[simem:s7], [sflag:s8] =	dma.local @!p0 [hbm:s6], $0xF7A  }
0x23: {  	s9 =	sor.u32 $0xD0000000, s2;
	s6 =	simm.s32 $0x108;
	_ =	swait.ge @!p0 [sflag:s8], $0x0  }
0x24: {  	s3 =	sadd.s32 $0x88, s3;
	s6 =	simm.s32 @!p1 $0x1082;
	[sflag:s4] =	ssyncset.s32 $0xFFFFF086  }
0x25: {  	[simem:s6], [sflag:s4] =	dma.local [hbm:s3], $0xF7A  }
0x26: {  	[smem:$0x3F97] =	sst s1;
	(tag) =	ssettag s2;
	_ =	strace s9  }
0x27: {  	s1 =	sld [smem:$0x3FA7]  }
0x28: {  	s2 =	sld [smem:$0x3FA8]  }
0x29: {  	s4 =	sld [smem:$0x3FAA]  }
0x2a: {  	p0 =	seq.s32 s5, $0x0;
	s5 =	sld [smem:$0x3FAB]  }
0x2b: {  	s6 =	sld [smem:$0x3FAC]  }
0x2c: {  	s7 =	sld [smem:$0x3FAD]  }
0x2d: {  	s3 =	simm.s32 $0x108;
	s8 =	sld [smem:$0x3FAE]  }
0x2e: {  	s3 =	simm.s32 @!p0 $0x1082;
	s9 =	sld [smem:$0x3FAF]  }
0x2f: {  	lr =	sadd.s32 s0, s3;
	s0 =	sld [smem:$0x3FA6]  }
0x30: {  	s3 =	sld [smem:$0x3FA9]  }
0x31: {  	[smem:$0x3FB2] =	sst s10  }
0x32: {  	s10 =	sld [smem:$0x3FB0];
	_ =	sdelay $0x3  }
0x33: {  	p0 =	seq.s32 s10, $0x1;
	s10 =	sld [smem:$0x3FB2];
	_ =	sdelay $0x3  }
0x34: {  	[smem:$0x3FB2] =	sst s10  }
0x35: {  	s10 =	sld [smem:$0x3FB1];
	_ =	sdelay $0x3  }
0x36: {  	p1 =	seq.s32 s10, $0x1;
	s10 =	sld [smem:$0x3FB2];
	_ =	sdelay $0x3  }
0x37: {  	[smem:$0x3FB2] =	sst s10  }
0x38: {  	s10 =	sld [smem:$0x3FB3]  }
0x39: {  	_ = 	snop;
	(pc) =	sbr.ind lr, $3  }
0x3a: {  	_ = 	snop  }
0x3b: {  	_ = 	snop  }
0x3c: {  	p2 =	seq.s32 s10, $0x1;
	s10 =	sld [smem:$0x3FB2]  }
0x3d: {  	_ =	shalt  }
0x3e: {  	_ =	shalt  }
0x3f: {  	_ =	shalt  }
0x40: {  	_ =	shalt  }
0x41: {  	_ =	shalt  }
0x42: {  	_ =	shalt  }
0x43: {  	_ =	shalt  }
0x44: {  	_ =	shalt  }
0x45: {  	_ =	shalt  }
0x46: {  	_ =	shalt  }
0x47: {  	_ =	shalt  }
0x48: {  	_ =	shalt  }
0x49: {  	_ =	shalt  }
0x4a: {  	_ =	shalt  }
0x4b: {  	_ =	shalt  }
0x4c: {  	_ =	shalt  }
0x4d: {  	_ =	shalt  }
0x4e: {  	_ =	shalt  }
0x4f: {  	_ =	shalt  }
0x50: {  	_ =	shalt  }
0x51: {  	_ =	shalt  }
0x52: {  	_ =	shalt  }
0x53: {  	_ =	shalt  }
0x54: {  	_ =	shalt  }
0x55: {  	_ =	shalt  }
0x56: {  	_ =	shalt  }
0x57: {  	_ =	shalt  }
0x58: {  	_ =	shalt  }
0x59: {  	_ =	shalt  }
0x5a: {  	_ =	shalt  }
0x5b: {  	_ =	shalt  }
0x5c: {  	_ =	shalt  }
0x5d: {  	_ =	shalt  }
0x5e: {  	_ =	shalt  }
0x5f: {  	_ =	shalt  }
0x60: {  	_ =	shalt  }
0x61: {  	_ =	shalt  }
0x62: {  	_ =	shalt  }
0x63: {  	_ =	shalt  }
0x64: {  	_ =	shalt  }
0x65: {  	_ =	shalt  }
0x66: {  	_ =	shalt  }
0x67: {  	_ =	shalt  }
0x68: {  	_ =	shalt  }
0x69: {  	_ =	shalt  }
0x6a: {  	_ =	shalt  }
0x6b: {  	_ =	shalt  }
0x6c: {  	_ =	shalt  }
0x6d: {  	_ =	shalt  }
0x6e: {  	_ =	shalt  }
0x6f: {  	_ =	shalt  }
0x70: {  	_ =	shalt  }
0x71: {  	_ =	shalt  }
0x72: {  	_ =	shalt  }
0x73: {  	_ =	shalt  }
0x74: {  	_ =	shalt  }
0x75: {  	_ =	shalt  }
0x76: {  	_ =	shalt  }
0x77: {  	_ =	shalt  }
0x78: {  	_ =	shalt  }
0x79: {  	_ =	shalt  }
0x7a: {  	_ =	shalt  }
0x7b: {  	_ =	shalt  }
0x7c: {  	_ =	shalt  }
0x7d: {  	_ =	shalt  }
0x7e: {  	_ =	shalt  }
0x7f: {  	_ =	shalt  }
0x80: {  	_ =	shalt  }
0x81: {  	_ =	shalt  }
0x82: {  	_ =	shalt  }
0x83: {  	_ =	shalt  }
0x84: {  	_ =	shalt  }
0x85: {  	_ =	shalt  }
0x86: {  	_ =	shalt  }
0x87: {  	_ =	shalt  }
.Lfunc_end0:
.L_simem_size_0:
called_computation_lowered:
.L_overlay_start_0:
0x88: {  	s2 =	sld [smem:$0x3FD9]  }
0x89: {  	s3 =	sld [smem:$0x3FFE];
	_ =	sdelay $0x1  }
0x8a: {  	s1 =	srdreg.scid  }
0x8b: {  	s0 =	sand.u32 $0x1, s1  }
0x8c: {  	s17 =	sshll.u32 s0, $0xA;
	s2 =	sadd.s32 s3, s2  }
0x8d: {  	s2 =	sadd.s32 s2, s17  }
0x8e: {  	[smem:$0x3FBE] =	sst s2  }
0x8f: {  	_ = 	snop  }
0x90: {  	s2 =	sld [smem:$0x3FC6]  }
0x91: {  	s18 =	sld [smem:$0x3FC5]  }
0x92: {  	s4 =	sld [smem:$0x3FC0]  }
0x93: {  	s5 =	sld [smem:$0x3FD0];
	(tm) =	ssettm $0x1  }
0x94: {  	s6 =	sld [smem:$0x3FFB];
	_ =	sdelay $0x3  }
0x95: {  	_ =	strace s6  }
0x96: {  	s6 =	sld [smem:$0x3FFC];
	_ =	sdelay $0x3  }
0x97: {  	_ =	strace s6  }
0x98: {  	s6 =	sld [smem:$0x3FFD];
	_ =	sdelay $0x3  }
0x99: {  	_ =	strace s6  }
0x9a: {  	_ =	strace $0x8FFFFFFF  }
0x9b: {  	s19 =	sld [smem:$0x3FDB];
	_ =	sdelay $0x1  }
0x9c: {  	s7 =	simm.s32 $_scs_section_size  }
0x9d: {  	s8 =	simm.s32 $_size__tile_overlayer_lowered;
	s9 =	simm.s32 $_tile_overlayer_lowered  }
0x9e: {  	s22 =	simm.s32 $0x1BFF;
	s21 =	sshll.u32 s9, $0x1;
	s6 =	sadd.s32 s7, s19  }
0x9f: {  	s10 =	simm.s32 $0x0;
	s20 =	sshll.u32 s8, $0x1;
	s8 =	sadd.s32 s21, s6  }
0xa0: {  	[timem:s10], [sflag:s22] =	dma.local [hbm:s8], s20  }
0xa1: {  	_ =	swait.ge [sflag:s22], s20  }
0xa2: {  	s7 =	ssub.s32 $0x0, s20;
	[sflag:s22] =	ssyncset.done $0x0  }
0xa3: {  	[sflag:s22] =	ssyncadd.s32 s7;
	_ =	sdelay $0x1  }
0xa4: {  	s23 =	simm.s32 $0x1B8B  }
0xa5: {  	_ =	swait.ge [sflag:s23], $0x1  }
0xa6: {  	[sflag:s23] =	ssyncset.done $0x0  }
0xa7: {  	s25 =	simm.s32 $0x1B8E;
	s24 =	sld [smem:$0x3FFE];
	[sflag:s23] =	ssyncadd.s32 $0xFFFFFFFF  }
0xa8: {  	s26 =	simm.s32 $execute0_lowered;
	[smem:$0x3FD2] =	sst s25  }
0xa9: {  	s8 =	sshll.u32 s26, $0x1;
	_ =	strace $0x80000046;
	[dreg:$0x1] =	wrdreg $0xFFFFFFFF  }
0xaa: {  	s28 =	simm.s32 $_size_execute0_lowered;
	s6 =	sadd.s32 s6, s8;
	[dreg:$0x0] =	wrdreg $0x0  }
0xab: {  	s8 =	sshll.u32 s28, $0x1;
	[dreg:$0x2] =	wrdreg s6  }
0xac: {  	[dreg:$0x3] =	wrdreg s8  }
0xad: {  	[dreg:$0x4] =	wrdreg $0xC0  }
0xae: {  	_ =	task [dreg:s10], $0x5FFFF  }
0xaf: {  	[dreg:$0x1] =	wrdreg $0xFFFFFFFF  }
0xb0: {  	[dreg:$0x0] =	wrdreg $0x60  }
0xb1: {  	[dreg:$0x2] =	wrdreg s5  }
0xb2: {  	[dreg:$0x3] =	wrdreg s24  }
0xb3: {  	[dreg:$0x4] =	wrdreg s2  }
0xb4: {  	[dreg:$0x5] =	wrdreg s18  }
0xb5: {  	[dreg:$0x6] =	wrdreg s4  }
0xb6: {  	[dreg:$0x7] =	wrdreg $0xA3000  }
0xb7: {  	[dreg:$0x8] =	wrdreg $0x9  }
0xb8: {  	_ =	task.clear_ibuf [dreg:s10], $0x9FFFF;
	_ =	strace $0x90000046  }
0xb9: {  	s29 =	simm.s32 $0x9;
	_ =	strace $0x80000048  }
0xba: {  	_ =	swait.ge [sflag:s29], $0x1  }
0xbb: {  	[sflag:s29] =	ssyncadd.s32 $0xFFFFFFFF  }
0xbc: {  	_ =	strace $0x90000048  }
0xbd: {  	_ =	sfence  }
0xbe: {  	s30 =	sld [smem:$0x0];
	_ =	sdelay $0x2  }
0xbf: {  	s31 =	sshll.u32 s1, $0xD;
	s1 =	sshrl.u32 s1, $0x2  }
0xc0: {  	s3 =	sand.u32 $0x4000, s31;
	s1 =	sadd.s32 s1, s30  }
0xc1: {  	s0 =	sor.u32 s3, s0;
	s1 =	sshll.u32 s1, $0x11  }
0xc2: {  	s0 =	sor.u32 s1, s0  }
0xc3: {  	s0 =	sadd.s32 $0x8F2B, s0  }
0xc4: {  	[sflag:s0] =	ssyncadd.remote.s32 $0x1  }
0xc5: {  	_ =	sfence.sel $0xFFFF  }
0xc6: {  	[dreg:$0x0] =	wrdreg $0xFFFFFFFF;
	(pc) =	sbr.abs _section_cstart, $3  }
0xc7: {  	[dreg:$0x1] =	wrdreg $0xFFFFFFFF  }
0xc8: {  	_ =	task.clear_ibuf [dreg:s10], $0x2FFFF;
	_ =	strace $0x9FFFFFFF  }
0xc9: {  	(tm) =	ssettm $0x7FFFFFFF  }
tec
execute0_lowered:
.L_overlay_start_1:
0x0: {  	(tag) =	ssettag $0x1  }
0x1: {  	s1 =	rddreg [dreg:$0x0]  }
0x2: {  	s4 =	rddreg [dreg:$0x1]  }
0x3: {  	s2 =	rddreg [dreg:$0x2]  }
0x4: {  	s3 =	rddreg [dreg:$0x3]  }
0x5: {  	s6 =	rddreg [dreg:$0x5];
	s5 =	simm.s32 $0x0;
	s0 =	srdreg.scid  }
0x6: {  	s7 =	stileid.u32;
	[smem:$0x7FF] =	sst s5  }
0x7: {  	s15 =	sand.u32 $0x1, s0;
	s24 =	sshll.u32 s7, $0x1;
	s25 =	sshrl.u32 s7, $0x2  }
0x8: {  	s8 =	sadd.s32 $0x4E3A00, s4;
	s11 =	sadd.s32 $0x1A00, s4;
	s12 =	smul.u32 $0x280, s7  }
0x9: {  	_ =	strace $0x80000047;
	s9 =	sor.u32 s15, s24;
	s0 =	smul.u32 $0x13C00, s25  }
0xa: {  	[dreg:$0x7] =	wrdreg s11;
	s26 =	ssub.s32 $0x2, s15;
	s5 =	smul.u32 $0x138800, s15  }
0xb: {  	[dreg:$0x14] =	wrdreg s9;
	s10 =	sshll.u32 s9, $0x7;
	s9 =	sadd.s32 $0x50AC00, s4  }
0xc: {  	s13 =	sshrl.u32 s26, $0x1;
	s11 =	smin.u32 s12, $0x2490;
	s10 =	sand.u32 $0x380, s10  }
0xd: {  	s12 =	sadd.s32 $0x10, s11;
	s16 =	sor.u32 $0x20, s11;
	s17 =	sadd.s32 $0x30, s11  }
0xe: {  	s18 =	sor.u32 $0x40, s11;
	s19 =	sadd.s32 $0x50, s11;
	s20 =	sor.u32 $0x60, s11  }
0xf: {  	s21 =	sadd.s32 $0x70, s11;
	s22 =	sadd.s32 $0x80, s11;
	s23 =	sadd.s32 $0x90, s11  }
0x10: {  	s24 =	sadd.s32 $0xB0, s11;
	s25 =	sadd.s32 $0xC0, s11;
	s28 =	sadd.s32 $0xE0, s11  }
0x11: {  	s14 =	sadd.s32 $0xF0, s11;
	s29 =	sadd.s32 $0x100, s11;
	s30 =	sadd.s32 $0x110, s11  }
0x12: {  	v0 =	vlaneseq.u32;
	s31 =	sadd.s32 $0x120, s11;
	s15 =	sadd.s32 $0x140, s11;
	s7 =	sadd.s32 $0x160, s11  }
0x13: {  	s10 =	sor.u32 s0, s10;
	s0 =	sadd.s32 $0xBE00, s4;
	v1 =	vor.u32 s12, v0;
	s12 =	sadd.s32 $0x150, s11  }
0x14: {  	v3 =	vor.u32 s17, v0;
	v4 =	vor.u32 s18, v0;
	v5 =	vor.u32 s20, v0;
	s18 =	sadd.s32 $0x180, s11;
	s17 =	sadd.s32 $0x190, s11;
	s20 =	sadd.s32 $0x1A0, s11  }
0x15: {  	v6 =	vor.u32 s21, v0;
	v7 =	vor.u32 s22, v0;
	v8 =	vor.u32 s23, v0;
	s21 =	sadd.s32 $0x1B0, s11;
	s22 =	sadd.s32 $0x1C0, s11;
	s23 =	sadd.s32 $0x1D0, s11  }
0x16: {  	v2 =	vor.u32 s16, v0;
	v9 =	vor.u32 s24, v0;
	v10 =	vor.u32 s25, v0;
	s16 =	sadd.s32 $0x1E0, s11;
	s24 =	sadd.s32 $0x1F0, s11;
	s25 =	sadd.s32 $0x200, s11  }
0x17: {  	v12 =	vor.u32 s28, v0;
	v13 =	vor.u32 s29, v0;
	v14 =	vor.u32 s30, v0;
	s28 =	sadd.s32 $0x220, s11;
	s29 =	sadd.s32 $0x230, s11;
	s30 =	sadd.s32 $0x260, s11  }
0x18: {  	v15 =	vor.u32 s31, v0;
	v18 =	vor.u32 s7, v0;
	v57 =	vor.u32 s19, v0;
	s7 =	sadd.s32 $0x270, s11;
	s31 =	sshll.u32 s11, $0x7;
	s19 =	sshll.u32 s19, $0x7  }
0x19: {  	s10 =	sshrl.u32 s10, $0x3;
	v17 =	vor.u32 s12, v0;
	s12 =	sadd.s32 $0x250, s11;
	v59 =	vor.u32 s18, v0;
	s18 =	sadd.s32 s5, s31  }
0x1a: {  	v36 =	vor.u32 s14, v0;
	v60 =	vor.u32 s20, v0;
	s20 =	sadd.s32 s5, s19;
	v20 =	vor.u32 s25, v0;
	s25 =	sshll.u32 s14, $0x7;
	s14 =	simm.s32 $0x0  }
0x1b: {  	v23 =	vor.u32 s28, v0;
	v29 =	vor.u32 s30, v0;
	s28 =	simm.s32 $0x80;
	s30 =	simm.s32 $0x1;
	s4 =	sadd.s32 s10, s4  }
0x1c: {  	s31 =	simm.s32 $0x2;
	s10 =	ssub.s32 s26, s13;
	[dreg:$0x15] =	wrdreg s4  }
0x1d: {  	s13 =	sadd.s32 $0xA0, s11;
	s26 =	sadd.s32 $0xD0, s11;
	[dreg:$0x13] =	wrdreg s10  }
0x1e: {  	v56 =	vor.u32 s11, v0;
	s4 =	sadd.s32 $0x130, s11;
	s10 =	sadd.s32 $0x170, s11;
	v11 =	vor.u32 s26, v0;
	s26 =	sadd.s32 $0x210, s11  }
0x1f: {  	v22 =	vor.u32 s15, v0;
	v19 =	vor.u32 s24, v0;
	[tilespmem:$0x1FF60] =	vst v18;
	s24 =	sshll.u32 s13, $0x7;
	v16 =	vor.u32 s4, v0;
	s4 =	sadd.s32 $0x240, s11;
	s11 =	rddreg [dreg:$0x14]  }
0x20: {  	v62 =	vor.u32 s22, v0;
	[tilespmem:$0x1FF70] =	vst v22;
	v35 =	vor.u32 s13, v0;
	s13 =	simm.s32 $0xA180;
	v58 =	vor.u32 s10, v0;
	s22 =	rddreg [dreg:$0x15];
	s10 =	sshrl.u32 s18, $0x3  }
0x21: {  	[tilespmem:$0x1FED0] =	vst v59;
	s18 =	sshrl.u32 s20, $0x3;
	v21 =	vor.u32 s26, v0;
	s26 =	sshll.u32 s15, $0x7;
	s19 =	sadd.s32 $0x2000, s22  }
0x22: {  	v61 =	vor.u32 s21, v0;
	v63 =	vor.u32 s23, v0;
	[tilespmem:$0x1FEE0] =	vst v60;
	s23 =	sadd.s32 s0, s18;
	s18 =	sadd.s32 s5, s26;
	s26 =	rddreg [dreg:$0x13]  }
0x23: {  	[tilespmem:$0x1FEF0] =	vst v61;
	s15 =	sadd.s32 s5, s25;
	s10 =	sadd.s32 s0, s10;
	[dreg:$0x8] =	wrdreg s19  }
0x24: {  	[tilespmem:$0x1FF00] =	vst v62;
	s11 =	smul.u32 $0x2710, s11;
	s22 =	sshll.u32 s17, $0x7;
	[dreg:$0x9] =	wrdreg s10  }
0x25: {  	v41 =	vimm.f32 $0.0e+00;
	[tilespmem:$0x1FF10] =	vst v63;
	[dreg:$0xa] =	wrdreg s23;
	s10 =	sadd.s32 s5, s24;
	s19 =	sshrl.u32 s15, $0x3  }
0x26: {  	vm0 =	vcmask $0x704;
	vm1 =	vcmask $0xB08;
	vm2 =	vcmask $0xF0C;
	[tilespmem:$0x1FF20] =	vst v19;
	s20 =	sshrl.u32 s18, $0x3;
	s23 =	sshll.u32 s16, $0x7;
	s24 =	sshll.u32 s29, $0x7  }
0x27: {  	vm3 =	vcmask $0x1310;
	v27 =	vor.u32 s16, v0;
	v28 =	vor.u32 s29, v0;
	[tilespmem:$0x1FF30] =	vst v20;
	s16 =	simm.s32 $0xA280;
	s29 =	simm.s32 $0x5100;
	s15 =	simm.s32 $0x0  }
0x28: {  	vm4 =	vcmask $0x1714;
	v30 =	vor.u32 s7, v0;
	v25 =	vor.u32 s12, v0;
	[tilespmem:$0x1FF40] =	vst v17;
	s12 =	sshrl.u32 s10, $0x3;
	s21 =	sadd.s32 s0, s20;
	s7 =	sadd.s32 s5, s23  }
0x29: {  	vm5 =	vcmask $0x1B18;
	v26 =	vor.u32 s17, v0;
	[tilespmem:$0x1FF80] =	vst v23;
	v24 =	vor.u32 s4, v0;
	s23 =	simm.s32 $0x6;
	s4 =	sadd.s32 s0, s12;
	[dreg:$0xd] =	wrdreg s21  }
0x2a: {  	vm6 =	vcmask $0x1F1C;
	vm7 =	vcmask $0x2320;
	vm8 =	vcmask $0x2724;
	[tilespmem:$0x1FFB0] =	vst v26;
	s10 =	simm.s32 $0xA080;
	[dreg:$0xb] =	wrdreg s4;
	s4 =	sadd.s32 s0, s19  }
0x2b: {  	vm9 =	vcmask $0x2B28;
	vm10 =	vcmask $0x2F2C;
	v37 =	vmul.u32 $0x10, v0;
	[tilespmem:$0x1FFC0] =	vst v27;
	s25 =	sshrl.u32 s7, $0x3;
	[dreg:$0xc] =	wrdreg s4;
	s4 =	sadd.s32 s5, s22  }
0x2c: {  	vm11 =	vcmask $0x3330;
	vm12 =	vcmask $0x3734;
	vm13 =	vcmask $0x3B38;
	[tilespmem:$0x1FFD0] =	vst v28;
	s12 =	simm.s32 $0x7900;
	s5 =	sadd.s32 s5, s24;
	s4 =	sshrl.u32 s4, $0x3  }
0x2d: {  	vm14 =	vcmask $0x3F3C;
	v42 =	vor.u32 $0x1, v37;
	v43 =	vor.u32 $0x2, v37;
	[tilespmem:$0x1FFE0] =	vst v29;
	s24 =	simm.s32 $0x100;
	s22 =	simm.s32 $0x5;
	s4 =	sadd.s32 s0, s4  }
0x2e: {  	v44 =	vor.u32 $0x3, v37;
	v45 =	vor.u32 $0x4, v37;
	v46 =	vor.u32 $0x5, v37;
	[tilespmem:$0x1FFF0] =	vst v30;
	s5 =	sshrl.u32 s5, $0x3;
	[dreg:$0xe] =	wrdreg s4;
	s4 =	sadd.s32 s0, s25  }
0x2f: {  	v47 =	vor.u32 $0x6, v37;
	v48 =	vor.u32 $0x7, v37;
	v49 =	vor.u32 $0x8, v37;
	[tilespmem:$0x1FFA0] =	vst v25;
	s0 =	sadd.s32 s0, s5;
	s25 =	simm.s32 $0x50;
	[dreg:$0xf] =	wrdreg s4  }
0x30: {  	v50 =	vor.u32 $0x9, v37;
	v51 =	vor.u32 $0xA, v37;
	v52 =	vor.u32 $0xB, v37;
	[tilespmem:$0x1FF50] =	vst v21;
	s5 =	simm.s32 $0x3;
	[dreg:$0x10] =	wrdreg s0;
	s0 =	smax.u32 s26, $0x1  }
0x31: {  	v53 =	vor.u32 $0xC, v37;
	v54 =	vor.u32 $0xD, v37;
	v55 =	vor.u32 $0xE, v37;
	v0 =	vmovc v19;
	[tilespmem:$0x1FF90] =	vst v24;
	s4 =	simm.s32 $0x4;
	[dreg:$0x11] =	wrdreg s0;
	s0 =	simm.s32 $0x2900  }
.LBB2_1:
0x32: {  	[dreg:$0x12] =	wrdreg s15  }
0x33: {  	s7 =	rddreg [dreg:$0x4];
	s21 =	simm.s32 $0xA200  }
0x34: {  	[tilespmem:s21], [sflag:$0x6] =	stream.linear.gather [hbm4b:s7+s14], $0x80, $0x38;
	[tilespmem:$0x1DB80] =	vst v63  }
0x35: {  	_ =	swait.ge [sflag:s23], $0x80  }
0x36: {  	[sflag:s23] =	ssyncset.done $0x0  }
0x37: {  	s26 =	rddreg [dreg:$0x7];
	[sflag:s23] =	ssyncadd.s32 $0xFFFFFF80  }
0x38: {  	[tilespmem:s24], [sflag:$0x6] =	stream.linear.gather [hbm4b:s26+s14], $0x2800, $0x38;
	[tilespmem:$0x1DB80] =	vst v63  }
0x39: {  	_ =	swait.ge [sflag:s23], $0x2800  }
0x3a: {  	[sflag:s23] =	ssyncset.done $0x0  }
0x3b: {  	[sflag:s23] =	ssyncadd.s32 $0xFFFFD800  }
0x3c: {  	[tilespmem:$0xA280] =	vst v56  }
0x3d: {  	[tilespmem:$0xA290] =	vst v1  }
0x3e: {  	[tilespmem:$0xA2A0] =	vst v2  }
0x3f: {  	[tilespmem:$0xA2B0] =	vst v3  }
0x40: {  	[tilespmem:$0xA2C0] =	vst v4  }
0x41: {  	[spmem:s6] =	stream.indirect.scatter [tilespmem:s24], [sflag:$0x6], $0x80, s16, s25, $0xb8;
	[tilespmem:$0x1DB80] =	vst v63  }
0x42: {  	_ =	swait.ge [sflag:s23], $0x2800  }
0x43: {  	[sflag:s23] =	ssyncset.done $0x0  }
0x44: {  	[sflag:s23] =	ssyncadd.s32 $0xFFFFD800  }
0x45: {  	[tilespmem:$0xA280] =	vst v57  }
0x46: {  	[tilespmem:$0xA290] =	vst v5  }
0x47: {  	[tilespmem:$0xA2A0] =	vst v6  }
0x48: {  	[tilespmem:$0xA2B0] =	vst v7  }
0x49: {  	[tilespmem:$0xA2C0] =	vst v8  }
0x4a: {  	[spmem:s6] =	stream.indirect.scatter [tilespmem:s24], [sflag:$0x6], $0x80, s16, s25, $0xb8;
	[tilespmem:$0x1DB80] =	vst v63  }
0x4b: {  	_ =	swait.ge [sflag:s23], $0x2800  }
0x4c: {  	[sflag:s23] =	ssyncset.done $0x0  }
0x4d: {  	[sflag:s23] =	ssyncadd.s32 $0xFFFFD800  }
0x4e: {  	[tilespmem:$0xA280] =	vst v35  }
0x4f: {  	[tilespmem:$0xA290] =	vst v9  }
0x50: {  	[tilespmem:$0xA2A0] =	vst v10  }
0x51: {  	[tilespmem:$0xA2B0] =	vst v11  }
0x52: {  	[tilespmem:$0xA2C0] =	vst v12  }
0x53: {  	[spmem:s6] =	stream.indirect.scatter [tilespmem:s24], [sflag:$0x6], $0x80, s16, s25, $0xb8;
	[tilespmem:$0x1DB80] =	vst v63  }
0x54: {  	_ =	swait.ge [sflag:s23], $0x2800  }
0x55: {  	[sflag:s23] =	ssyncset.done $0x0  }
0x56: {  	[sflag:s23] =	ssyncadd.s32 $0xFFFFD800  }
0x57: {  	[tilespmem:$0xA280] =	vst v36  }
0x58: {  	[tilespmem:$0xA290] =	vst v13  }
0x59: {  	[tilespmem:$0xA2A0] =	vst v14  }
0x5a: {  	[tilespmem:$0xA2B0] =	vst v15  }
0x5b: {  	[tilespmem:$0xA2C0] =	vst v16  }
0x5c: {  	[spmem:s6] =	stream.indirect.scatter [tilespmem:s24], [sflag:$0x6], $0x80, s16, s25, $0xb8;
	[tilespmem:$0x1DB80] =	vst v63  }
0x5d: {  	_ =	swait.ge [sflag:s23], $0x2800  }
0x5e: {  	[sflag:s23] =	ssyncset.done $0x0  }
0x5f: {  	v40 =	vmov v22;
	[sflag:s23] =	ssyncadd.s32 $0xFFFFD800  }
0x60: {  	[tilespmem:$0xA280] =	vst v40  }
0x61: {  	[tilespmem:$0xA290] =	vst v17  }
0x62: {  	[tilespmem:$0xA2A0] =	vst v18  }
0x63: {  	[tilespmem:$0xA2B0] =	vst v58  }
0x64: {  	[tilespmem:$0xA2C0] =	vst v59  }
0x65: {  	[spmem:s6] =	stream.indirect.scatter [tilespmem:s24], [sflag:$0x6], $0x80, s16, s25, $0xb8;
	[tilespmem:$0x1DB80] =	vst v63  }
0x66: {  	_ =	swait.ge [sflag:s23], $0x2800  }
0x67: {  	v22 =	vmov v4;
	v4 =	vmov v23;
	v23 =	vmov v5;
	[sflag:s23] =	ssyncset.done $0x0  }
0x68: {  	v5 =	vmovc v24;
	v24 =	vmovc v6;
	v6 =	vmov v25;
	v25 =	vmov v7;
	v7 =	vmov v26;
	[sflag:s23] =	ssyncadd.s32 $0xFFFFD800  }
0x69: {  	[tilespmem:$0xA280] =	vst v7  }
0x6a: {  	[tilespmem:$0xA290] =	vst v60  }
0x6b: {  	[tilespmem:$0xA2A0] =	vst v61  }
0x6c: {  	[tilespmem:$0xA2B0] =	vst v62  }
0x6d: {  	[tilespmem:$0xA2C0] =	vst v63  }
0x6e: {  	[spmem:s6] =	stream.indirect.scatter [tilespmem:s24], [sflag:$0x6], $0x80, s16, s25, $0xb8;
	[tilespmem:$0x1DB80] =	vst v63  }
0x6f: {  	_ =	swait.ge [sflag:s23], $0x2800  }
0x70: {  	[sflag:s23] =	ssyncset.done $0x0  }
0x71: {  	v19 =	vmovc v1;
	v1 =	vmov v20;
	v20 =	vmov v2;
	v2 =	vmov v27;
	[sflag:s23] =	ssyncadd.s32 $0xFFFFD800  }
0x72: {  	[tilespmem:$0xA280] =	vst v2  }
0x73: {  	[tilespmem:$0xA290] =	vst v0  }
0x74: {  	v38 =	vmov v56;
	v56 =	vmov v21;
	[tilespmem:$0xA2A0] =	vst v1  }
0x75: {  	[tilespmem:$0xA2B0] =	vst v56  }
0x76: {  	[tilespmem:$0xA2C0] =	vst v4  }
0x77: {  	[spmem:s6] =	stream.indirect.scatter [tilespmem:s24], [sflag:$0x6], $0x80, s16, s25, $0xb8;
	[tilespmem:$0x1DB80] =	vst v63  }
0x78: {  	_ =	swait.ge [sflag:s23], $0x2800  }
0x79: {  	[sflag:s23] =	ssyncset.done $0x0  }
0x7a: {  	v26 =	vmov v8;
	v8 =	vmov v28;
	[sflag:s23] =	ssyncadd.s32 $0xFFFFD800  }
0x7b: {  	[tilespmem:$0xA280] =	vst v8  }
0x7c: {  	[tilespmem:$0xA290] =	vst v5  }
0x7d: {  	v21 =	vmov v3;
	v3 =	vmov v29;
	[tilespmem:$0xA2A0] =	vst v6  }
0x7e: {  	v39 =	vmov v57;
	v57 =	vmov v30;
	[tilespmem:$0xA2B0] =	vst v3  }
0x7f: {  	[tilespmem:$0xA2C0] =	vst v57  }
0x80: {  	[spmem:s6] =	stream.indirect.scatter [tilespmem:s24], [sflag:$0x6], $0x80, s16, s25, $0xb8;
	[tilespmem:$0x1DB80] =	vst v63  }
0x81: {  	_ =	swait.ge [sflag:s23], $0x2800  }
0x82: {  	v31 =	vmovc v13;
	v32 =	vmov v14;
	v33 =	vmov v15;
	v34 =	vmov v16;
	[sflag:s23] =	ssyncset.done $0x0  }
0x83: {  	s7 =	simm.s32 $0x40;
	s14 =	simm.s32 $0x0;
	v27 =	vmovc v9;
	v29 =	vmovc v11;
	v28 =	vmov v10;
	v30 =	vmov v12;
	v40 =	vmov v58;
	[sflag:s23] =	ssyncadd.s32 $0xFFFFD800  }
.LBB2_2:
0x84: {  	p0 =	sne.s32 s7, $0x9C00;
	[tilespmem:s14+$0x7900] =	vst v41;
	s14 =	smov.u32 s7;
	s7 =	sadd.s32 $0x40, s7  }
.Ltmp0:
0x85: {  	(pc) =	sbr.rel @p0 .LBB2_2-.Ltmp0, $2  }
0x86: {  	_ =	sdelay $0x2  }
0x87: {  	s14 =	sshra.s32 s14, $0x2  }
0x88: {  	[tilespmem:s14+$0x7900] =	vst v41  }
0x89: {  	[bflag:$0x0] =	sbarrier.arrive $0xFFFF  }
0x8a: {  	v56 =	vld [tilespmem:$0xA200]  }
0x8b: {  	v57 =	vld [tilespmem:$0xA210]  }
0x8c: {  	v58 =	vld [tilespmem:$0xA220]  }
0x8d: {  	v59 =	vld [tilespmem:$0xA230]  }
0x8e: {  	v60 =	vld [tilespmem:$0xA240]  }
0x8f: {  	v61 =	vld [tilespmem:$0xA250]  }
0x90: {  	v62 =	vld [tilespmem:$0xA260]  }
0x91: {  	s15 =	simm.s32 $0x0;
	s16 =	simm.s32 $0x0;
	v63 =	vld [tilespmem:$0xA270]  }
.LBB2_4:
0x92: {  	s7 =	smul.u32 $0x50, s16;
	_ =	sdelay $0x1  }
0x93: {  	s7 =	sadd.s32 s11, s7  }
0x94: {  	s14 =	sshrl.u32 s7, $0x3  }
0x95: {  	s17 =	sadd.s32 s2, s14  }
0x96: {  	[tilespmem:s15], [sflag:$0x1] =	stream.linear.gather [hbm4b:s17+s15], $0x50, $0x38;
	[tilespmem:$0x1DB80] =	vst v63  }
0x97: {  	s7 =	sshll.u32 s7, $0x4;
	s14 =	sadd.s32 s3, s14  }
0x98: {  	[tilespmem:s28], [sflag:$0x2] =	stream.linear.gather [hbm4b:s14+s15], $0x50, $0x38;
	[tilespmem:$0x1DB80] =	vst v63  }
0x99: {  	s7 =	sadd.s32 s9, s7  }
0x9a: {  	[tilespmem:s29], [sflag:$0x3] =	stream.linear.gather [hbm4b:s7+s15], $0x2800, $0x38;
	[tilespmem:$0x1DB80] =	vst v63  }
0x9b: {  	_ =	swait.ge [sflag:s30], $0x50  }
0x9c: {  	[sflag:s30] =	ssyncset.done $0x0  }
0x9d: {  	[sflag:s30] =	ssyncadd.s32 $0xFFFFFFB0  }
0x9e: {  	_ =	swait.ge [sflag:s31], $0x50  }
0x9f: {  	[sflag:s31] =	ssyncset.done $0x0  }
0xa0: {  	[sflag:s31] =	ssyncadd.s32 $0xFFFFFFB0  }
0xa1: {  	[tilespmem:s24], [sflag:$0x4] =	stream.indirect.gather [hbm4b:s1+s25], $0x80, s15, s25, $0xb8;
	[tilespmem:$0x1DB80] =	vst v63  }
0xa2: {  	_ = 	snop  }
0xa3: {  	[tilespmem:s0], [sflag:$0x5] =	stream.indirect.gather [hbm4b:s8+s25], $0x80, s28, s25, $0xb8;
	[tilespmem:$0x1DB80] =	vst v63  }
0xa4: {  	_ =	swait.ge [sflag:s5], $0x2800  }
0xa5: {  	[sflag:s5] =	ssyncset.done $0x0  }
0xa6: {  	[sflag:s5] =	ssyncadd.s32 $0xFFFFD800  }
0xa7: {  	_ =	swait.ge [sflag:s4], $0x2800  }
0xa8: {  	[sflag:s4] =	ssyncset.done $0x0  }
0xa9: {  	[sflag:s4] =	ssyncadd.s32 $0xFFFFD800  }
0xaa: {  	_ =	swait.ge [sflag:s22], $0x2800  }
0xab: {  	s18 =	simm.s32 $0x2970;
	s19 =	simm.s32 $0x5170;
	[sflag:s22] =	ssyncset.done $0x0  }
0xac: {  	s20 =	simm.s32 $0x0;
	s17 =	simm.s32 $0x140;
	[sflag:s22] =	ssyncadd.s32 $0xFFFFD800  }
.LBB2_5:
0xad: {  	v2 =	vmov s17;
	_ =	sdelay $0x1  }
0xae: {  	v0 =	vmov s19;
	_ =	sdelay $0x1  }
0xaf: {  	s7 =	simm.s32 $0x0  }
0xb0: {  	v3 =	vld.idx.msk [tilespmem:v2+s7+$0x30 ss:$0x1], $0xffff  }
0xb1: {  	v4 =	vld.idx.msk [tilespmem:v2+s7+$0x20 ss:$0x1], $0xffff  }
0xb2: {  	v1 =	vmov s18;
	v5 =	vld.idx.msk [tilespmem:v0+s7+$0xFFFFFFC0 ss:$0x1], $0xffff  }
0xb3: {  	v6 =	vld.idx.msk [tilespmem:v2+s7+$0x0 ss:$0x1], $0xffff  }
0xb4: {  	v7 =	vld.idx.msk [tilespmem:v2+s7+$0xFFFFFFF0 ss:$0x1], $0xffff  }
0xb5: {  	v8 =	vld.idx.msk [tilespmem:v0+s7+$0xFFFFFF90 ss:$0x1], $0xffff  }
0xb6: {  	v9 =	vld.idx.msk [tilespmem:v2+s7+$0xFFFFFFE0 ss:$0x1], $0xffff  }
0xb7: {  	v10 =	vld.idx.msk [tilespmem:v1+s7+$0xFFFFFF90 ss:$0x1], $0xffff  }
0xb8: {  	v11 =	vld.idx.msk [tilespmem:v2+s7+$0xFFFFFFC0 ss:$0x1], $0xffff  }
0xb9: {  	v12 =	vld.idx.msk [tilespmem:v2+s7+$0xFFFFFFD0 ss:$0x1], $0xffff  }
0xba: {  	v13 =	vld.idx.msk [tilespmem:v1+s7+$0xFFFFFFA0 ss:$0x1], $0xffff  }
0xbb: {  	v14 =	vld.idx.msk [tilespmem:v1+s7+$0xFFFFFFB0 ss:$0x1], $0xffff  }
0xbc: {  	v15 =	vld.idx.msk [tilespmem:v0+s7+$0xFFFFFFA0 ss:$0x1], $0xffff  }
0xbd: {  	v16 =	vld.idx.msk [tilespmem:v1+s7+$0xFFFFFFC0 ss:$0x1], $0xffff  }
0xbe: {  	v17 =	vld.idx.msk [tilespmem:v0+s7+$0xFFFFFFB0 ss:$0x1], $0xffff  }
0xbf: {  	v18 =	vld.idx.msk [tilespmem:v1+s7+$0xFFFFFFD0 ss:$0x1], $0xffff;
	v10 =	vadd.f32 v10, v11;
	v11 =	vadd.f32 v13, v12  }
0xc0: {  	v12 =	vld.idx.msk [tilespmem:v2+s7+$0x10 ss:$0x1], $0xffff;
	v9 =	vadd.f32 v14, v9  }
0xc1: {  	v13 =	vld.idx.msk [tilespmem:v1+s7+$0xFFFFFFE0 ss:$0x1], $0xffff;
	v8 =	vadd.f32 v8, v10;
	v10 =	vadd.f32 v15, v11  }
0xc2: {  	v7 =	vadd.f32 v16, v7;
	v11 =	vld.idx.msk [tilespmem:v0+s7+$0xFFFFFFD0 ss:$0x1], $0xffff  }
0xc3: {  	v14 =	vld.idx.msk [tilespmem:v1+s7+$0xFFFFFFF0 ss:$0x1], $0xffff;
	v9 =	vadd.f32 v17, v9;
	v15 =	vmul.f32 $9.999999770e-03, v8;
	v16 =	vmul.f32 $9.999999770e-03, v10  }
0xc4: {  	v6 =	vadd.f32 v18, v6;
	v17 =	vld.idx.msk [tilespmem:v0+s7+$0xFFFFFFE0 ss:$0x1], $0xffff;
	v5 =	vadd.f32 v5, v7  }
0xc5: {  	v7 =	vld.idx.msk [tilespmem:v1+s7+$0x0 ss:$0x1], $0xffff;
	v8 =	vmax.f32 v8, v15;
	v10 =	vmax.f32 v10, v16;
	v15 =	vmul.f32 $9.999999770e-03, v9  }
0xc6: {  	v12 =	vadd.f32 v13, v12;
	v16 =	vld.idx.msk [tilespmem:v0+s7+$0xFFFFFFF0 ss:$0x1], $0xffff;
	v8 =	vmul.f32 v8, v56;
	v10 =	vmul.f32 v10, v57  }
0xc7: {  	v13 =	vmul.f32 $9.999999770e-03, v5;
	v6 =	vadd.f32 v11, v6;
	v9 =	vmax.f32 v9, v15  }
0xc8: {  	v4 =	vadd.f32 v14, v4;
	v11 =	vld.idx.msk [tilespmem:v0+s7+$0x0 ss:$0x1], $0xffff;
	v8 =	vadd.f32 v10, v8;
	v9 =	vmul.f32 v9, v58  }
0xc9: {  	v5 =	vmax.f32 v5, v13;
	v12 =	vadd.f32 v17, v12;
	v10 =	vmul.f32 $9.999999770e-03, v6  }
0xca: {  	v3 =	vadd.f32 v7, v3;
	v5 =	vmul.f32 v5, v59;
	v8 =	vadd.f32 v9, v8  }
0xcb: {  	v7 =	vmul.f32 $9.999999770e-03, v12;
	v6 =	vmax.f32 v6, v10;
	v4 =	vadd.f32 v16, v4  }
0xcc: {  	v6 =	vmul.f32 v6, v60;
	v5 =	vadd.f32 v5, v8  }
0xcd: {  	v7 =	vmax.f32 v12, v7;
	v3 =	vadd.f32 v11, v3;
	v8 =	vmul.f32 $9.999999770e-03, v4  }
0xce: {  	v5 =	vadd.f32 v6, v5;
	v6 =	vmul.f32 v7, v61  }
0xcf: {  	v4 =	vmax.f32 v4, v8;
	v7 =	vmul.f32 $9.999999770e-03, v3  }
0xd0: {  	v4 =	vmul.f32 v4, v62;
	v5 =	vadd.f32 v6, v5  }
0xd1: {  	v3 =	vmax.f32 v3, v7  }
0xd2: {  	v3 =	vmul.f32 v3, v63;
	v4 =	vadd.f32 v4, v5;
	_ =	sdelay $0x1  }
0xd3: {  	v3 =	vadd.f32 v3, v4  }
0xd4: {  	s7 =	simm.s32 $0xA080  }
0xd5: {  	s14 =	simm.s32 $0x80;
	[tilespmem:s7+$0x0] =	vst v3  }
0xd6: {  	v3 =	vld.idx.msk [tilespmem:v2+s14+$0x30 ss:$0x1], $0xffff  }
0xd7: {  	v4 =	vld.idx.msk [tilespmem:v2+s14+$0x20 ss:$0x1], $0xffff  }
0xd8: {  	v5 =	vld.idx.msk [tilespmem:v0+s14+$0xFFFFFFC0 ss:$0x1], $0xffff  }
0xd9: {  	v6 =	vld.idx.msk [tilespmem:v2+s14+$0x0 ss:$0x1], $0xffff  }
0xda: {  	v7 =	vld.idx.msk [tilespmem:v2+s14+$0xFFFFFFF0 ss:$0x1], $0xffff  }
0xdb: {  	v8 =	vld.idx.msk [tilespmem:v0+s14+$0xFFFFFF90 ss:$0x1], $0xffff  }
0xdc: {  	v9 =	vld.idx.msk [tilespmem:v2+s14+$0xFFFFFFE0 ss:$0x1], $0xffff  }
0xdd: {  	v10 =	vld.idx.msk [tilespmem:v1+s14+$0xFFFFFF90 ss:$0x1], $0xffff  }
0xde: {  	v11 =	vld.idx.msk [tilespmem:v2+s14+$0xFFFFFFC0 ss:$0x1], $0xffff  }
0xdf: {  	s21 =	sshll.u32 s20, $0x4;
	s26 =	simm.s32 $0x400;
	v12 =	vld.idx.msk [tilespmem:v2+s14+$0xFFFFFFD0 ss:$0x1], $0xffff  }
.LBB2_6:
0xe0: {  	p0 =	sne.s32 s26, $0x1E00;
	v13 =	vld.idx.msk [tilespmem:v1+s14+$0xFFFFFFA0 ss:$0x1], $0xffff  }
0xe1: {  	v14 =	vld.idx.msk [tilespmem:v1+s14+$0xFFFFFFB0 ss:$0x1], $0xffff  }
0xe2: {  	v15 =	vld.idx.msk [tilespmem:v0+s14+$0xFFFFFFA0 ss:$0x1], $0xffff  }
0xe3: {  	v16 =	vld.idx.msk [tilespmem:v1+s14+$0xFFFFFFC0 ss:$0x1], $0xffff  }
0xe4: {  	v17 =	vld.idx.msk [tilespmem:v0+s14+$0xFFFFFFB0 ss:$0x1], $0xffff  }
0xe5: {  	v18 =	vld.idx.msk [tilespmem:v1+s14+$0xFFFFFFD0 ss:$0x1], $0xffff  }
0xe6: {  	v10 =	vadd.f32 v10, v11;
	v11 =	vadd.f32 v13, v12;
	v12 =	vld.idx.msk [tilespmem:v2+s14+$0x10 ss:$0x1], $0xffff  }
0xe7: {  	v9 =	vadd.f32 v14, v9;
	v13 =	vld.idx.msk [tilespmem:v1+s14+$0xFFFFFFE0 ss:$0x1], $0xffff  }
0xe8: {  	v8 =	vadd.f32 v8, v10;
	v10 =	vadd.f32 v15, v11;
	v11 =	vld.idx.msk [tilespmem:v0+s14+$0xFFFFFFD0 ss:$0x1], $0xffff  }
0xe9: {  	v7 =	vadd.f32 v16, v7;
	v14 =	vld.idx.msk [tilespmem:v1+s14+$0xFFFFFFF0 ss:$0x1], $0xffff  }
0xea: {  	v15 =	vmul.f32 $9.999999770e-03, v8;
	v16 =	vmul.f32 $9.999999770e-03, v10;
	v9 =	vadd.f32 v17, v9;
	v17 =	vld.idx.msk [tilespmem:v0+s14+$0xFFFFFFE0 ss:$0x1], $0xffff  }
0xeb: {  	v5 =	vadd.f32 v5, v7;
	v6 =	vadd.f32 v18, v6;
	v7 =	vld.idx.msk [tilespmem:v1+s14+$0x0 ss:$0x1], $0xffff  }
0xec: {  	v8 =	vmax.f32 v8, v15;
	v10 =	vmax.f32 v10, v16;
	v15 =	vmul.f32 $9.999999770e-03, v9;
	v16 =	vld.idx.msk [tilespmem:v0+s14+$0xFFFFFFF0 ss:$0x1], $0xffff  }
0xed: {  	v8 =	vmul.f32 v8, v56;
	v10 =	vmul.f32 v10, v57;
	v12 =	vadd.f32 v13, v12  }
0xee: {  	v13 =	vmul.f32 $9.999999770e-03, v5;
	v9 =	vmax.f32 v9, v15;
	v6 =	vadd.f32 v11, v6;
	v11 =	vld.idx.msk [tilespmem:v0+s14+$0x0 ss:$0x1], $0xffff  }
0xef: {  	v8 =	vadd.f32 v10, v8;
	v9 =	vmul.f32 v9, v58;
	v4 =	vadd.f32 v14, v4  }
0xf0: {  	v5 =	vmax.f32 v5, v13;
	v10 =	vmul.f32 $9.999999770e-03, v6;
	v12 =	vadd.f32 v17, v12  }
0xf1: {  	v5 =	vmul.f32 v5, v59;
	v8 =	vadd.f32 v9, v8;
	v3 =	vadd.f32 v7, v3  }
0xf2: {  	v6 =	vmax.f32 v6, v10;
	v7 =	vmul.f32 $9.999999770e-03, v12;
	v4 =	vadd.f32 v16, v4  }
0xf3: {  	v5 =	vadd.f32 v5, v8;
	v6 =	vmul.f32 v6, v60  }
0xf4: {  	v7 =	vmax.f32 v12, v7;
	v8 =	vmul.f32 $9.999999770e-03, v4;
	v3 =	vadd.f32 v11, v3  }
0xf5: {  	v5 =	vadd.f32 v6, v5;
	v6 =	vmul.f32 v7, v61  }
0xf6: {  	v4 =	vmax.f32 v4, v8;
	v7 =	vmul.f32 $9.999999770e-03, v3  }
0xf7: {  	v5 =	vadd.f32 v6, v5;
	v4 =	vmul.f32 v4, v62  }
0xf8: {  	v3 =	vmax.f32 v3, v7  }
0xf9: {  	v4 =	vadd.f32 v4, v5;
	v3 =	vmul.f32 v3, v63;
	_ =	sdelay $0x1  }
0xfa: {  	v3 =	vadd.f32 v3, v4  }
0xfb: {  	s7 =	sadd.s32 $0x10, s7  }
0xfc: {  	s14 =	sshra.s32 s26, $0x2;
	[tilespmem:s7+$0x0] =	vst v3  }
0xfd: {  	v3 =	vld.idx.msk [tilespmem:v2+s14+$0x30 ss:$0x1], $0xffff  }
0xfe: {  	v4 =	vld.idx.msk [tilespmem:v2+s14+$0x20 ss:$0x1], $0xffff  }
0xff: {  	v5 =	vld.idx.msk [tilespmem:v0+s14+$0xFFFFFFC0 ss:$0x1], $0xffff  }
0x100: {  	v6 =	vld.idx.msk [tilespmem:v2+s14+$0x0 ss:$0x1], $0xffff  }
0x101: {  	v7 =	vld.idx.msk [tilespmem:v2+s14+$0xFFFFFFF0 ss:$0x1], $0xffff  }
.Ltmp1:
0x102: {  	v8 =	vld.idx.msk [tilespmem:v0+s14+$0xFFFFFF90 ss:$0x1], $0xffff;
	(pc) =	sbr.rel @p0 .LBB2_6-.Ltmp1, $4  }
0x103: {  	v9 =	vld.idx.msk [tilespmem:v2+s14+$0xFFFFFFE0 ss:$0x1], $0xffff  }
0x104: {  	v10 =	vld.idx.msk [tilespmem:v1+s14+$0xFFFFFF90 ss:$0x1], $0xffff  }
0x105: {  	v11 =	vld.idx.msk [tilespmem:v2+s14+$0xFFFFFFC0 ss:$0x1], $0xffff  }
0x106: {  	s26 =	sadd.s32 $0x200, s26;
	v12 =	vld.idx.msk [tilespmem:v2+s14+$0xFFFFFFD0 ss:$0x1], $0xffff  }
0x107: {  	_ =	sdelay $0x3  }
0x108: {  	v13 =	vld.idx.msk [tilespmem:v1+s14+$0xFFFFFFA0 ss:$0x1], $0xffff  }
0x109: {  	v14 =	vld.idx.msk [tilespmem:v1+s14+$0xFFFFFFB0 ss:$0x1], $0xffff  }
0x10a: {  	v15 =	vld.idx.msk [tilespmem:v0+s14+$0xFFFFFFA0 ss:$0x1], $0xffff  }
0x10b: {  	v16 =	vld.idx.msk [tilespmem:v1+s14+$0xFFFFFFC0 ss:$0x1], $0xffff  }
0x10c: {  	v17 =	vld.idx.msk [tilespmem:v0+s14+$0xFFFFFFB0 ss:$0x1], $0xffff  }
0x10d: {  	v18 =	vld.idx.msk [tilespmem:v1+s14+$0xFFFFFFD0 ss:$0x1], $0xffff;
	v10 =	vadd.f32 v10, v11;
	v11 =	vadd.f32 v13, v12  }
0x10e: {  	v2 =	vld.idx.msk [tilespmem:v2+s14+$0x10 ss:$0x1], $0xffff;
	v9 =	vadd.f32 v14, v9  }
0x10f: {  	v12 =	vld.idx.msk [tilespmem:v1+s14+$0xFFFFFFE0 ss:$0x1], $0xffff;
	v8 =	vadd.f32 v8, v10;
	v10 =	vadd.f32 v15, v11  }
0x110: {  	v7 =	vadd.f32 v16, v7;
	v11 =	vld.idx.msk [tilespmem:v0+s14+$0xFFFFFFD0 ss:$0x1], $0xffff  }
0x111: {  	v13 =	vld.idx.msk [tilespmem:v1+s14+$0xFFFFFFF0 ss:$0x1], $0xffff;
	v14 =	vmul.f32 $9.999999770e-03, v8;
	v9 =	vadd.f32 v17, v9;
	v15 =	vmul.f32 $9.999999770e-03, v10  }
0x112: {  	v16 =	vld.idx.msk [tilespmem:v0+s14+$0xFFFFFFE0 ss:$0x1], $0xffff;
	v6 =	vadd.f32 v18, v6;
	v5 =	vadd.f32 v5, v7  }
0x113: {  	v1 =	vld.idx.msk [tilespmem:v1+s14+$0x0 ss:$0x1], $0xffff;
	v7 =	vmax.f32 v8, v14;
	v8 =	vmax.f32 v10, v15;
	v10 =	vmul.f32 $9.999999770e-03, v9  }
0x114: {  	v14 =	vld.idx.msk [tilespmem:v0+s14+$0xFFFFFFF0 ss:$0x1], $0xffff;
	v7 =	vmul.f32 v7, v56;
	v2 =	vadd.f32 v12, v2;
	v8 =	vmul.f32 v8, v57  }
0x115: {  	v6 =	vadd.f32 v11, v6;
	v9 =	vmax.f32 v9, v10;
	v10 =	vmul.f32 $9.999999770e-03, v5  }
0x116: {  	v0 =	vld.idx.msk [tilespmem:v0+s14+$0x0 ss:$0x1], $0xffff;
	v4 =	vadd.f32 v13, v4;
	v7 =	vadd.f32 v8, v7;
	v8 =	vmul.f32 v9, v58  }
0x117: {  	v2 =	vadd.f32 v16, v2;
	v9 =	vmul.f32 $9.999999770e-03, v6;
	v5 =	vmax.f32 v5, v10  }
0x118: {  	v1 =	vadd.f32 v1, v3;
	v7 =	vadd.f32 v8, v7;
	v5 =	vmul.f32 v5, v59  }
0x119: {  	v4 =	vadd.f32 v14, v4;
	v3 =	vmax.f32 v6, v9;
	v6 =	vmul.f32 $9.999999770e-03, v2  }
0x11a: {  	v3 =	vmul.f32 v3, v60;
	v5 =	vadd.f32 v5, v7  }
0x11b: {  	v0 =	vadd.f32 v0, v1;
	v2 =	vmax.f32 v2, v6;
	v6 =	vmul.f32 $9.999999770e-03, v4  }
0x11c: {  	v2 =	vmul.f32 v2, v61;
	v1 =	vadd.f32 v3, v5  }
0x11d: {  	v3 =	vmax.f32 v4, v6;
	v4 =	vmul.f32 $9.999999770e-03, v0  }
0x11e: {  	v1 =	vadd.f32 v2, v1;
	v2 =	vmul.f32 v3, v62  }
0x11f: {  	v0 =	vmax.f32 v0, v4  }
0x120: {  	v0 =	vmul.f32 v0, v63;
	v1 =	vadd.f32 v2, v1;
	_ =	sdelay $0x1  }
0x121: {  	v0 =	vadd.f32 v0, v1  }
0x122: {  	s7 =	sadd.s32 $0x10, s7  }
0x123: {  	[tilespmem:s7+$0x0] =	vst v0  }
0x124: {  	v0 =	vld.idx.msk [tilespmem:v37+s10+$0x0], $0xffff  }
0x125: {  	v1 =	vld.idx.msk [tilespmem:v42+s10+$0x0], $0xffff;
	_ =	sdelay $0x1  }
0x126: {  	v2 =	vld.idx.msk [tilespmem:v43+s10+$0x0], $0xffff;
	_ =	sdelay $0x1  }
0x127: {  	v3 =	vld.idx.msk [tilespmem:v44+s10+$0x0], $0xffff  }
0x128: {  	v0 =	vadd.f32 v1, v0  }
0x129: {  	v1 =	vld.idx.msk [tilespmem:v45+s10+$0x0], $0xffff  }
0x12a: {  	v0 =	vadd.f32 v2, v0  }
0x12b: {  	v2 =	vld.idx.msk [tilespmem:v46+s10+$0x0], $0xffff  }
0x12c: {  	v0 =	vadd.f32 v3, v0  }
0x12d: {  	v3 =	vld.idx.msk [tilespmem:v47+s10+$0x0], $0xffff  }
0x12e: {  	v0 =	vadd.f32 v1, v0  }
0x12f: {  	v1 =	vld.idx.msk [tilespmem:v48+s10+$0x0], $0xffff  }
0x130: {  	v0 =	vadd.f32 v2, v0  }
0x131: {  	v2 =	vld.idx.msk [tilespmem:v49+s10+$0x0], $0xffff  }
0x132: {  	v0 =	vadd.f32 v3, v0  }
0x133: {  	v3 =	vld.idx.msk [tilespmem:v50+s10+$0x0], $0xffff  }
0x134: {  	v0 =	vadd.f32 v1, v0  }
0x135: {  	v1 =	vld.idx.msk [tilespmem:v51+s10+$0x0], $0xffff  }
0x136: {  	v0 =	vadd.f32 v2, v0  }
0x137: {  	v2 =	vld.idx.msk [tilespmem:v52+s10+$0x0], $0xffff  }
0x138: {  	v0 =	vadd.f32 v3, v0  }
0x139: {  	v3 =	vld.idx.msk [tilespmem:v53+s10+$0x0], $0xffff  }
0x13a: {  	v0 =	vadd.f32 v1, v0;
	v1 =	vor.u32 $0xF, v37  }
0x13b: {  	v4 =	vld.idx.msk [tilespmem:v54+s10+$0x0], $0xffff  }
0x13c: {  	v0 =	vadd.f32 v2, v0  }
0x13d: {  	v2 =	vld.idx.msk [tilespmem:v55+s10+$0x0], $0xffff  }
0x13e: {  	v0 =	vadd.f32 v3, v0  }
0x13f: {  	v1 =	vld.idx.msk [tilespmem:v1+s10+$0x0], $0xffff  }
0x140: {  	v0 =	vadd.f32 v4, v0;
	_ =	sdelay $0x1  }
0x141: {  	v0 =	vadd.f32 v2, v0;
	_ =	sdelay $0x1  }
0x142: {  	v0 =	vadd.f32 v1, v0;
	_ =	sdelay $0x1  }
0x143: {  	v0 =	vmul.f32 $1.442695020e+00, v0;
	_ =	sdelay $0x1  }
0x144: {  	(erf) = vpow2.f32 v0;
	_ =	sdelay $0x8  }
0x145: {  	v0 =	vpop (erf)  }
0x146: {  	[tilespmem:$0xA180] =	vst v0  }
0x147: {  	v1 =	vld [tilespmem:s21+$0x80];
	_ =	sdelay $0x7  }
0x148: {  	[tilespmem:v1+s12+$0x0] =	vst.idx.add.f32.msk $0x1, v0  }
0x149: {  	[tilespmem:v1+s12+$0x0] =	vst.idx.add.f32.msk vm0, v0  }
0x14a: {  	[tilespmem:v1+s12+$0x0] =	vst.idx.add.f32.msk vm1, v0  }
0x14b: {  	[tilespmem:v1+s12+$0x0] =	vst.idx.add.f32.msk vm2, v0  }
0x14c: {  	[tilespmem:v1+s12+$0x0] =	vst.idx.add.f32.msk vm3, v0  }
0x14d: {  	[tilespmem:v1+s12+$0x0] =	vst.idx.add.f32.msk vm4, v0  }
0x14e: {  	[tilespmem:v1+s12+$0x0] =	vst.idx.add.f32.msk vm5, v0  }
0x14f: {  	[tilespmem:v1+s12+$0x0] =	vst.idx.add.f32.msk vm6, v0  }
0x150: {  	[tilespmem:v1+s12+$0x0] =	vst.idx.add.f32.msk vm7, v0  }
0x151: {  	[tilespmem:v1+s12+$0x0] =	vst.idx.add.f32.msk vm8, v0  }
0x152: {  	[tilespmem:v1+s12+$0x0] =	vst.idx.add.f32.msk vm9, v0  }
0x153: {  	[tilespmem:v1+s12+$0x0] =	vst.idx.add.f32.msk vm10, v0  }
0x154: {  	[tilespmem:v1+s12+$0x0] =	vst.idx.add.f32.msk vm11, v0  }
0x155: {  	s26 =	simm.s32 $0x0;
	[tilespmem:v1+s12+$0x0] =	vst.idx.add.f32.msk vm12, v0  }
0x156: {  	v2 =	vmov s26;
	[tilespmem:v1+s12+$0x0] =	vst.idx.add.f32.msk vm13, v0  }
0x157: {  	[tilespmem:v1+s12+$0x0] =	vst.idx.add.f32.msk vm14, v0  }
0x158: {  	v4 =	vld [tilespmem:s17+$0x30]  }
0x159: {  	v7 =	vld [tilespmem:s17+$0x10]  }
0x15a: {  	v5 =	vld [tilespmem:s17+$0xFFFFFFC0]  }
0x15b: {  	v1 =	vld.idx.msk [tilespmem:v2+s13+$0x0], $0xffff  }
0x15c: {  	v9 =	vld [tilespmem:s17+$0xFFFFFFE0]  }
0x15d: {  	v0 =	vld [tilespmem:s17+$0xFFFFFFF0]  }
0x15e: {  	v2 =	vld [tilespmem:s17+$0x20]  }
0x15f: {  	v3 =	vld [tilespmem:s17+$0xFFFFFFD0]  }
0x160: {  	v8 =	vmul.f32 v4, v1;
	v4 =	vld [tilespmem:s17+$0x0]  }
0x161: {  	v6 =	vmul.f32 v5, v1  }
0x162: {  	s14 =	simm.s32 $0x1;
	s7 =	smov.u32 s17;
	s21 =	smov.u32 s17;
	v5 =	vmul.f32 v9, v1;
	v7 =	vmul.f32 v7, v1  }
.LBB2_8:
0x163: {  	p0 =	sne.s32 s14, $0xF  }
0x164: {  	v3 =	vmul.f32 v3, v1;
	v2 =	vmul.f32 v2, v1;
	[tilespmem:s7+$0x30] =	vst v8;
	s21 =	sadd.s32 $0x80, s21;
	s26 =	smov.u32 s14;
	s14 =	sadd.s32 $0x1, s14  }
0x165: {  	[tilespmem:s7+$0xFFFFFFC0] =	vst v6;
	v6 =	vmul.f32 v0, v1;
	v1 =	vmul.f32 v4, v1  }
0x166: {  	[tilespmem:s7+$0x10] =	vst v7  }
0x167: {  	v4 =	vmov s26;
	[tilespmem:s7+$0xFFFFFFE0] =	vst v5  }
0x168: {  	v0 =	vld [tilespmem:s21+$0xFFFFFFF0];
	[tilespmem:s7+$0xFFFFFFF0] =	vst v6  }
0x169: {  	v5 =	vld [tilespmem:s21+$0x30];
	[tilespmem:s7+$0x0] =	vst v1  }
0x16a: {  	v7 =	vld [tilespmem:s21+$0x10];
	[tilespmem:s7+$0x20] =	vst v2  }
0x16b: {  	v6 =	vld [tilespmem:s21+$0xFFFFFFC0];
	[tilespmem:s7+$0xFFFFFFD0] =	vst v3;
	s7 =	smov.u32 s21  }
0x16c: {  	v1 =	vld.idx.msk [tilespmem:v4+s13+$0x0], $0xffff  }
0x16d: {  	v9 =	vld [tilespmem:s21+$0xFFFFFFE0]  }
0x16e: {  	v2 =	vld [tilespmem:s21+$0x20]  }
.Ltmp2:
0x16f: {  	v3 =	vld [tilespmem:s21+$0xFFFFFFD0];
	(pc) =	sbr.rel @p0 .LBB2_8-.Ltmp2, $3  }
0x170: {  	v4 =	vld [tilespmem:s21+$0x0];
	_ =	sdelay $0x1  }
0x171: {  	v6 =	vmul.f32 v6, v1;
	v8 =	vmul.f32 v5, v1  }
0x172: {  	v7 =	vmul.f32 v7, v1;
	v5 =	vmul.f32 v9, v1  }
0x173: {  	[tilespmem:s7+$0x30] =	vst v8  }
0x174: {  	[tilespmem:s7+$0xFFFFFFC0] =	vst v6;
	s20 =	sadd.s32 $0x1, s20  }
0x175: {  	v0 =	vmul.f32 v0, v1;
	[tilespmem:s7+$0x10] =	vst v7;
	p0 =	sne.s32 s20, $0x5  }
.Ltmp3:
0x176: {  	v2 =	vmul.f32 v2, v1;
	[tilespmem:s7+$0xFFFFFFE0] =	vst v5;
	(pc) =	sbr.rel @p0 .LBB2_5-.Ltmp3, $4  }
0x177: {  	v15 =	vmul.f32 v3, v1;
	[tilespmem:s7+$0xFFFFFFF0] =	vst v0  }
0x178: {  	v4 =	vmul.f32 v4, v1;
	[tilespmem:s7+$0x20] =	vst v2  }
0x179: {  	[tilespmem:s7+$0xFFFFFFD0] =	vst v15  }
0x17a: {  	s17 =	sadd.s32 $0x800, s17;
	s18 =	sadd.s32 $0x800, s18;
	s19 =	sadd.s32 $0x800, s19;
	[tilespmem:s7+$0x0] =	vst v4  }
0x17b: {  	s16 =	sadd.s32 $0x1, s16  }
0x17c: {  	p0 =	sne.s32 s16, $0x7D  }
.Ltmp4:
0x17d: {  	_ = 	snop;
	(pc) =	sbr.rel @p0 .LBB2_4-.Ltmp4, $4  }
0x17e: {  	[spmem:s6] =	stream.indirect.scatter.add.f32 [tilespmem:s24], [sflag:$0x6], $0x80, s28, s25, $0xb8;
	[tilespmem:$0x1DB80] =	vst v63  }
0x17f: {  	_ =	swait.ge [sflag:s23], $0x2800  }
0x180: {  	[sflag:s23] =	ssyncset.done $0x0  }
0x181: {  	[sflag:s23] =	ssyncadd.s32 $0xFFFFD800  }
0x182: {  	s7 =	rddreg [dreg:$0x8];
	s14 =	simm.s32 $0x400  }
0x183: {  	[hbm4b:s7+s28] =	stream.strided.scatter [tilespmem:s12], [sflag:$0x6], $0x2780, s14, s28, $0x38;
	[tilespmem:$0x1DB80] =	vst v63  }
0x184: {  	_ =	swait.ge [sflag:s23], $0x2780  }
0x185: {  	[sflag:s23] =	ssyncset.done $0x0  }
0x186: {  	[sflag:s23] =	ssyncadd.s32 $0xFFFFD880  }
0x187: {  	[bflag:$0x0] =	sbarrier.arrive $0xFFFF  }
0x188: {  	[tilespmem:$0xA280] =	vst v38  }
0x189: {  	[tilespmem:$0xA290] =	vst v19  }
0x18a: {  	[tilespmem:$0xA2A0] =	vst v20  }
0x18b: {  	[tilespmem:$0xA2B0] =	vst v21  }
0x18c: {  	s16 =	simm.s32 $0xA280;
	[tilespmem:$0xA2C0] =	vst v22  }
0x18d: {  	[tilespmem:s24], [sflag:$0x6] =	stream.indirect.gather [spmem:s6], $0x80, s16, s25, $0xb8;
	[tilespmem:$0x1DB80] =	vst v63  }
0x18e: {  	_ =	swait.ge [sflag:s23], $0x2800  }
0x18f: {  	[sflag:s23] =	ssyncset.done $0x0  }
0x190: {  	s14 =	simm.s32 $0x0;
	s21 =	rddreg [dreg:$0x9];
	[sflag:s23] =	ssyncadd.s32 $0xFFFFD800  }
0x191: {  	[hbm4b:s21+s14] =	stream.linear.scatter [tilespmem:s24], [sflag:$0x6], $0x2800, $0x38;
	[tilespmem:$0x1DB80] =	vst v63  }
0x192: {  	_ =	swait.ge [sflag:s23], $0x2800  }
0x193: {  	[sflag:s23] =	ssyncset.done $0x0  }
0x194: {  	[sflag:s23] =	ssyncadd.s32 $0xFFFFD800  }
0x195: {  	[tilespmem:$0xA280] =	vst v39  }
0x196: {  	[tilespmem:$0xA290] =	vst v23  }
0x197: {  	[tilespmem:$0xA2A0] =	vst v24  }
0x198: {  	[tilespmem:$0xA2B0] =	vst v25  }
0x199: {  	[tilespmem:$0xA2C0] =	vst v26  }
0x19a: {  	[tilespmem:s24], [sflag:$0x6] =	stream.indirect.gather [spmem:s6], $0x80, s16, s25, $0xb8;
	[tilespmem:$0x1DB80] =	vst v63  }
0x19b: {  	_ =	swait.ge [sflag:s23], $0x2800  }
0x19c: {  	[sflag:s23] =	ssyncset.done $0x0  }
0x19d: {  	s26 =	rddreg [dreg:$0xa];
	[sflag:s23] =	ssyncadd.s32 $0xFFFFD800  }
0x19e: {  	[hbm4b:s26+s14] =	stream.linear.scatter [tilespmem:s24], [sflag:$0x6], $0x2800, $0x38;
	[tilespmem:$0x1DB80] =	vst v63  }
0x19f: {  	_ =	swait.ge [sflag:s23], $0x2800  }
0x1a0: {  	[sflag:s23] =	ssyncset.done $0x0  }
0x1a1: {  	[sflag:s23] =	ssyncadd.s32 $0xFFFFD800  }
0x1a2: {  	[tilespmem:$0xA280] =	vst v35  }
0x1a3: {  	[tilespmem:$0xA290] =	vst v27  }
0x1a4: {  	[tilespmem:$0xA2A0] =	vst v28  }
0x1a5: {  	[tilespmem:$0xA2B0] =	vst v29  }
0x1a6: {  	[tilespmem:$0xA2C0] =	vst v30  }
0x1a7: {  	[tilespmem:s24], [sflag:$0x6] =	stream.indirect.gather [spmem:s6], $0x80, s16, s25, $0xb8;
	[tilespmem:$0x1DB80] =	vst v63  }
0x1a8: {  	_ =	swait.ge [sflag:s23], $0x2800  }
0x1a9: {  	[sflag:s23] =	ssyncset.done $0x0  }
0x1aa: {  	s15 =	rddreg [dreg:$0xb];
	[sflag:s23] =	ssyncadd.s32 $0xFFFFD800  }
0x1ab: {  	[hbm4b:s15+s14] =	stream.linear.scatter [tilespmem:s24], [sflag:$0x6], $0x2800, $0x38;
	[tilespmem:$0x1DB80] =	vst v63  }
0x1ac: {  	_ =	swait.ge [sflag:s23], $0x2800  }
0x1ad: {  	[sflag:s23] =	ssyncset.done $0x0  }
0x1ae: {  	[sflag:s23] =	ssyncadd.s32 $0xFFFFD800  }
0x1af: {  	[tilespmem:$0xA280] =	vst v36  }
0x1b0: {  	[tilespmem:$0xA290] =	vst v31  }
0x1b1: {  	[tilespmem:$0xA2A0] =	vst v32  }
0x1b2: {  	[tilespmem:$0xA2B0] =	vst v33  }
0x1b3: {  	[tilespmem:$0xA2C0] =	vst v34  }
0x1b4: {  	[tilespmem:s24], [sflag:$0x6] =	stream.indirect.gather [spmem:s6], $0x80, s16, s25, $0xb8;
	[tilespmem:$0x1DB80] =	vst v63  }
0x1b5: {  	_ =	swait.ge [sflag:s23], $0x2800  }
0x1b6: {  	[sflag:s23] =	ssyncset.done $0x0  }
0x1b7: {  	s17 =	rddreg [dreg:$0xc];
	[sflag:s23] =	ssyncadd.s32 $0xFFFFD800  }
0x1b8: {  	[hbm4b:s17+s14] =	stream.linear.scatter [tilespmem:s24], [sflag:$0x6], $0x2800, $0x38;
	[tilespmem:$0x1DB80] =	vst v63  }
0x1b9: {  	_ =	swait.ge [sflag:s23], $0x2800  }
0x1ba: {  	v4 =	vmov v22;
	v22 =	vld [tilespmem:$0x1FF70]  }
0x1bb: {  	v17 =	vld [tilespmem:$0x1FF40]  }
0x1bc: {  	[sflag:s23] =	ssyncset.done $0x0;
	v18 =	vld [tilespmem:$0x1FF60]  }
0x1bd: {  	v59 =	vld [tilespmem:$0x1FED0];
	[sflag:s23] =	ssyncadd.s32 $0xFFFFD800  }
0x1be: {  	[tilespmem:$0xA2B0] =	vst v40  }
0x1bf: {  	[tilespmem:$0xA280] =	vst v22  }
0x1c0: {  	[tilespmem:$0xA290] =	vst v17  }
0x1c1: {  	[tilespmem:$0xA2A0] =	vst v18  }
0x1c2: {  	[tilespmem:$0xA2C0] =	vst v59  }
0x1c3: {  	[tilespmem:s24], [sflag:$0x6] =	stream.indirect.gather [spmem:s6], $0x80, s16, s25, $0xb8;
	[tilespmem:$0x1DB80] =	vst v63  }
0x1c4: {  	_ =	swait.ge [sflag:s23], $0x2800  }
0x1c5: {  	[sflag:s23] =	ssyncset.done $0x0  }
0x1c6: {  	s18 =	rddreg [dreg:$0xd];
	[sflag:s23] =	ssyncadd.s32 $0xFFFFD800  }
0x1c7: {  	[hbm4b:s18+s14] =	stream.linear.scatter [tilespmem:s24], [sflag:$0x6], $0x2800, $0x38;
	[tilespmem:$0x1DB80] =	vst v63  }
0x1c8: {  	_ =	swait.ge [sflag:s23], $0x2800  }
0x1c9: {  	v8 =	vmov v26;
	v26 =	vld [tilespmem:$0x1FFB0]  }
0x1ca: {  	v60 =	vld [tilespmem:$0x1FEE0]  }
0x1cb: {  	v61 =	vld [tilespmem:$0x1FEF0]  }
0x1cc: {  	[sflag:s23] =	ssyncset.done $0x0;
	v62 =	vld [tilespmem:$0x1FF00]  }
0x1cd: {  	v63 =	vld [tilespmem:$0x1FF10];
	[sflag:s23] =	ssyncadd.s32 $0xFFFFD800  }
0x1ce: {  	[tilespmem:$0xA280] =	vst v26  }
0x1cf: {  	[tilespmem:$0xA290] =	vst v60  }
0x1d0: {  	[tilespmem:$0xA2A0] =	vst v61  }
0x1d1: {  	[tilespmem:$0xA2B0] =	vst v62  }
0x1d2: {  	[tilespmem:$0xA2C0] =	vst v63  }
0x1d3: {  	[tilespmem:s24], [sflag:$0x6] =	stream.indirect.gather [spmem:s6], $0x80, s16, s25, $0xb8;
	[tilespmem:$0x1DB80] =	vst v63  }
0x1d4: {  	_ =	swait.ge [sflag:s23], $0x2800  }
0x1d5: {  	[sflag:s23] =	ssyncset.done $0x0  }
0x1d6: {  	s19 =	rddreg [dreg:$0xe];
	[sflag:s23] =	ssyncadd.s32 $0xFFFFD800  }
0x1d7: {  	[hbm4b:s19+s14] =	stream.linear.scatter [tilespmem:s24], [sflag:$0x6], $0x2800, $0x38;
	[tilespmem:$0x1DB80] =	vst v63  }
0x1d8: {  	_ =	swait.ge [sflag:s23], $0x2800  }
0x1d9: {  	v9 =	vmov v27;
	v27 =	vld [tilespmem:$0x1FFC0]  }
0x1da: {  	v0 =	vld [tilespmem:$0x1FF20]  }
0x1db: {  	v2 =	vmov v20;
	v20 =	vld [tilespmem:$0x1FF30]  }
0x1dc: {  	v3 =	vmov v21;
	[sflag:s23] =	ssyncset.done $0x0;
	v21 =	vld [tilespmem:$0x1FF50]  }
0x1dd: {  	v5 =	vmov v23;
	v23 =	vld [tilespmem:$0x1FF80];
	[sflag:s23] =	ssyncadd.s32 $0xFFFFD800  }
0x1de: {  	[tilespmem:$0xA280] =	vst v27  }
0x1df: {  	[tilespmem:$0xA290] =	vst v0  }
0x1e0: {  	[tilespmem:$0xA2A0] =	vst v20  }
0x1e1: {  	[tilespmem:$0xA2B0] =	vst v21  }
0x1e2: {  	[tilespmem:$0xA2C0] =	vst v23  }
0x1e3: {  	[tilespmem:s24], [sflag:$0x6] =	stream.indirect.gather [spmem:s6], $0x80, s16, s25, $0xb8;
	[tilespmem:$0x1DB80] =	vst v63  }
0x1e4: {  	_ =	swait.ge [sflag:s23], $0x2800  }
0x1e5: {  	[sflag:s23] =	ssyncset.done $0x0  }
0x1e6: {  	s20 =	rddreg [dreg:$0xf];
	[sflag:s23] =	ssyncadd.s32 $0xFFFFD800  }
0x1e7: {  	[hbm4b:s20+s14] =	stream.linear.scatter [tilespmem:s24], [sflag:$0x6], $0x2800, $0x38;
	[tilespmem:$0x1DB80] =	vst v63  }
0x1e8: {  	_ =	swait.ge [sflag:s23], $0x2800  }
0x1e9: {  	v10 =	vmov v28;
	v28 =	vld [tilespmem:$0x1FFD0]  }
0x1ea: {  	v6 =	vmov v24;
	v24 =	vld [tilespmem:$0x1FF90]  }
0x1eb: {  	v7 =	vmov v25;
	v25 =	vld [tilespmem:$0x1FFA0]  }
0x1ec: {  	v11 =	vmov v29;
	[sflag:s23] =	ssyncset.done $0x0;
	v29 =	vld [tilespmem:$0x1FFE0]  }
0x1ed: {  	v12 =	vmov v30;
	v30 =	vld [tilespmem:$0x1FFF0];
	[sflag:s23] =	ssyncadd.s32 $0xFFFFD800  }
0x1ee: {  	[tilespmem:$0xA280] =	vst v28  }
0x1ef: {  	[tilespmem:$0xA290] =	vst v24  }
0x1f0: {  	[tilespmem:$0xA2A0] =	vst v25  }
0x1f1: {  	[tilespmem:$0xA2B0] =	vst v29  }
0x1f2: {  	[tilespmem:$0xA2C0] =	vst v30  }
0x1f3: {  	[tilespmem:s24], [sflag:$0x6] =	stream.indirect.gather [spmem:s6], $0x80, s16, s25, $0xb8;
	[tilespmem:$0x1DB80] =	vst v63  }
0x1f4: {  	_ =	swait.ge [sflag:s23], $0x2800  }
0x1f5: {  	[sflag:s23] =	ssyncset.done $0x0  }
0x1f6: {  	s21 =	rddreg [dreg:$0x10];
	[sflag:s23] =	ssyncadd.s32 $0xFFFFD800  }
0x1f7: {  	[hbm4b:s21+s14] =	stream.linear.scatter [tilespmem:s24], [sflag:$0x6], $0x2800, $0x38;
	[tilespmem:$0x1DB80] =	vst v63  }
0x1f8: {  	_ =	swait.ge [sflag:s23], $0x2800  }
0x1f9: {  	s15 =	rddreg [dreg:$0x12]  }
0x1fa: {  	s26 =	rddreg [dreg:$0x11];
	s15 =	sadd.s32 $0x1, s15  }
0x1fb: {  	p0 =	sne.s32 s15, s26  }
.Ltmp5:
0x1fc: {  	_ = 	snop;
	(pc) =	sbr.rel @p0 .LBB2_1-.Ltmp5, $3  }
0x1fd: {  	_ =	sdelay $0x1  }
0x1fe: {  	v56 =	vmov v38;
	v1 =	vmov v19;
	v57 =	vmov v39;
	[sflag:s23] =	ssyncset.done $0x0  }
0x1ff: {  	v13 =	vmovc v31;
	v14 =	vmovc v32;
	v15 =	vmov v33;
	v16 =	vmov v34;
	v58 =	vmov v40;
	[sflag:s23] =	ssyncadd.s32 $0xFFFFD800  }
0x200: {  	_ =	sfence.sel $0x180000  }
0x201: {  	[bflag:$0x0] =	sbarrier.arrive $0xFFFF  }
0x202: {  	_ =	strace $0x90000047  }
0x203: {  	s0 =	stileid.u32;
	[bflag:$0x2] =	sbarrier.arrive $0xFFFF  }
0x204: {  	p0 =	sne.s32 s0, $0x0;
	s0 =	rddreg [dreg:$0x6]  }
0x205: {  	s0 =	sadd.s32 @!p0 $0x100000, s0  }
0x206: {  	[sflag:s0] =	ssyncadd.tile.s32 @!p0 $0x1;
	_ =	shalt  }
.Lfunc_end2:
_tile_overlayer_lowered:
.L_overlay_start_2:
0x207: {  	(tag) =	ssettag $0x2  }
0x208: {  	s0 =	rddreg [dreg:$0x0];
	s2 =	stileid.u32  }
0x209: {  	s1 =	rddreg [dreg:$0x1];
	p0 =	sne.s32 s2, $0x0  }
0x20a: {  	s3 =	rddreg [dreg:$0x2];
	[bflag:$0x3] =	sbarrier.arrive $0xFFFF;
	s2 =	simm.s32 @!p0 $0x1C06  }
0x20b: {  	[timem:s3], [sflag:s2] =	dma.local @!p0 [hbm:s0], s1  }
0x20c: {  	s0 =	simm.s32 @!p0 $0x6  }
0x20d: {  	_ =	swait.ge @!p0 [sflag:s0], s1  }
0x20e: {  	s1 =	ssub.s32 @!p0 $0x0, s1;
	[sflag:s0] =	ssyncset.done @!p0 $0x0  }
0x20f: {  	[sflag:s0] =	ssyncadd.s32 @!p0 s1  }
0x210: {  	[bflag:$0x3] =	sbarrier.arrive $0xFFFF  }
0x211: {  	_ =	shalt  }

</sc_bundles>
